<compile_context>
chip_gen: v7x
topology: tpu7x:2x2x1
jax: 0.10.2.dev20260603
libtpu: 0.0.44.dev20260713+nightly
codegen_flags: <defaults>
</compile_context>

<pallas_src>
import functools

import jax
import jax.numpy as jnp
from jax import lax
from jax.experimental import pallas as pl
from jax.experimental.pallas import tpu as pltpu
from jax.experimental.pallas import tpu_sc as plsc

N = 10000
D = 128
E = 320000
K = 3

NC = 2
NS = 16
NW = NC * NS
CH = 125
EPT = E // NW
NCHUNK = EPT // CH
BLK = 40
NBLK = NCHUNK // BLK
ROWS_PT = 624
TAIL_BASE = NS * ROWS_PT
TAIL_ROWS = N - TAIL_BASE
HR = 128

@functools.cache
def _sc_kernels():
    mesh = plsc.VectorSubcoreMesh(
        core_axis_name="c", subcore_axis_name="s",
        num_cores=NC, num_subcores=NS)
    deg = functools.partial(
        pl.kernel,
        out_type=jax.ShapeDtypeStruct((NC, HR, D), jnp.float32),
        mesh=mesh,
        compiler_params=pltpu.CompilerParams(needs_layout_passes=False),
        scratch_types=[
            pltpu.VMEM_SHARED((NS, HR, D), jnp.float32),
            pltpu.VMEM((HR, D), jnp.float32),
            pltpu.VMEM((BLK, CH), jnp.int32),
            pltpu.VMEM((8, D), jnp.float32),
            pltpu.VMEM((8, D), jnp.float32),
        ],
    )(_deg_body)
    spmv = functools.partial(
        pl.kernel,
        out_type=jax.ShapeDtypeStruct((NC, N, D), jnp.float32),
        mesh=mesh,
        scratch_types=[
            pltpu.VMEM_SHARED((N, D), jnp.float32),
            pltpu.VMEM((BLK, CH), jnp.int32),
            pltpu.VMEM((BLK, CH), jnp.int32),
            pltpu.VMEM((CH, D), jnp.float32),
            pltpu.VMEM((CH, D), jnp.float32),
            pltpu.SemaphoreType.DMA,
            pltpu.SemaphoreType.DMA,
            pltpu.SemaphoreType.DMA,
            pltpu.SemaphoreType.DMA,
        ],
    )(_spmv_body)
    return deg, spmv


def _deg_body(dst_hbm, out_hbm, staging, hist_v, idx_v, red_v, tmp_v):
    c = lax.axis_index("c")
    s = lax.axis_index("s")
    w = s * NC + c
    zero16 = jnp.zeros((16,), jnp.float32)
    one16 = jnp.ones((16,), jnp.float32)
    tail_mask = lax.iota(jnp.int32, 16) >= (16 - (CH - (CH // 16) * 16))

    def zrow(r, carry):
        for k in range(D // 16):
            hist_v[r, pl.ds(k * 16, 16)] = zero16
        return carry

    lax.fori_loop(0, HR, zrow, 0)

    def blk_body(b, carry):
        pltpu.sync_copy(dst_hbm.at[w, b], idx_v)

        def row_body(r, carry2):
            for k in range(CH // 16 + 1):
                start = k * 16 if (k + 1) * 16 <= CH else CH - 16
                idx16 = idx_v[r, pl.ds(start, 16)]
                rr = lax.shift_right_logical(idx16, 7)
                cc = jnp.bitwise_and(idx16, 127)
                if (k + 1) * 16 <= CH:
                    plsc.addupdate_scatter(hist_v, [rr, cc], one16)
                else:
                    plsc.addupdate_scatter(hist_v, [rr, cc], one16,
                                           mask=tail_mask)
            return carry2

        return lax.fori_loop(0, BLK, row_body, carry)

    lax.fori_loop(0, NBLK, blk_body, 0)
    pltpu.sync_copy(hist_v, staging.at[s])
    plsc.subcore_barrier()

    rbase = pl.multiple_of(s * 8, 8)

    def zred(r, carry):
        for k in range(D // 16):
            red_v[r, pl.ds(k * 16, 16)] = zero16
        return carry

    lax.fori_loop(0, 8, zred, 0)

    def tred(t, carry):
        pltpu.sync_copy(staging.at[t, pl.ds(rbase, 8)], tmp_v)

        def arow(r, carry2):
            for k in range(D // 16):
                sl = pl.ds(k * 16, 16)
                red_v[r, sl] = red_v[r, sl] + tmp_v[r, sl]
            return carry2

        return lax.fori_loop(0, 8, arow, carry)

    lax.fori_loop(0, NS, tred, 0)
    pltpu.sync_copy(red_v, out_hbm.at[c, pl.ds(rbase, 8)])


def _spmv_body(src_hbm, dst_hbm, table_hbm, out_hbm,
               acc, sidx_v, didx_v, rows0_v, rows1_v,
               sem_g0, sem_g1, sem_s0, sem_s1):
    c = lax.axis_index("c")
    s = lax.axis_index("s")
    w = s * NC + c
    zero16 = jnp.zeros((16,), jnp.float32)

    def zrow(r, carry):
        for k in range(D // 16):
            rows0_v[r, pl.ds(k * 16, 16)] = zero16
        return carry

    lax.fori_loop(0, CH, zrow, 0)
    base = pl.multiple_of(s * ROWS_PT, 8)
    for p in range(ROWS_PT // 104):
        pltpu.sync_copy(rows0_v.at[pl.ds(0, 104)],
                        acc.at[pl.ds(base + p * 104, 104)])

    @pl.when(s == NS - 1)
    def _():
        pltpu.sync_copy(rows0_v.at[pl.ds(0, TAIL_ROWS)],
                        acc.at[pl.ds(TAIL_BASE, TAIL_ROWS)])

    plsc.subcore_barrier()

    def blk_body(b, carry):
        pltpu.sync_copy(src_hbm.at[w, b], sidx_v)
        pltpu.sync_copy(dst_hbm.at[w, b], didx_v)
        pltpu.async_copy(table_hbm.at[sidx_v.at[0]], rows0_v, sem_g0)

        def body(jj, carry2):
            j = 2 * jj
            pltpu.make_async_copy(
                table_hbm.at[sidx_v.at[j]], rows0_v, sem_g0).wait()
            pltpu.async_copy(table_hbm.at[sidx_v.at[j + 1]], rows1_v, sem_g1)
            pltpu.sync_copy(rows0_v, acc.at[didx_v.at[j]], add=True)
            pltpu.make_async_copy(
                table_hbm.at[sidx_v.at[j + 1]], rows1_v, sem_g1).wait()

            @pl.when(jj < BLK // 2 - 1)
            def _():
                pltpu.async_copy(
                    table_hbm.at[sidx_v.at[j + 2]], rows0_v, sem_g0)

            pltpu.sync_copy(rows1_v, acc.at[didx_v.at[j + 1]], add=True)
            return carry2

        return lax.fori_loop(0, BLK // 2, body, carry)

    lax.fori_loop(0, NBLK, blk_body, 0)
    plsc.subcore_barrier()
    pltpu.sync_copy(acc.at[pl.ds(base, ROWS_PT)],
                    out_hbm.at[c, pl.ds(base, ROWS_PT)])

    @pl.when(s == NS - 1)
    def _():
        pltpu.sync_copy(acc.at[pl.ds(TAIL_BASE, TAIL_ROWS)],
                        out_hbm.at[c, pl.ds(TAIL_BASE, TAIL_ROWS)])


R = 1000
G = N // R


def _dinv_of(degp_ref):
    deg = degp_ref[0] + degp_ref[1]
    return lax.rsqrt(jnp.maximum(deg, 1.0))


def _scale_body(degp_ref, x_ref, g1_ref):
    g1_ref[...] = x_ref[...] * _dinv_of(degp_ref)


_scale = pl.pallas_call(
    _scale_body,
    grid=(G,),
    in_specs=[
        pl.BlockSpec((NC, R, 1), lambda i: (0, i, 0)),
        pl.BlockSpec((R, D), lambda i: (i, 0)),
    ],
    out_specs=pl.BlockSpec((R, D), lambda i: (i, 0)),
    out_shape=jax.ShapeDtypeStruct((N, D), jnp.float32),
)


def _mid_body(degp_ref, s1p_ref, tx1_ref, g2_ref):
    dinv = _dinv_of(degp_ref)
    s1 = s1p_ref[0] + s1p_ref[1]
    tx1 = -dinv * s1
    tx1_ref[...] = tx1
    g2_ref[...] = dinv * tx1


_mid = pl.pallas_call(
    _mid_body,
    grid=(G,),
    in_specs=[
        pl.BlockSpec((NC, R, 1), lambda i: (0, i, 0)),
        pl.BlockSpec((NC, R, D), lambda i: (0, i, 0)),
    ],
    out_specs=[
        pl.BlockSpec((R, D), lambda i: (i, 0)),
        pl.BlockSpec((R, D), lambda i: (i, 0)),
    ],
    out_shape=[
        jax.ShapeDtypeStruct((N, D), jnp.float32),
        jax.ShapeDtypeStruct((N, D), jnp.float32),
    ],
)


def _final_body(degp_ref, x_ref, tx1_ref, s2p_ref, fc_ref, w_ref, b_ref,
                out_ref):
    dinv = _dinv_of(degp_ref)
    tx2 = (-2.0 * dinv) * (s2p_ref[0] + s2p_ref[1]) - x_ref[...]
    dot = functools.partial(jnp.dot, preferred_element_type=jnp.float32,
                            precision=lax.Precision.HIGHEST)
    acc = dot(fc_ref[0] * x_ref[...], w_ref[0])
    acc += dot(fc_ref[1] * tx1_ref[...], w_ref[1])
    acc += dot(fc_ref[2] * tx2, w_ref[2])
    out_ref[...] = acc + b_ref[...]


_final = pl.pallas_call(
    _final_body,
    grid=(G,),
    in_specs=[
        pl.BlockSpec((NC, R, 1), lambda i: (0, i, 0)),
        pl.BlockSpec((R, D), lambda i: (i, 0)),
        pl.BlockSpec((R, D), lambda i: (i, 0)),
        pl.BlockSpec((NC, R, D), lambda i: (0, i, 0)),
        pl.BlockSpec((K, R, 1), lambda i: (0, i, 0)),
        pl.BlockSpec((K, D, D), lambda i: (0, 0, 0)),
        pl.BlockSpec((1, D), lambda i: (0, 0)),
    ],
    out_specs=pl.BlockSpec((R, D), lambda i: (i, 0)),
    out_shape=jax.ShapeDtypeStruct((N, D), jnp.float32),
)


def kernel(x, edge_index, filter_coeff, W, b):
    src2 = edge_index[0].reshape(NW, NBLK, BLK, CH)
    dst2 = edge_index[1].reshape(NW, NBLK, BLK, CH)

    deg_kernel, spmv_kernel = _sc_kernels()
    degp = deg_kernel(dst2).reshape(NC, HR * D)[:, :N].reshape(NC, N, 1)
    g1 = _scale(degp, x)
    s1p = spmv_kernel(src2, dst2, g1)
    tx1, g2 = _mid(degp, s1p)
    s2p = spmv_kernel(src2, dst2, g2)
    out = _final(degp, x, tx1, s2p, filter_coeff.reshape(K, N, 1), W,
                 b.reshape(1, D))
    return out

# --- scband reference (transcript-rebuilt; emitter-appended) ---
"""Pipeline reference for scband-graphi-t-spectra-lspe-layer-17703855194488 (READ-ONLY COPY).

The authoritative reference and input builder live on the scoring server;
editing this copy changes nothing except your own understanding.
"""

import jax, jax.numpy as jnp
import numpy as np

N = 10000
D = 128
K = 3
E = 320000


def setup_inputs(seed: int = 0) -> dict:
    key = jax.random.key(seed)
    k1, k2, k3, k4 = jax.random.split(key, 4)
    x = jax.random.normal(k1, (N, D), dtype=jnp.float32)
    edge_index = jax.random.randint(k2, (2, E), 0, N)
    filter_coeff = jax.random.uniform(k3, (K, N), dtype=jnp.float32)
    # glorot init for Chebyshev weight [K, in, out]
    stdv = float(np.sqrt(6.0 / (D + D)))
    W = jax.random.uniform(k4, (K, D, D), minval=-stdv, maxval=stdv, dtype=jnp.float32)
    b = jnp.zeros((D,), dtype=jnp.float32)
    return {"x": x, "edge_index": edge_index, "filter_coeff": filter_coeff, "W": W, "b": b}


def reference(x, edge_index, filter_coeff, W, b):
    src = edge_index[0]
    dst = edge_index[1]
    # in-degrees of original graph, clipped to >= 1 (as in get_laplacian_sp)
    deg = jax.ops.segment_sum(jnp.ones((E,), dtype=jnp.float32), dst, num_segments=N)
    deg = jnp.clip(deg, 1.0, None)
    dinv = deg ** -0.5
    # scaled Laplacian L_hat = 2*(I - N A N)/lambda_max - I with lambda_max=2 -> -N A N (off-diagonal)
    w = -(dinv[src] * dinv[dst])

    def spmv(h):
        # cheb_msg2 + cheb_reduce: out[v] = sum_{(u->v)} w_e * h[u]
        return jax.ops.segment_sum(h[src] * w[:, None], dst, num_segments=N)

    Tx0 = x
    out = jnp.matmul(filter_coeff[0][:, None] * Tx0, W[0])
    Tx1 = spmv(x)
    out = out + jnp.matmul(filter_coeff[1][:, None] * Tx1, W[1])
    for k in range(2, K):
        Tx2 = 2.0 * spmv(Tx1) - Tx0
        out = out + jnp.matmul(filter_coeff[k][:, None] * Tx2, W[k])
        Tx0, Tx1 = Tx1, Tx2
    out = out + b
    return out

if __name__ == "__main__":
    import jax
    _d = setup_inputs()
    print(jax.jit(kernel)(*tuple(_d.values())))

</pallas_src>

<mosaic_0001>
#map = affine_map<(d0, d1) -> (0, 0, 0, 0)>
#map1 = affine_map<(d0, d1) -> (0, 0)>
#map2 = affine_map<(d0, d1) -> (0, 0, 0)>
module attributes {stable_mosaic.version = 14 : i64} {
  func.func @_spmv_body(%arg0: i32, %arg1: i32, %arg2: memref<32x2x40x125xi32, #tpu.memory_space<hbm>>, %arg3: memref<32x2x40x125xi32, #tpu.memory_space<hbm>>, %arg4: memref<10000x128xf32, #tpu.memory_space<hbm>>, %arg5: memref<2x10000x128xf32, #tpu.memory_space<hbm>>, %arg6: memref<10000x128xf32, #tpu.memory_space<vmem_shared>>, %arg7: memref<40x125xi32, #tpu.memory_space<vmem>>, %arg8: memref<40x125xi32, #tpu.memory_space<vmem>>, %arg9: memref<125x128xf32, #tpu.memory_space<vmem>>, %arg10: memref<125x128xf32, #tpu.memory_space<vmem>>, %arg11: memref<!tpu.dma_semaphore, #tpu.memory_space<semaphore_mem>>, %arg12: memref<!tpu.dma_semaphore, #tpu.memory_space<semaphore_mem>>, %arg13: memref<!tpu.dma_semaphore, #tpu.memory_space<semaphore_mem>>, %arg14: memref<!tpu.dma_semaphore, #tpu.memory_space<semaphore_mem>>) attributes {dimension_semantics = [#tpu.dimension_semantics<core_parallel>, #tpu.dimension_semantics<subcore_parallel>], iteration_bounds = array<i64: 2, 16>, scalar_prefetch = 0 : i64, scratch_operands = 9 : i64, tpu.core_type = #tpu.core_type<sc_vector_subcore>, window_params = [{transform_indices = #map}, {transform_indices = #map}, {transform_indices = #map1}, {transform_indices = #map2}]} {
    %mul3A = arith.constant 2 : i32
    %mul3A_0 = arith.muli %arg1, %mul3A : i32
    %add3A = arith.addi %mul3A_0, %arg0 : i32
    %broadcast_in_dim3A = arith.constant 0.000000e+00 : f32
    %broadcast_in_dim3A_1 = vector.broadcast %broadcast_in_dim3A : f32 to vector<16xf32>
    %scan3A = arith.constant 0 : i32
    %scan3A_2 = arith.constant 0 : i32
    %scan3A_3 = arith.constant 125 : i32
    %scan3A_4 = arith.addi %scan3A_2, %scan3A_3 : i32
    %scan3A_5 = arith.constant 1 : i32
    scf.for %scan3A_35 = %scan3A_2 to %scan3A_4 step %scan3A_5  : i32 {
      %swap3A = arith.index_cast %scan3A_35 : i32 to index
      %swap3A_36 = arith.constant 0 : index
      %swap3A_37 = tpu.vector_load %arg9[%swap3A, %swap3A_36] {strides = array<i32>} : memref<125x128xf32, #tpu.memory_space<vmem>>, vector<1x16xf32>,
      %swap3A_38 = vector.shape_cast %swap3A_37 : vector<1x16xf32> to vector<16xf32>
      %swap3A_39 = vector.shape_cast %broadcast_in_dim3A_1 : vector<16xf32> to vector<1x16xf32>
      tpu.vector_store %arg9[%swap3A, %swap3A_36], %swap3A_39 {strides = array<i32>} : memref<125x128xf32, #tpu.memory_space<vmem>>, vector<1x16xf32>,
      %swap3A_40 = arith.index_cast %scan3A_35 : i32 to index
      %swap3A_41 = arith.constant 16 : index
      %swap3A_42 = tpu.vector_load %arg9[%swap3A_40, %swap3A_41] {strides = array<i32>} : memref<125x128xf32, #tpu.memory_space<vmem>>, vector<1x16xf32>,
      %swap3A_43 = vector.shape_cast %swap3A_42 : vector<1x16xf32> to vector<16xf32>
      %swap3A_44 = vector.shape_cast %broadcast_in_dim3A_1 : vector<16xf32> to vector<1x16xf32>
      tpu.vector_store %arg9[%swap3A_40, %swap3A_41], %swap3A_44 {strides = array<i32>} : memref<125x128xf32, #tpu.memory_space<vmem>>, vector<1x16xf32>,
      %swap3A_45 = arith.index_cast %scan3A_35 : i32 to index
      %swap3A_46 = arith.constant 32 : index
      %swap3A_47 = tpu.vector_load %arg9[%swap3A_45, %swap3A_46] {strides = array<i32>} : memref<125x128xf32, #tpu.memory_space<vmem>>, vector<1x16xf32>,
      %swap3A_48 = vector.shape_cast %swap3A_47 : vector<1x16xf32> to vector<16xf32>
      %swap3A_49 = vector.shape_cast %broadcast_in_dim3A_1 : vector<16xf32> to vector<1x16xf32>
      tpu.vector_store %arg9[%swap3A_45, %swap3A_46], %swap3A_49 {strides = array<i32>} : memref<125x128xf32, #tpu.memory_space<vmem>>, vector<1x16xf32>,
      %swap3A_50 = arith.index_cast %scan3A_35 : i32 to index
      %swap3A_51 = arith.constant 48 : index
      %swap3A_52 = tpu.vector_load %arg9[%swap3A_50, %swap3A_51] {strides = array<i32>} : memref<125x128xf32, #tpu.memory_space<vmem>>, vector<1x16xf32>,
      %swap3A_53 = vector.shape_cast %swap3A_52 : vector<1x16xf32> to vector<16xf32>
      %swap3A_54 = vector.shape_cast %broadcast_in_dim3A_1 : vector<16xf32> to vector<1x16xf32>
      tpu.vector_store %arg9[%swap3A_50, %swap3A_51], %swap3A_54 {strides = array<i32>} : memref<125x128xf32, #tpu.memory_space<vmem>>, vector<1x16xf32>,
      %swap3A_55 = arith.index_cast %scan3A_35 : i32 to index
      %swap3A_56 = arith.constant 64 : index
      %swap3A_57 = tpu.vector_load %arg9[%swap3A_55, %swap3A_56] {strides = array<i32>} : memref<125x128xf32, #tpu.memory_space<vmem>>, vector<1x16xf32>,
      %swap3A_58 = vector.shape_cast %swap3A_57 : vector<1x16xf32> to vector<16xf32>
      %swap3A_59 = vector.shape_cast %broadcast_in_dim3A_1 : vector<16xf32> to vector<1x16xf32>
      tpu.vector_store %arg9[%swap3A_55, %swap3A_56], %swap3A_59 {strides = array<i32>} : memref<125x128xf32, #tpu.memory_space<vmem>>, vector<1x16xf32>,
      %swap3A_60 = arith.index_cast %scan3A_35 : i32 to index
      %swap3A_61 = arith.constant 80 : index
      %swap3A_62 = tpu.vector_load %arg9[%swap3A_60, %swap3A_61] {strides = array<i32>} : memref<125x128xf32, #tpu.memory_space<vmem>>, vector<1x16xf32>,
      %swap3A_63 = vector.shape_cast %swap3A_62 : vector<1x16xf32> to vector<16xf32>
      %swap3A_64 = vector.shape_cast %broadcast_in_dim3A_1 : vector<16xf32> to vector<1x16xf32>
      tpu.vector_store %arg9[%swap3A_60, %swap3A_61], %swap3A_64 {strides = array<i32>} : memref<125x128xf32, #tpu.memory_space<vmem>>, vector<1x16xf32>,
      %swap3A_65 = arith.index_cast %scan3A_35 : i32 to index
      %swap3A_66 = arith.constant 96 : index
      %swap3A_67 = tpu.vector_load %arg9[%swap3A_65, %swap3A_66] {strides = array<i32>} : memref<125x128xf32, #tpu.memory_space<vmem>>, vector<1x16xf32>,
      %swap3A_68 = vector.shape_cast %swap3A_67 : vector<1x16xf32> to vector<16xf32>
      %swap3A_69 = vector.shape_cast %broadcast_in_dim3A_1 : vector<16xf32> to vector<1x16xf32>
      tpu.vector_store %arg9[%swap3A_65, %swap3A_66], %swap3A_69 {strides = array<i32>} : memref<125x128xf32, #tpu.memory_space<vmem>>, vector<1x16xf32>,
      %swap3A_70 = arith.index_cast %scan3A_35 : i32 to index
      %swap3A_71 = arith.constant 112 : index
      %swap3A_72 = tpu.vector_load %arg9[%swap3A_70, %swap3A_71] {strides = array<i32>} : memref<125x128xf32, #tpu.memory_space<vmem>>, vector<1x16xf32>,
      %swap3A_73 = vector.shape_cast %swap3A_72 : vector<1x16xf32> to vector<16xf32>
      %swap3A_74 = vector.shape_cast %broadcast_in_dim3A_1 : vector<16xf32> to vector<1x16xf32>
      tpu.vector_store %arg9[%swap3A_70, %swap3A_71], %swap3A_74 {strides = array<i32>} : memref<125x128xf32, #tpu.memory_space<vmem>>, vector<1x16xf32>,
    }
    %scan3A_6 = arith.constant 125 : i32
    %mul3A_7 = arith.constant 624 : i32
    %mul3A_8 = arith.muli %arg1, %mul3A_7 : i32
    %multiple_of3A = tpu.assume_multiple %mul3A_8, 8 : i32
    %add3A_9 = arith.constant 0 : i32
    %add3A_10 = arith.addi %multiple_of3A, %add3A_9 : i32
    "tpu.region"() ({
      %run_scoped3A = tpu.sem_alloc : memref<!tpu.dma_semaphore, #tpu.memory_space<semaphore_mem>>
      %dma_start3A = arith.constant 0 : i32
      %dma_start3A_35 = arith.constant 0 : i32
      %dma_start3A_36 = tpu.memref_slice %arg9[%dma_start3A, %dma_start3A_35] : memref<125x128xf32, #tpu.memory_space<vmem>> -> memref<104x128xf32, #tpu.memory_space<vmem>>
      %dma_start3A_37 = arith.constant 0 : i32
      %dma_start3A_38 = tpu.memref_slice %arg6[%add3A_10, %dma_start3A_37] : memref<10000x128xf32, #tpu.memory_space<vmem_shared>> -> memref<104x128xf32, #tpu.memory_space<vmem_shared>>
      %dma_start3A_39 = arith.constant 0 : i32
      %dma_start3A_40 = tpu.memref_slice %arg6[%add3A_10, %dma_start3A_39] : memref<10000x128xf32, #tpu.memory_space<vmem_shared>> -> memref<104x128xf32, #tpu.memory_space<vmem_shared>>
      %dma_start3A_41 = arith.constant 0 : i32
      %dma_start3A_42 = arith.constant 0 : i32
      %dma_start3A_43 = tpu.memref_slice %arg9[%dma_start3A_41, %dma_start3A_42] : memref<125x128xf32, #tpu.memory_space<vmem>> -> memref<104x128xf32, #tpu.memory_space<vmem>>
      tpu.enqueue_dma source(%dma_start3A_43 : memref<104x128xf32, #tpu.memory_space<vmem>>) target(%dma_start3A_40 : memref<104x128xf32, #tpu.memory_space<vmem_shared>>) target_semaphore(%run_scoped3A : memref<!tpu.dma_semaphore, #tpu.memory_space<semaphore_mem>>)
      %dma_wait3A = arith.constant 0 : i32
      %dma_wait3A_44 = arith.constant 0 : i32
      %dma_wait3A_45 = tpu.memref_slice %arg9[%dma_wait3A, %dma_wait3A_44] : memref<125x128xf32, #tpu.memory_space<vmem>> -> memref<104x128xf32, #tpu.memory_space<vmem>>
      %dma_wait3A_46 = arith.constant 0 : i32
      %dma_wait3A_47 = tpu.memref_slice %arg6[%add3A_10, %dma_wait3A_46] : memref<10000x128xf32, #tpu.memory_space<vmem_shared>> -> memref<104x128xf32, #tpu.memory_space<vmem_shared>>
      %dma_wait3A_48 = arith.constant 0 : i32
      %dma_wait3A_49 = tpu.memref_slice %arg6[%add3A_10, %dma_wait3A_48] : memref<10000x128xf32, #tpu.memory_space<vmem_shared>> -> memref<104x128xf32, #tpu.memory_space<vmem_shared>>
      %dma_wait3A_50 = arith.constant 0 : i32
      %dma_wait3A_51 = arith.constant 0 : i32
      %dma_wait3A_52 = tpu.memref_slice %arg9[%dma_wait3A_50, %dma_wait3A_51] : memref<125x128xf32, #tpu.memory_space<vmem>> -> memref<104x128xf32, #tpu.memory_space<vmem>>
      tpu.wait_dma2 semaphore(%run_scoped3A : memref<!tpu.dma_semaphore, #tpu.memory_space<semaphore_mem>>) src(%dma_wait3A_52 : memref<104x128xf32, #tpu.memory_space<vmem>>) dst(%dma_wait3A_49 : memref<104x128xf32, #tpu.memory_space<vmem_shared>>)
      tpu.yield
    }) : () -> ()
    %add3A_11 = arith.constant 104 : i32
    %add3A_12 = arith.addi %multiple_of3A, %add3A_11 : i32
    "tpu.region"() ({
      %run_scoped3A = tpu.sem_alloc : memref<!tpu.dma_semaphore, #tpu.memory_space<semaphore_mem>>
      %dma_start3A = arith.constant 0 : i32
      %dma_start3A_35 = arith.constant 0 : i32
      %dma_start3A_36 = tpu.memref_slice %arg9[%dma_start3A, %dma_start3A_35] : memref<125x128xf32, #tpu.memory_space<vmem>> -> memref<104x128xf32, #tpu.memory_space<vmem>>
      %dma_start3A_37 = arith.constant 0 : i32
      %dma_start3A_38 = tpu.memref_slice %arg6[%add3A_12, %dma_start3A_37] : memref<10000x128xf32, #tpu.memory_space<vmem_shared>> -> memref<104x128xf32, #tpu.memory_space<vmem_shared>>
      %dma_start3A_39 = arith.constant 0 : i32
      %dma_start3A_40 = tpu.memref_slice %arg6[%add3A_12, %dma_start3A_39] : memref<10000x128xf32, #tpu.memory_space<vmem_shared>> -> memref<104x128xf32, #tpu.memory_space<vmem_shared>>
      %dma_start3A_41 = arith.constant 0 : i32
      %dma_start3A_42 = arith.constant 0 : i32
      %dma_start3A_43 = tpu.memref_slice %arg9[%dma_start3A_41, %dma_start3A_42] : memref<125x128xf32, #tpu.memory_space<vmem>> -> memref<104x128xf32, #tpu.memory_space<vmem>>
      tpu.enqueue_dma source(%dma_start3A_43 : memref<104x128xf32, #tpu.memory_space<vmem>>) target(%dma_start3A_40 : memref<104x128xf32, #tpu.memory_space<vmem_shared>>) target_semaphore(%run_scoped3A : memref<!tpu.dma_semaphore, #tpu.memory_space<semaphore_mem>>)
      %dma_wait3A = arith.constant 0 : i32
      %dma_wait3A_44 = arith.constant 0 : i32
      %dma_wait3A_45 = tpu.memref_slice %arg9[%dma_wait3A, %dma_wait3A_44] : memref<125x128xf32, #tpu.memory_space<vmem>> -> memref<104x128xf32, #tpu.memory_space<vmem>>
      %dma_wait3A_46 = arith.constant 0 : i32
      %dma_wait3A_47 = tpu.memref_slice %arg6[%add3A_12, %dma_wait3A_46] : memref<10000x128xf32, #tpu.memory_space<vmem_shared>> -> memref<104x128xf32, #tpu.memory_space<vmem_shared>>
      %dma_wait3A_48 = arith.constant 0 : i32
      %dma_wait3A_49 = tpu.memref_slice %arg6[%add3A_12, %dma_wait3A_48] : memref<10000x128xf32, #tpu.memory_space<vmem_shared>> -> memref<104x128xf32, #tpu.memory_space<vmem_shared>>
      %dma_wait3A_50 = arith.constant 0 : i32
      %dma_wait3A_51 = arith.constant 0 : i32
      %dma_wait3A_52 = tpu.memref_slice %arg9[%dma_wait3A_50, %dma_wait3A_51] : memref<125x128xf32, #tpu.memory_space<vmem>> -> memref<104x128xf32, #tpu.memory_space<vmem>>
      tpu.wait_dma2 semaphore(%run_scoped3A : memref<!tpu.dma_semaphore, #tpu.memory_space<semaphore_mem>>) src(%dma_wait3A_52 : memref<104x128xf32, #tpu.memory_space<vmem>>) dst(%dma_wait3A_49 : memref<104x128xf32, #tpu.memory_space<vmem_shared>>)
      tpu.yield
    }) : () -> ()
    %add3A_13 = arith.constant 208 : i32
    %add3A_14 = arith.addi %multiple_of3A, %add3A_13 : i32
    "tpu.region"() ({
      %run_scoped3A = tpu.sem_alloc : memref<!tpu.dma_semaphore, #tpu.memory_space<semaphore_mem>>
      %dma_start3A = arith.constant 0 : i32
      %dma_start3A_35 = arith.constant 0 : i32
      %dma_start3A_36 = tpu.memref_slice %arg9[%dma_start3A, %dma_start3A_35] : memref<125x128xf32, #tpu.memory_space<vmem>> -> memref<104x128xf32, #tpu.memory_space<vmem>>
      %dma_start3A_37 = arith.constant 0 : i32
      %dma_start3A_38 = tpu.memref_slice %arg6[%add3A_14, %dma_start3A_37] : memref<10000x128xf32, #tpu.memory_space<vmem_shared>> -> memref<104x128xf32, #tpu.memory_space<vmem_shared>>
      %dma_start3A_39 = arith.constant 0 : i32
      %dma_start3A_40 = tpu.memref_slice %arg6[%add3A_14, %dma_start3A_39] : memref<10000x128xf32, #tpu.memory_space<vmem_shared>> -> memref<104x128xf32, #tpu.memory_space<vmem_shared>>
      %dma_start3A_41 = arith.constant 0 : i32
      %dma_start3A_42 = arith.constant 0 : i32
      %dma_start3A_43 = tpu.memref_slice %arg9[%dma_start3A_41, %dma_start3A_42] : memref<125x128xf32, #tpu.memory_space<vmem>> -> memref<104x128xf32, #tpu.memory_space<vmem>>
      tpu.enqueue_dma source(%dma_start3A_43 : memref<104x128xf32, #tpu.memory_space<vmem>>) target(%dma_start3A_40 : memref<104x128xf32, #tpu.memory_space<vmem_shared>>) target_semaphore(%run_scoped3A : memref<!tpu.dma_semaphore, #tpu.memory_space<semaphore_mem>>)
      %dma_wait3A = arith.constant 0 : i32
      %dma_wait3A_44 = arith.constant 0 : i32
      %dma_wait3A_45 = tpu.memref_slice %arg9[%dma_wait3A, %dma_wait3A_44] : memref<125x128xf32, #tpu.memory_space<vmem>> -> memref<104x128xf32, #tpu.memory_space<vmem>>
      %dma_wait3A_46 = arith.constant 0 : i32
      %dma_wait3A_47 = tpu.memref_slice %arg6[%add3A_14, %dma_wait3A_46] : memref<10000x128xf32, #tpu.memory_space<vmem_shared>> -> memref<104x128xf32, #tpu.memory_space<vmem_shared>>
      %dma_wait3A_48 = arith.constant 0 : i32
      %dma_wait3A_49 = tpu.memref_slice %arg6[%add3A_14, %dma_wait3A_48] : memref<10000x128xf32, #tpu.memory_space<vmem_shared>> -> memref<104x128xf32, #tpu.memory_space<vmem_shared>>
      %dma_wait3A_50 = arith.constant 0 : i32
      %dma_wait3A_51 = arith.constant 0 : i32
      %dma_wait3A_52 = tpu.memref_slice %arg9[%dma_wait3A_50, %dma_wait3A_51] : memref<125x128xf32, #tpu.memory_space<vmem>> -> memref<104x128xf32, #tpu.memory_space<vmem>>
      tpu.wait_dma2 semaphore(%run_scoped3A : memref<!tpu.dma_semaphore, #tpu.memory_space<semaphore_mem>>) src(%dma_wait3A_52 : memref<104x128xf32, #tpu.memory_space<vmem>>) dst(%dma_wait3A_49 : memref<104x128xf32, #tpu.memory_space<vmem_shared>>)
      tpu.yield
    }) : () -> ()
    %add3A_15 = arith.constant 312 : i32
    %add3A_16 = arith.addi %multiple_of3A, %add3A_15 : i32
    "tpu.region"() ({
      %run_scoped3A = tpu.sem_alloc : memref<!tpu.dma_semaphore, #tpu.memory_space<semaphore_mem>>
      %dma_start3A = arith.constant 0 : i32
      %dma_start3A_35 = arith.constant 0 : i32
      %dma_start3A_36 = tpu.memref_slice %arg9[%dma_start3A, %dma_start3A_35] : memref<125x128xf32, #tpu.memory_space<vmem>> -> memref<104x128xf32, #tpu.memory_space<vmem>>
      %dma_start3A_37 = arith.constant 0 : i32
      %dma_start3A_38 = tpu.memref_slice %arg6[%add3A_16, %dma_start3A_37] : memref<10000x128xf32, #tpu.memory_space<vmem_shared>> -> memref<104x128xf32, #tpu.memory_space<vmem_shared>>
      %dma_start3A_39 = arith.constant 0 : i32
      %dma_start3A_40 = tpu.memref_slice %arg6[%add3A_16, %dma_start3A_39] : memref<10000x128xf32, #tpu.memory_space<vmem_shared>> -> memref<104x128xf32, #tpu.memory_space<vmem_shared>>
      %dma_start3A_41 = arith.constant 0 : i32
      %dma_start3A_42 = arith.constant 0 : i32
      %dma_start3A_43 = tpu.memref_slice %arg9[%dma_start3A_41, %dma_start3A_42] : memref<125x128xf32, #tpu.memory_space<vmem>> -> memref<104x128xf32, #tpu.memory_space<vmem>>
      tpu.enqueue_dma source(%dma_start3A_43 : memref<104x128xf32, #tpu.memory_space<vmem>>) target(%dma_start3A_40 : memref<104x128xf32, #tpu.memory_space<vmem_shared>>) target_semaphore(%run_scoped3A : memref<!tpu.dma_semaphore, #tpu.memory_space<semaphore_mem>>)
      %dma_wait3A = arith.constant 0 : i32
      %dma_wait3A_44 = arith.constant 0 : i32
      %dma_wait3A_45 = tpu.memref_slice %arg9[%dma_wait3A, %dma_wait3A_44] : memref<125x128xf32, #tpu.memory_space<vmem>> -> memref<104x128xf32, #tpu.memory_space<vmem>>
      %dma_wait3A_46 = arith.constant 0 : i32
      %dma_wait3A_47 = tpu.memref_slice %arg6[%add3A_16, %dma_wait3A_46] : memref<10000x128xf32, #tpu.memory_space<vmem_shared>> -> memref<104x128xf32, #tpu.memory_space<vmem_shared>>
      %dma_wait3A_48 = arith.constant 0 : i32
      %dma_wait3A_49 = tpu.memref_slice %arg6[%add3A_16, %dma_wait3A_48] : memref<10000x128xf32, #tpu.memory_space<vmem_shared>> -> memref<104x128xf32, #tpu.memory_space<vmem_shared>>
      %dma_wait3A_50 = arith.constant 0 : i32
      %dma_wait3A_51 = arith.constant 0 : i32
      %dma_wait3A_52 = tpu.memref_slice %arg9[%dma_wait3A_50, %dma_wait3A_51] : memref<125x128xf32, #tpu.memory_space<vmem>> -> memref<104x128xf32, #tpu.memory_space<vmem>>
      tpu.wait_dma2 semaphore(%run_scoped3A : memref<!tpu.dma_semaphore, #tpu.memory_space<semaphore_mem>>) src(%dma_wait3A_52 : memref<104x128xf32, #tpu.memory_space<vmem>>) dst(%dma_wait3A_49 : memref<104x128xf32, #tpu.memory_space<vmem_shared>>)
      tpu.yield
    }) : () -> ()
    %add3A_17 = arith.constant 416 : i32
    %add3A_18 = arith.addi %multiple_of3A, %add3A_17 : i32
    "tpu.region"() ({
      %run_scoped3A = tpu.sem_alloc : memref<!tpu.dma_semaphore, #tpu.memory_space<semaphore_mem>>
      %dma_start3A = arith.constant 0 : i32
      %dma_start3A_35 = arith.constant 0 : i32
      %dma_start3A_36 = tpu.memref_slice %arg9[%dma_start3A, %dma_start3A_35] : memref<125x128xf32, #tpu.memory_space<vmem>> -> memref<104x128xf32, #tpu.memory_space<vmem>>
      %dma_start3A_37 = arith.constant 0 : i32
      %dma_start3A_38 = tpu.memref_slice %arg6[%add3A_18, %dma_start3A_37] : memref<10000x128xf32, #tpu.memory_space<vmem_shared>> -> memref<104x128xf32, #tpu.memory_space<vmem_shared>>
      %dma_start3A_39 = arith.constant 0 : i32
      %dma_start3A_40 = tpu.memref_slice %arg6[%add3A_18, %dma_start3A_39] : memref<10000x128xf32, #tpu.memory_space<vmem_shared>> -> memref<104x128xf32, #tpu.memory_space<vmem_shared>>
      %dma_start3A_41 = arith.constant 0 : i32
      %dma_start3A_42 = arith.constant 0 : i32
      %dma_start3A_43 = tpu.memref_slice %arg9[%dma_start3A_41, %dma_start3A_42] : memref<125x128xf32, #tpu.memory_space<vmem>> -> memref<104x128xf32, #tpu.memory_space<vmem>>
      tpu.enqueue_dma source(%dma_start3A_43 : memref<104x128xf32, #tpu.memory_space<vmem>>) target(%dma_start3A_40 : memref<104x128xf32, #tpu.memory_space<vmem_shared>>) target_semaphore(%run_scoped3A : memref<!tpu.dma_semaphore, #tpu.memory_space<semaphore_mem>>)
      %dma_wait3A = arith.constant 0 : i32
      %dma_wait3A_44 = arith.constant 0 : i32
      %dma_wait3A_45 = tpu.memref_slice %arg9[%dma_wait3A, %dma_wait3A_44] : memref<125x128xf32, #tpu.memory_space<vmem>> -> memref<104x128xf32, #tpu.memory_space<vmem>>
      %dma_wait3A_46 = arith.constant 0 : i32
      %dma_wait3A_47 = tpu.memref_slice %arg6[%add3A_18, %dma_wait3A_46] : memref<10000x128xf32, #tpu.memory_space<vmem_shared>> -> memref<104x128xf32, #tpu.memory_space<vmem_shared>>
      %dma_wait3A_48 = arith.constant 0 : i32
      %dma_wait3A_49 = tpu.memref_slice %arg6[%add3A_18, %dma_wait3A_48] : memref<10000x128xf32, #tpu.memory_space<vmem_shared>> -> memref<104x128xf32, #tpu.memory_space<vmem_shared>>
      %dma_wait3A_50 = arith.constant 0 : i32
      %dma_wait3A_51 = arith.constant 0 : i32
      %dma_wait3A_52 = tpu.memref_slice %arg9[%dma_wait3A_50, %dma_wait3A_51] : memref<125x128xf32, #tpu.memory_space<vmem>> -> memref<104x128xf32, #tpu.memory_space<vmem>>
      tpu.wait_dma2 semaphore(%run_scoped3A : memref<!tpu.dma_semaphore, #tpu.memory_space<semaphore_mem>>) src(%dma_wait3A_52 : memref<104x128xf32, #tpu.memory_space<vmem>>) dst(%dma_wait3A_49 : memref<104x128xf32, #tpu.memory_space<vmem_shared>>)
      tpu.yield
    }) : () -> ()
    %add3A_19 = arith.constant 520 : i32
    %add3A_20 = arith.addi %multiple_of3A, %add3A_19 : i32
    "tpu.region"() ({
      %run_scoped3A = tpu.sem_alloc : memref<!tpu.dma_semaphore, #tpu.memory_space<semaphore_mem>>
      %dma_start3A = arith.constant 0 : i32
      %dma_start3A_35 = arith.constant 0 : i32
      %dma_start3A_36 = tpu.memref_slice %arg9[%dma_start3A, %dma_start3A_35] : memref<125x128xf32, #tpu.memory_space<vmem>> -> memref<104x128xf32, #tpu.memory_space<vmem>>
      %dma_start3A_37 = arith.constant 0 : i32
      %dma_start3A_38 = tpu.memref_slice %arg6[%add3A_20, %dma_start3A_37] : memref<10000x128xf32, #tpu.memory_space<vmem_shared>> -> memref<104x128xf32, #tpu.memory_space<vmem_shared>>
      %dma_start3A_39 = arith.constant 0 : i32
      %dma_start3A_40 = tpu.memref_slice %arg6[%add3A_20, %dma_start3A_39] : memref<10000x128xf32, #tpu.memory_space<vmem_shared>> -> memref<104x128xf32, #tpu.memory_space<vmem_shared>>
      %dma_start3A_41 = arith.constant 0 : i32
      %dma_start3A_42 = arith.constant 0 : i32
      %dma_start3A_43 = tpu.memref_slice %arg9[%dma_start3A_41, %dma_start3A_42] : memref<125x128xf32, #tpu.memory_space<vmem>> -> memref<104x128xf32, #tpu.memory_space<vmem>>
      tpu.enqueue_dma source(%dma_start3A_43 : memref<104x128xf32, #tpu.memory_space<vmem>>) target(%dma_start3A_40 : memref<104x128xf32, #tpu.memory_space<vmem_shared>>) target_semaphore(%run_scoped3A : memref<!tpu.dma_semaphore, #tpu.memory_space<semaphore_mem>>)
      %dma_wait3A = arith.constant 0 : i32
      %dma_wait3A_44 = arith.constant 0 : i32
      %dma_wait3A_45 = tpu.memref_slice %arg9[%dma_wait3A, %dma_wait3A_44] : memref<125x128xf32, #tpu.memory_space<vmem>> -> memref<104x128xf32, #tpu.memory_space<vmem>>
      %dma_wait3A_46 = arith.constant 0 : i32
      %dma_wait3A_47 = tpu.memref_slice %arg6[%add3A_20, %dma_wait3A_46] : memref<10000x128xf32, #tpu.memory_space<vmem_shared>> -> memref<104x128xf32, #tpu.memory_space<vmem_shared>>
      %dma_wait3A_48 = arith.constant 0 : i32
      %dma_wait3A_49 = tpu.memref_slice %arg6[%add3A_20, %dma_wait3A_48] : memref<10000x128xf32, #tpu.memory_space<vmem_shared>> -> memref<104x128xf32, #tpu.memory_space<vmem_shared>>
      %dma_wait3A_50 = arith.constant 0 : i32
      %dma_wait3A_51 = arith.constant 0 : i32
      %dma_wait3A_52 = tpu.memref_slice %arg9[%dma_wait3A_50, %dma_wait3A_51] : memref<125x128xf32, #tpu.memory_space<vmem>> -> memref<104x128xf32, #tpu.memory_space<vmem>>
      tpu.wait_dma2 semaphore(%run_scoped3A : memref<!tpu.dma_semaphore, #tpu.memory_space<semaphore_mem>>) src(%dma_wait3A_52 : memref<104x128xf32, #tpu.memory_space<vmem>>) dst(%dma_wait3A_49 : memref<104x128xf32, #tpu.memory_space<vmem_shared>>)
      tpu.yield
    }) : () -> ()
    %eq3A = arith.constant 15 : i32
    %eq3A_21 = arith.cmpi eq, %arg1, %eq3A : i32
    %convert_element_type3A = arith.extui %eq3A_21 : i1 to i32
    %cond3A = arith.constant 0 : i32
    %cond3A_22 = arith.cmpi ne, %convert_element_type3A, %cond3A : i32
    scf.if %cond3A_22 {
      "tpu.region"() ({
        %run_scoped3A = tpu.sem_alloc : memref<!tpu.dma_semaphore, #tpu.memory_space<semaphore_mem>>
        %dma_start3A = arith.constant 0 : i32
        %dma_start3A_35 = arith.constant 0 : i32
        %dma_start3A_36 = tpu.memref_slice %arg9[%dma_start3A, %dma_start3A_35] : memref<125x128xf32, #tpu.memory_space<vmem>> -> memref<16x128xf32, #tpu.memory_space<vmem>>
        %dma_start3A_37 = arith.constant 9984 : i32
        %dma_start3A_38 = arith.constant 0 : i32
        %dma_start3A_39 = tpu.memref_slice %arg6[%dma_start3A_37, %dma_start3A_38] : memref<10000x128xf32, #tpu.memory_space<vmem_shared>> -> memref<16x128xf32, #tpu.memory_space<vmem_shared>>
        %dma_start3A_40 = arith.constant 9984 : i32
        %dma_start3A_41 = arith.constant 0 : i32
        %dma_start3A_42 = tpu.memref_slice %arg6[%dma_start3A_40, %dma_start3A_41] : memref<10000x128xf32, #tpu.memory_space<vmem_shared>> -> memref<16x128xf32, #tpu.memory_space<vmem_shared>>
        %dma_start3A_43 = arith.constant 0 : i32
        %dma_start3A_44 = arith.constant 0 : i32
        %dma_start3A_45 = tpu.memref_slice %arg9[%dma_start3A_43, %dma_start3A_44] : memref<125x128xf32, #tpu.memory_space<vmem>> -> memref<16x128xf32, #tpu.memory_space<vmem>>
        tpu.enqueue_dma source(%dma_start3A_45 : memref<16x128xf32, #tpu.memory_space<vmem>>) target(%dma_start3A_42 : memref<16x128xf32, #tpu.memory_space<vmem_shared>>) target_semaphore(%run_scoped3A : memref<!tpu.dma_semaphore, #tpu.memory_space<semaphore_mem>>)
        %dma_wait3A = arith.constant 0 : i32
        %dma_wait3A_46 = arith.constant 0 : i32
        %dma_wait3A_47 = tpu.memref_slice %arg9[%dma_wait3A, %dma_wait3A_46] : memref<125x128xf32, #tpu.memory_space<vmem>> -> memref<16x128xf32, #tpu.memory_space<vmem>>
        %dma_wait3A_48 = arith.constant 9984 : i32
        %dma_wait3A_49 = arith.constant 0 : i32
        %dma_wait3A_50 = tpu.memref_slice %arg6[%dma_wait3A_48, %dma_wait3A_49] : memref<10000x128xf32, #tpu.memory_space<vmem_shared>> -> memref<16x128xf32, #tpu.memory_space<vmem_shared>>
        %dma_wait3A_51 = arith.constant 9984 : i32
        %dma_wait3A_52 = arith.constant 0 : i32
        %dma_wait3A_53 = tpu.memref_slice %arg6[%dma_wait3A_51, %dma_wait3A_52] : memref<10000x128xf32, #tpu.memory_space<vmem_shared>> -> memref<16x128xf32, #tpu.memory_space<vmem_shared>>
        %dma_wait3A_54 = arith.constant 0 : i32
        %dma_wait3A_55 = arith.constant 0 : i32
        %dma_wait3A_56 = tpu.memref_slice %arg9[%dma_wait3A_54, %dma_wait3A_55] : memref<125x128xf32, #tpu.memory_space<vmem>> -> memref<16x128xf32, #tpu.memory_space<vmem>>
        tpu.wait_dma2 semaphore(%run_scoped3A : memref<!tpu.dma_semaphore, #tpu.memory_space<semaphore_mem>>) src(%dma_wait3A_56 : memref<16x128xf32, #tpu.memory_space<vmem>>) dst(%dma_wait3A_53 : memref<16x128xf32, #tpu.memory_space<vmem_shared>>)
        tpu.yield
      }) : () -> ()
    } else {
    }
    %barrier3A = arith.constant 0 : index
    tpu.barrier barrier_id(%barrier3A)
    %scan3A_23 = arith.constant 0 : i32
    %scan3A_24 = arith.constant 0 : i32
    %scan3A_25 = arith.constant 2 : i32
    %scan3A_26 = arith.addi %scan3A_24, %scan3A_25 : i32
    %scan3A_27 = arith.constant 1 : i32
    scf.for %scan3A_35 = %scan3A_24 to %scan3A_26 step %scan3A_27  : i32 {
      "tpu.region"() ({
        %run_scoped3A = tpu.sem_alloc : memref<!tpu.dma_semaphore, #tpu.memory_space<semaphore_mem>>
        %dma_start3A_47 = arith.constant 0 : i32
        %dma_start3A_48 = arith.constant 0 : i32
        %dma_start3A_49 = tpu.memref_slice %arg2[%add3A, %scan3A_35, %dma_start3A_47, %dma_start3A_48] : memref<32x2x40x125xi32, #tpu.memory_space<hbm>> -> memref<1x1x40x125xi32, #tpu.memory_space<hbm>>
        %dma_start3A_50 = tpu.memref_squeeze %dma_start3A_49 : memref<1x1x40x125xi32, #tpu.memory_space<hbm>> -> memref<40x125xi32, #tpu.memory_space<hbm>>
        %dma_start3A_51 = arith.constant 0 : i32
        %dma_start3A_52 = arith.constant 0 : i32
        %dma_start3A_53 = tpu.memref_slice %arg2[%add3A, %scan3A_35, %dma_start3A_51, %dma_start3A_52] : memref<32x2x40x125xi32, #tpu.memory_space<hbm>> -> memref<1x1x40x125xi32, #tpu.memory_space<hbm>>
        %dma_start3A_54 = tpu.memref_squeeze %dma_start3A_53 : memref<1x1x40x125xi32, #tpu.memory_space<hbm>> -> memref<40x125xi32, #tpu.memory_space<hbm>>
        tpu.enqueue_dma source(%dma_start3A_54 : memref<40x125xi32, #tpu.memory_space<hbm>>) target(%arg7 : memref<40x125xi32, #tpu.memory_space<vmem>>) target_semaphore(%run_scoped3A : memref<!tpu.dma_semaphore, #tpu.memory_space<semaphore_mem>>)
        %dma_wait3A = arith.constant 0 : i32
        %dma_wait3A_55 = arith.constant 0 : i32
        %dma_wait3A_56 = tpu.memref_slice %arg2[%add3A, %scan3A_35, %dma_wait3A, %dma_wait3A_55] : memref<32x2x40x125xi32, #tpu.memory_space<hbm>> -> memref<1x1x40x125xi32, #tpu.memory_space<hbm>>
        %dma_wait3A_57 = tpu.memref_squeeze %dma_wait3A_56 : memref<1x1x40x125xi32, #tpu.memory_space<hbm>> -> memref<40x125xi32, #tpu.memory_space<hbm>>
        %dma_wait3A_58 = arith.constant 0 : i32
        %dma_wait3A_59 = arith.constant 0 : i32
        %dma_wait3A_60 = tpu.memref_slice %arg2[%add3A, %scan3A_35, %dma_wait3A_58, %dma_wait3A_59] : memref<32x2x40x125xi32, #tpu.memory_space<hbm>> -> memref<1x1x40x125xi32, #tpu.memory_space<hbm>>
        %dma_wait3A_61 = tpu.memref_squeeze %dma_wait3A_60 : memref<1x1x40x125xi32, #tpu.memory_space<hbm>> -> memref<40x125xi32, #tpu.memory_space<hbm>>
        tpu.wait_dma2 semaphore(%run_scoped3A : memref<!tpu.dma_semaphore, #tpu.memory_space<semaphore_mem>>) src(%dma_wait3A_61 : memref<40x125xi32, #tpu.memory_space<hbm>>) dst(%arg7 : memref<40x125xi32, #tpu.memory_space<vmem>>)
        tpu.yield
      }) : () -> ()
      "tpu.region"() ({
        %run_scoped3A = tpu.sem_alloc : memref<!tpu.dma_semaphore, #tpu.memory_space<semaphore_mem>>
        %dma_start3A_47 = arith.constant 0 : i32
        %dma_start3A_48 = arith.constant 0 : i32
        %dma_start3A_49 = tpu.memref_slice %arg3[%add3A, %scan3A_35, %dma_start3A_47, %dma_start3A_48] : memref<32x2x40x125xi32, #tpu.memory_space<hbm>> -> memref<1x1x40x125xi32, #tpu.memory_space<hbm>>
        %dma_start3A_50 = tpu.memref_squeeze %dma_start3A_49 : memref<1x1x40x125xi32, #tpu.memory_space<hbm>> -> memref<40x125xi32, #tpu.memory_space<hbm>>
        %dma_start3A_51 = arith.constant 0 : i32
        %dma_start3A_52 = arith.constant 0 : i32
        %dma_start3A_53 = tpu.memref_slice %arg3[%add3A, %scan3A_35, %dma_start3A_51, %dma_start3A_52] : memref<32x2x40x125xi32, #tpu.memory_space<hbm>> -> memref<1x1x40x125xi32, #tpu.memory_space<hbm>>
        %dma_start3A_54 = tpu.memref_squeeze %dma_start3A_53 : memref<1x1x40x125xi32, #tpu.memory_space<hbm>> -> memref<40x125xi32, #tpu.memory_space<hbm>>
        tpu.enqueue_dma source(%dma_start3A_54 : memref<40x125xi32, #tpu.memory_space<hbm>>) target(%arg8 : memref<40x125xi32, #tpu.memory_space<vmem>>) target_semaphore(%run_scoped3A : memref<!tpu.dma_semaphore, #tpu.memory_space<semaphore_mem>>)
        %dma_wait3A = arith.constant 0 : i32
        %dma_wait3A_55 = arith.constant 0 : i32
        %dma_wait3A_56 = tpu.memref_slice %arg3[%add3A, %scan3A_35, %dma_wait3A, %dma_wait3A_55] : memref<32x2x40x125xi32, #tpu.memory_space<hbm>> -> memref<1x1x40x125xi32, #tpu.memory_space<hbm>>
        %dma_wait3A_57 = tpu.memref_squeeze %dma_wait3A_56 : memref<1x1x40x125xi32, #tpu.memory_space<hbm>> -> memref<40x125xi32, #tpu.memory_space<hbm>>
        %dma_wait3A_58 = arith.constant 0 : i32
        %dma_wait3A_59 = arith.constant 0 : i32
        %dma_wait3A_60 = tpu.memref_slice %arg3[%add3A, %scan3A_35, %dma_wait3A_58, %dma_wait3A_59] : memref<32x2x40x125xi32, #tpu.memory_space<hbm>> -> memref<1x1x40x125xi32, #tpu.memory_space<hbm>>
        %dma_wait3A_61 = tpu.memref_squeeze %dma_wait3A_60 : memref<1x1x40x125xi32, #tpu.memory_space<hbm>> -> memref<40x125xi32, #tpu.memory_space<hbm>>
        tpu.wait_dma2 semaphore(%run_scoped3A : memref<!tpu.dma_semaphore, #tpu.memory_space<semaphore_mem>>) src(%dma_wait3A_61 : memref<40x125xi32, #tpu.memory_space<hbm>>) dst(%arg8 : memref<40x125xi32, #tpu.memory_space<vmem>>)
        tpu.yield
      }) : () -> ()
      %dma_start3A = arith.constant 0 : i32
      %dma_start3A_36 = arith.constant 0 : i32
      %dma_start3A_37 = tpu.memref_slice %arg7[%dma_start3A, %dma_start3A_36] : memref<40x125xi32, #tpu.memory_space<vmem>> -> memref<1x125xi32, #tpu.memory_space<vmem>>
      %dma_start3A_38 = tpu.memref_squeeze %dma_start3A_37 : memref<1x125xi32, #tpu.memory_space<vmem>> -> memref<125xi32, #tpu.memory_space<vmem>>
      %dma_start3A_39 = arith.constant 0 : i32
      %dma_start3A_40 = arith.constant 0 : i32
      %dma_start3A_41 = tpu.memref_slice %arg4[%dma_start3A_39, %dma_start3A_40] : memref<10000x128xf32, #tpu.memory_space<hbm>> -> memref<10000x128xf32, #tpu.memory_space<hbm>>
      tpu.enqueue_indirect_dma source(%dma_start3A_41 : memref<10000x128xf32, #tpu.memory_space<hbm>>) target(%arg9 : memref<125x128xf32, #tpu.memory_space<vmem>>) offsets(%dma_start3A_38 : memref<125xi32, #tpu.memory_space<vmem>>) semaphore(%arg11 : memref<!tpu.dma_semaphore, #tpu.memory_space<semaphore_mem>>)
      %scan3A_42 = arith.constant 0 : i32
      %scan3A_43 = arith.constant 20 : i32
      %scan3A_44 = arith.addi %scan3A_42, %scan3A_43 : i32
      %scan3A_45 = arith.constant 1 : i32
      scf.for %scan3A_47 = %scan3A_42 to %scan3A_44 step %scan3A_45  : i32 {
        %mul3A_48 = arith.constant 2 : i32
        %mul3A_49 = arith.muli %mul3A_48, %scan3A_47 : i32
        %dma_wait3A = arith.constant 0 : i32
        %dma_wait3A_50 = tpu.memref_slice %arg7[%mul3A_49, %dma_wait3A] : memref<40x125xi32, #tpu.memory_space<vmem>> -> memref<1x125xi32, #tpu.memory_space<vmem>>
        %dma_wait3A_51 = tpu.memref_squeeze %dma_wait3A_50 : memref<1x125xi32, #tpu.memory_space<vmem>> -> memref<125xi32, #tpu.memory_space<vmem>>
        %dma_wait3A_52 = arith.constant 0 : i32
        %dma_wait3A_53 = arith.constant 0 : i32
        %dma_wait3A_54 = tpu.memref_slice %arg4[%dma_wait3A_52, %dma_wait3A_53] : memref<10000x128xf32, #tpu.memory_space<hbm>> -> memref<10000x128xf32, #tpu.memory_space<hbm>>
        tpu.wait_indirect_dma semaphore(%arg11 : memref<!tpu.dma_semaphore, #tpu.memory_space<semaphore_mem>>) src(%dma_wait3A_54 : memref<10000x128xf32, #tpu.memory_space<hbm>>) dst(%arg9 : memref<125x128xf32, #tpu.memory_space<vmem>>)
        %add3A_55 = arith.constant 1 : i32
        %add3A_56 = arith.addi %mul3A_49, %add3A_55 : i32
        %dma_start3A_57 = arith.constant 0 : i32
        %dma_start3A_58 = tpu.memref_slice %arg7[%add3A_56, %dma_start3A_57] : memref<40x125xi32, #tpu.memory_space<vmem>> -> memref<1x125xi32, #tpu.memory_space<vmem>>
        %dma_start3A_59 = tpu.memref_squeeze %dma_start3A_58 : memref<1x125xi32, #tpu.memory_space<vmem>> -> memref<125xi32, #tpu.memory_space<vmem>>
        %dma_start3A_60 = arith.constant 0 : i32
        %dma_start3A_61 = arith.constant 0 : i32
        %dma_start3A_62 = tpu.memref_slice %arg4[%dma_start3A_60, %dma_start3A_61] : memref<10000x128xf32, #tpu.memory_space<hbm>> -> memref<10000x128xf32, #tpu.memory_space<hbm>>
        tpu.enqueue_indirect_dma source(%dma_start3A_62 : memref<10000x128xf32, #tpu.memory_space<hbm>>) target(%arg10 : memref<125x128xf32, #tpu.memory_space<vmem>>) offsets(%dma_start3A_59 : memref<125xi32, #tpu.memory_space<vmem>>) semaphore(%arg12 : memref<!tpu.dma_semaphore, #tpu.memory_space<semaphore_mem>>)
        "tpu.region"() ({
          %run_scoped3A = tpu.sem_alloc : memref<!tpu.dma_semaphore, #tpu.memory_space<semaphore_mem>>
          %dma_start3A_77 = arith.constant 0 : i32
          %dma_start3A_78 = tpu.memref_slice %arg8[%mul3A_49, %dma_start3A_77] : memref<40x125xi32, #tpu.memory_space<vmem>> -> memref<1x125xi32, #tpu.memory_space<vmem>>
          %dma_start3A_79 = tpu.memref_squeeze %dma_start3A_78 : memref<1x125xi32, #tpu.memory_space<vmem>> -> memref<125xi32, #tpu.memory_space<vmem>>
          %dma_start3A_80 = arith.constant 0 : i32
          %dma_start3A_81 = arith.constant 0 : i32
          %dma_start3A_82 = tpu.memref_slice %arg6[%dma_start3A_80, %dma_start3A_81] : memref<10000x128xf32, #tpu.memory_space<vmem_shared>> -> memref<10000x128xf32, #tpu.memory_space<vmem_shared>>
          tpu.enqueue_indirect_dma source(%arg9 : memref<125x128xf32, #tpu.memory_space<vmem>>) target(%dma_start3A_82 : memref<10000x128xf32, #tpu.memory_space<vmem_shared>>) offsets(%dma_start3A_79 : memref<125xi32, #tpu.memory_space<vmem>>) semaphore(%run_scoped3A : memref<!tpu.dma_semaphore, #tpu.memory_space<semaphore_mem>>) {add = true}
          %dma_wait3A_83 = arith.constant 0 : i32
          %dma_wait3A_84 = tpu.memref_slice %arg8[%mul3A_49, %dma_wait3A_83] : memref<40x125xi32, #tpu.memory_space<vmem>> -> memref<1x125xi32, #tpu.memory_space<vmem>>
          %dma_wait3A_85 = tpu.memref_squeeze %dma_wait3A_84 : memref<1x125xi32, #tpu.memory_space<vmem>> -> memref<125xi32, #tpu.memory_space<vmem>>
          %dma_wait3A_86 = arith.constant 0 : i32
          %dma_wait3A_87 = arith.constant 0 : i32
          %dma_wait3A_88 = tpu.memref_slice %arg6[%dma_wait3A_86, %dma_wait3A_87] : memref<10000x128xf32, #tpu.memory_space<vmem_shared>> -> memref<10000x128xf32, #tpu.memory_space<vmem_shared>>
          tpu.wait_indirect_dma semaphore(%run_scoped3A : memref<!tpu.dma_semaphore, #tpu.memory_space<semaphore_mem>>) src(%arg9 : memref<125x128xf32, #tpu.memory_space<vmem>>) dst(%dma_wait3A_88 : memref<10000x128xf32, #tpu.memory_space<vmem_shared>>)
          tpu.yield
        }) : () -> ()
        %add3A_63 = arith.constant 1 : i32
        %add3A_64 = arith.addi %mul3A_49, %add3A_63 : i32
        %dma_wait3A_65 = arith.constant 0 : i32
        %dma_wait3A_66 = tpu.memref_slice %arg7[%add3A_64, %dma_wait3A_65] : memref<40x125xi32, #tpu.memory_space<vmem>> -> memref<1x125xi32, #tpu.memory_space<vmem>>
        %dma_wait3A_67 = tpu.memref_squeeze %dma_wait3A_66 : memref<1x125xi32, #tpu.memory_space<vmem>> -> memref<125xi32, #tpu.memory_space<vmem>>
        %dma_wait3A_68 = arith.constant 0 : i32
        %dma_wait3A_69 = arith.constant 0 : i32
        %dma_wait3A_70 = tpu.memref_slice %arg4[%dma_wait3A_68, %dma_wait3A_69] : memref<10000x128xf32, #tpu.memory_space<hbm>> -> memref<10000x128xf32, #tpu.memory_space<hbm>>
        tpu.wait_indirect_dma semaphore(%arg12 : memref<!tpu.dma_semaphore, #tpu.memory_space<semaphore_mem>>) src(%dma_wait3A_70 : memref<10000x128xf32, #tpu.memory_space<hbm>>) dst(%arg10 : memref<125x128xf32, #tpu.memory_space<vmem>>)
        %lt3A = arith.constant 19 : i32
        %lt3A_71 = arith.cmpi slt, %scan3A_47, %lt3A : i32
        %convert_element_type3A_72 = arith.extui %lt3A_71 : i1 to i32
        %cond3A_73 = arith.constant 0 : i32
        %cond3A_74 = arith.cmpi ne, %convert_element_type3A_72, %cond3A_73 : i32
        scf.if %cond3A_74 {
          %add3A_77 = arith.constant 2 : i32
          %add3A_78 = arith.addi %mul3A_49, %add3A_77 : i32
          %dma_start3A_79 = arith.constant 0 : i32
          %dma_start3A_80 = tpu.memref_slice %arg7[%add3A_78, %dma_start3A_79] : memref<40x125xi32, #tpu.memory_space<vmem>> -> memref<1x125xi32, #tpu.memory_space<vmem>>
          %dma_start3A_81 = tpu.memref_squeeze %dma_start3A_80 : memref<1x125xi32, #tpu.memory_space<vmem>> -> memref<125xi32, #tpu.memory_space<vmem>>
          %dma_start3A_82 = arith.constant 0 : i32
          %dma_start3A_83 = arith.constant 0 : i32
          %dma_start3A_84 = tpu.memref_slice %arg4[%dma_start3A_82, %dma_start3A_83] : memref<10000x128xf32, #tpu.memory_space<hbm>> -> memref<10000x128xf32, #tpu.memory_space<hbm>>
          tpu.enqueue_indirect_dma source(%dma_start3A_84 : memref<10000x128xf32, #tpu.memory_space<hbm>>) target(%arg9 : memref<125x128xf32, #tpu.memory_space<vmem>>) offsets(%dma_start3A_81 : memref<125xi32, #tpu.memory_space<vmem>>) semaphore(%arg11 : memref<!tpu.dma_semaphore, #tpu.memory_space<semaphore_mem>>)
        } else {
        }
        %add3A_75 = arith.constant 1 : i32
        %add3A_76 = arith.addi %mul3A_49, %add3A_75 : i32
        "tpu.region"() ({
          %run_scoped3A = tpu.sem_alloc : memref<!tpu.dma_semaphore, #tpu.memory_space<semaphore_mem>>
          %dma_start3A_77 = arith.constant 0 : i32
          %dma_start3A_78 = tpu.memref_slice %arg8[%add3A_76, %dma_start3A_77] : memref<40x125xi32, #tpu.memory_space<vmem>> -> memref<1x125xi32, #tpu.memory_space<vmem>>
          %dma_start3A_79 = tpu.memref_squeeze %dma_start3A_78 : memref<1x125xi32, #tpu.memory_space<vmem>> -> memref<125xi32, #tpu.memory_space<vmem>>
          %dma_start3A_80 = arith.constant 0 : i32
          %dma_start3A_81 = arith.constant 0 : i32
          %dma_start3A_82 = tpu.memref_slice %arg6[%dma_start3A_80, %dma_start3A_81] : memref<10000x128xf32, #tpu.memory_space<vmem_shared>> -> memref<10000x128xf32, #tpu.memory_space<vmem_shared>>
          tpu.enqueue_indirect_dma source(%arg10 : memref<125x128xf32, #tpu.memory_space<vmem>>) target(%dma_start3A_82 : memref<10000x128xf32, #tpu.memory_space<vmem_shared>>) offsets(%dma_start3A_79 : memref<125xi32, #tpu.memory_space<vmem>>) semaphore(%run_scoped3A : memref<!tpu.dma_semaphore, #tpu.memory_space<semaphore_mem>>) {add = true}
          %dma_wait3A_83 = arith.constant 0 : i32
          %dma_wait3A_84 = tpu.memref_slice %arg8[%add3A_76, %dma_wait3A_83] : memref<40x125xi32, #tpu.memory_space<vmem>> -> memref<1x125xi32, #tpu.memory_space<vmem>>
          %dma_wait3A_85 = tpu.memref_squeeze %dma_wait3A_84 : memref<1x125xi32, #tpu.memory_space<vmem>> -> memref<125xi32, #tpu.memory_space<vmem>>
          %dma_wait3A_86 = arith.constant 0 : i32
          %dma_wait3A_87 = arith.constant 0 : i32
          %dma_wait3A_88 = tpu.memref_slice %arg6[%dma_wait3A_86, %dma_wait3A_87] : memref<10000x128xf32, #tpu.memory_space<vmem_shared>> -> memref<10000x128xf32, #tpu.memory_space<vmem_shared>>
          tpu.wait_indirect_dma semaphore(%run_scoped3A : memref<!tpu.dma_semaphore, #tpu.memory_space<semaphore_mem>>) src(%arg10 : memref<125x128xf32, #tpu.memory_space<vmem>>) dst(%dma_wait3A_88 : memref<10000x128xf32, #tpu.memory_space<vmem_shared>>)
          tpu.yield
        }) : () -> ()
      }
      %scan3A_46 = arith.constant 20 : i32
    }
    %scan3A_28 = arith.constant 2 : i32
    %barrier3A_29 = arith.constant 0 : index
    tpu.barrier barrier_id(%barrier3A_29)
    "tpu.region"() ({
      %run_scoped3A = tpu.sem_alloc : memref<!tpu.dma_semaphore, #tpu.memory_space<semaphore_mem>>
      %dma_start3A = arith.constant 0 : i32
      %dma_start3A_35 = tpu.memref_slice %arg5[%arg0, %multiple_of3A, %dma_start3A] : memref<2x10000x128xf32, #tpu.memory_space<hbm>> -> memref<1x624x128xf32, #tpu.memory_space<hbm>>
      %dma_start3A_36 = tpu.memref_squeeze %dma_start3A_35 : memref<1x624x128xf32, #tpu.memory_space<hbm>> -> memref<624x128xf32, #tpu.memory_space<hbm>>
      %dma_start3A_37 = arith.constant 0 : i32
      %dma_start3A_38 = tpu.memref_slice %arg6[%multiple_of3A, %dma_start3A_37] : memref<10000x128xf32, #tpu.memory_space<vmem_shared>> -> memref<624x128xf32, #tpu.memory_space<vmem_shared>>
      tpu.enqueue_dma source(%dma_start3A_38 : memref<624x128xf32, #tpu.memory_space<vmem_shared>>) target(%dma_start3A_36 : memref<624x128xf32, #tpu.memory_space<hbm>>) target_semaphore(%run_scoped3A : memref<!tpu.dma_semaphore, #tpu.memory_space<semaphore_mem>>)
      %dma_wait3A = arith.constant 0 : i32
      %dma_wait3A_39 = tpu.memref_slice %arg5[%arg0, %multiple_of3A, %dma_wait3A] : memref<2x10000x128xf32, #tpu.memory_space<hbm>> -> memref<1x624x128xf32, #tpu.memory_space<hbm>>
      %dma_wait3A_40 = tpu.memref_squeeze %dma_wait3A_39 : memref<1x624x128xf32, #tpu.memory_space<hbm>> -> memref<624x128xf32, #tpu.memory_space<hbm>>
      %dma_wait3A_41 = arith.constant 0 : i32
      %dma_wait3A_42 = tpu.memref_slice %arg6[%multiple_of3A, %dma_wait3A_41] : memref<10000x128xf32, #tpu.memory_space<vmem_shared>> -> memref<624x128xf32, #tpu.memory_space<vmem_shared>>
      tpu.wait_dma2 semaphore(%run_scoped3A : memref<!tpu.dma_semaphore, #tpu.memory_space<semaphore_mem>>) src(%dma_wait3A_42 : memref<624x128xf32, #tpu.memory_space<vmem_shared>>) dst(%dma_wait3A_40 : memref<624x128xf32, #tpu.memory_space<hbm>>)
      tpu.yield
    }) : () -> ()
    %eq3A_30 = arith.constant 15 : i32
    %eq3A_31 = arith.cmpi eq, %arg1, %eq3A_30 : i32
    %convert_element_type3A_32 = arith.extui %eq3A_31 : i1 to i32
    %cond3A_33 = arith.constant 0 : i32
    %cond3A_34 = arith.cmpi ne, %convert_element_type3A_32, %cond3A_33 : i32
    scf.if %cond3A_34 {
      "tpu.region"() ({
        %run_scoped3A = tpu.sem_alloc : memref<!tpu.dma_semaphore, #tpu.memory_space<semaphore_mem>>
        %dma_start3A = arith.constant 9984 : i32
        %dma_start3A_35 = arith.constant 0 : i32
        %dma_start3A_36 = tpu.memref_slice %arg5[%arg0, %dma_start3A, %dma_start3A_35] : memref<2x10000x128xf32, #tpu.memory_space<hbm>> -> memref<1x16x128xf32, #tpu.memory_space<hbm>>
        %dma_start3A_37 = tpu.memref_squeeze %dma_start3A_36 : memref<1x16x128xf32, #tpu.memory_space<hbm>> -> memref<16x128xf32, #tpu.memory_space<hbm>>
        %dma_start3A_38 = arith.constant 9984 : i32
        %dma_start3A_39 = arith.constant 0 : i32
        %dma_start3A_40 = tpu.memref_slice %arg6[%dma_start3A_38, %dma_start3A_39] : memref<10000x128xf32, #tpu.memory_space<vmem_shared>> -> memref<16x128xf32, #tpu.memory_space<vmem_shared>>
        tpu.enqueue_dma source(%dma_start3A_40 : memref<16x128xf32, #tpu.memory_space<vmem_shared>>) target(%dma_start3A_37 : memref<16x128xf32, #tpu.memory_space<hbm>>) target_semaphore(%run_scoped3A : memref<!tpu.dma_semaphore, #tpu.memory_space<semaphore_mem>>)
        %dma_wait3A = arith.constant 9984 : i32
        %dma_wait3A_41 = arith.constant 0 : i32
        %dma_wait3A_42 = tpu.memref_slice %arg5[%arg0, %dma_wait3A, %dma_wait3A_41] : memref<2x10000x128xf32, #tpu.memory_space<hbm>> -> memref<1x16x128xf32, #tpu.memory_space<hbm>>
        %dma_wait3A_43 = tpu.memref_squeeze %dma_wait3A_42 : memref<1x16x128xf32, #tpu.memory_space<hbm>> -> memref<16x128xf32, #tpu.memory_space<hbm>>
        %dma_wait3A_44 = arith.constant 9984 : i32
        %dma_wait3A_45 = arith.constant 0 : i32
        %dma_wait3A_46 = tpu.memref_slice %arg6[%dma_wait3A_44, %dma_wait3A_45] : memref<10000x128xf32, #tpu.memory_space<vmem_shared>> -> memref<16x128xf32, #tpu.memory_space<vmem_shared>>
        tpu.wait_dma2 semaphore(%run_scoped3A : memref<!tpu.dma_semaphore, #tpu.memory_space<semaphore_mem>>) src(%dma_wait3A_46 : memref<16x128xf32, #tpu.memory_space<vmem_shared>>) dst(%dma_wait3A_43 : memref<16x128xf32, #tpu.memory_space<hbm>>)
        tpu.yield
      }) : () -> ()
    } else {
    }
    return
  }
}

#map = affine_map<(d0, d1) -> (0, 0, 0, 0)>
#map1 = affine_map<(d0, d1) -> (0, 0, 0)>
module attributes {stable_mosaic.version = 14 : i64} {
  func.func @_deg_body(%arg0: i32, %arg1: i32, %arg2: memref<32x2x40x125xi32, #tpu.memory_space<hbm>>, %arg3: memref<2x128x128xf32, #tpu.memory_space<hbm>>, %arg4: memref<16x128x128xf32, #tpu.memory_space<vmem_shared>>, %arg5: memref<128x128xf32, #tpu.memory_space<vmem>>, %arg6: memref<40x125xi32, #tpu.memory_space<vmem>>, %arg7: memref<8x128xf32, #tpu.memory_space<vmem>>, %arg8: memref<8x128xf32, #tpu.memory_space<vmem>>) attributes {dimension_semantics = [#tpu.dimension_semantics<core_parallel>, #tpu.dimension_semantics<subcore_parallel>], iteration_bounds = array<i64: 2, 16>, scalar_prefetch = 0 : i64, scratch_operands = 5 : i64, tpu.core_type = #tpu.core_type<sc_vector_subcore>, window_params = [{transform_indices = #map}, {transform_indices = #map1}]} {
    %mul3A = arith.constant 2 : i32
    %mul3A_0 = arith.muli %arg1, %mul3A : i32
    %add3A = arith.addi %mul3A_0, %arg0 : i32
    %broadcast_in_dim3A = arith.constant 0.000000e+00 : f32
    %broadcast_in_dim3A_1 = vector.broadcast %broadcast_in_dim3A : f32 to vector<16xf32>
    %broadcast_in_dim3A_2 = arith.constant 1.000000e+00 : f32
    %broadcast_in_dim3A_3 = vector.broadcast %broadcast_in_dim3A_2 : f32 to vector<16xf32>
    %iota3A = tpu.iota {dimensions = array<i32: 0>} : vector<16xi32>
    %ge3A = arith.constant 3 : i32
    %ge3A_4 = vector.broadcast %ge3A : i32 to vector<16xi32>
    %ge3A_5 = arith.cmpi sge, %iota3A, %ge3A_4 : vector<16xi32>
    %scan3A = arith.constant 0 : i32
    %scan3A_6 = arith.constant 0 : i32
    %scan3A_7 = arith.constant 128 : i32
    %scan3A_8 = arith.addi %scan3A_6, %scan3A_7 : i32
    %scan3A_9 = arith.constant 1 : i32
    scf.for %scan3A_31 = %scan3A_6 to %scan3A_8 step %scan3A_9  : i32 {
      %swap3A = arith.index_cast %scan3A_31 : i32 to index
      %swap3A_32 = arith.constant 0 : index
      %swap3A_33 = tpu.vector_load %arg5[%swap3A, %swap3A_32] {strides = array<i32>} : memref<128x128xf32, #tpu.memory_space<vmem>>, vector<16xf32>,
      tpu.vector_store %arg5[%swap3A, %swap3A_32], %broadcast_in_dim3A_1 {strides = array<i32>} : memref<128x128xf32, #tpu.memory_space<vmem>>, vector<16xf32>,
      %swap3A_34 = arith.index_cast %scan3A_31 : i32 to index
      %swap3A_35 = arith.constant 16 : index
      %swap3A_36 = tpu.vector_load %arg5[%swap3A_34, %swap3A_35] {strides = array<i32>} : memref<128x128xf32, #tpu.memory_space<vmem>>, vector<16xf32>,
      tpu.vector_store %arg5[%swap3A_34, %swap3A_35], %broadcast_in_dim3A_1 {strides = array<i32>} : memref<128x128xf32, #tpu.memory_space<vmem>>, vector<16xf32>,
      %swap3A_37 = arith.index_cast %scan3A_31 : i32 to index
      %swap3A_38 = arith.constant 32 : index
      %swap3A_39 = tpu.vector_load %arg5[%swap3A_37, %swap3A_38] {strides = array<i32>} : memref<128x128xf32, #tpu.memory_space<vmem>>, vector<16xf32>,
      tpu.vector_store %arg5[%swap3A_37, %swap3A_38], %broadcast_in_dim3A_1 {strides = array<i32>} : memref<128x128xf32, #tpu.memory_space<vmem>>, vector<16xf32>,
      %swap3A_40 = arith.index_cast %scan3A_31 : i32 to index
      %swap3A_41 = arith.constant 48 : index
      %swap3A_42 = tpu.vector_load %arg5[%swap3A_40, %swap3A_41] {strides = array<i32>} : memref<128x128xf32, #tpu.memory_space<vmem>>, vector<16xf32>,
      tpu.vector_store %arg5[%swap3A_40, %swap3A_41], %broadcast_in_dim3A_1 {strides = array<i32>} : memref<128x128xf32, #tpu.memory_space<vmem>>, vector<16xf32>,
      %swap3A_43 = arith.index_cast %scan3A_31 : i32 to index
      %swap3A_44 = arith.constant 64 : index
      %swap3A_45 = tpu.vector_load %arg5[%swap3A_43, %swap3A_44] {strides = array<i32>} : memref<128x128xf32, #tpu.memory_space<vmem>>, vector<16xf32>,
      tpu.vector_store %arg5[%swap3A_43, %swap3A_44], %broadcast_in_dim3A_1 {strides = array<i32>} : memref<128x128xf32, #tpu.memory_space<vmem>>, vector<16xf32>,
      %swap3A_46 = arith.index_cast %scan3A_31 : i32 to index
      %swap3A_47 = arith.constant 80 : index
      %swap3A_48 = tpu.vector_load %arg5[%swap3A_46, %swap3A_47] {strides = array<i32>} : memref<128x128xf32, #tpu.memory_space<vmem>>, vector<16xf32>,
      tpu.vector_store %arg5[%swap3A_46, %swap3A_47], %broadcast_in_dim3A_1 {strides = array<i32>} : memref<128x128xf32, #tpu.memory_space<vmem>>, vector<16xf32>,
      %swap3A_49 = arith.index_cast %scan3A_31 : i32 to index
      %swap3A_50 = arith.constant 96 : index
      %swap3A_51 = tpu.vector_load %arg5[%swap3A_49, %swap3A_50] {strides = array<i32>} : memref<128x128xf32, #tpu.memory_space<vmem>>, vector<16xf32>,
      tpu.vector_store %arg5[%swap3A_49, %swap3A_50], %broadcast_in_dim3A_1 {strides = array<i32>} : memref<128x128xf32, #tpu.memory_space<vmem>>, vector<16xf32>,
      %swap3A_52 = arith.index_cast %scan3A_31 : i32 to index
      %swap3A_53 = arith.constant 112 : index
      %swap3A_54 = tpu.vector_load %arg5[%swap3A_52, %swap3A_53] {strides = array<i32>} : memref<128x128xf32, #tpu.memory_space<vmem>>, vector<16xf32>,
      tpu.vector_store %arg5[%swap3A_52, %swap3A_53], %broadcast_in_dim3A_1 {strides = array<i32>} : memref<128x128xf32, #tpu.memory_space<vmem>>, vector<16xf32>,
    }
    %scan3A_10 = arith.constant 128 : i32
    %scan3A_11 = arith.constant 0 : i32
    %scan3A_12 = arith.constant 0 : i32
    %scan3A_13 = arith.constant 2 : i32
    %scan3A_14 = arith.addi %scan3A_12, %scan3A_13 : i32
    %scan3A_15 = arith.constant 1 : i32
    scf.for %scan3A_31 = %scan3A_12 to %scan3A_14 step %scan3A_15  : i32 {
      "tpu.region"() ({
        %run_scoped3A = tpu.sem_alloc : memref<!tpu.dma_semaphore, #tpu.memory_space<semaphore_mem>>
        %dma_start3A = arith.constant 0 : i32
        %dma_start3A_37 = arith.constant 0 : i32
        %dma_start3A_38 = tpu.memref_slice %arg2[%add3A, %scan3A_31, %dma_start3A, %dma_start3A_37] : memref<32x2x40x125xi32, #tpu.memory_space<hbm>> -> memref<1x1x40x125xi32, #tpu.memory_space<hbm>>
        %dma_start3A_39 = tpu.memref_squeeze %dma_start3A_38 : memref<1x1x40x125xi32, #tpu.memory_space<hbm>> -> memref<40x125xi32, #tpu.memory_space<hbm>>
        %dma_start3A_40 = arith.constant 0 : i32
        %dma_start3A_41 = arith.constant 0 : i32
        %dma_start3A_42 = tpu.memref_slice %arg2[%add3A, %scan3A_31, %dma_start3A_40, %dma_start3A_41] : memref<32x2x40x125xi32, #tpu.memory_space<hbm>> -> memref<1x1x40x125xi32, #tpu.memory_space<hbm>>
        %dma_start3A_43 = tpu.memref_squeeze %dma_start3A_42 : memref<1x1x40x125xi32, #tpu.memory_space<hbm>> -> memref<40x125xi32, #tpu.memory_space<hbm>>
        tpu.enqueue_dma source(%dma_start3A_43 : memref<40x125xi32, #tpu.memory_space<hbm>>) target(%arg6 : memref<40x125xi32, #tpu.memory_space<vmem>>) target_semaphore(%run_scoped3A : memref<!tpu.dma_semaphore, #tpu.memory_space<semaphore_mem>>)
        %dma_wait3A = arith.constant 0 : i32
        %dma_wait3A_44 = arith.constant 0 : i32
        %dma_wait3A_45 = tpu.memref_slice %arg2[%add3A, %scan3A_31, %dma_wait3A, %dma_wait3A_44] : memref<32x2x40x125xi32, #tpu.memory_space<hbm>> -> memref<1x1x40x125xi32, #tpu.memory_space<hbm>>
        %dma_wait3A_46 = tpu.memref_squeeze %dma_wait3A_45 : memref<1x1x40x125xi32, #tpu.memory_space<hbm>> -> memref<40x125xi32, #tpu.memory_space<hbm>>
        %dma_wait3A_47 = arith.constant 0 : i32
        %dma_wait3A_48 = arith.constant 0 : i32
        %dma_wait3A_49 = tpu.memref_slice %arg2[%add3A, %scan3A_31, %dma_wait3A_47, %dma_wait3A_48] : memref<32x2x40x125xi32, #tpu.memory_space<hbm>> -> memref<1x1x40x125xi32, #tpu.memory_space<hbm>>
        %dma_wait3A_50 = tpu.memref_squeeze %dma_wait3A_49 : memref<1x1x40x125xi32, #tpu.memory_space<hbm>> -> memref<40x125xi32, #tpu.memory_space<hbm>>
        tpu.wait_dma2 semaphore(%run_scoped3A : memref<!tpu.dma_semaphore, #tpu.memory_space<semaphore_mem>>) src(%dma_wait3A_50 : memref<40x125xi32, #tpu.memory_space<hbm>>) dst(%arg6 : memref<40x125xi32, #tpu.memory_space<vmem>>)
        tpu.yield
      }) : () -> ()
      %scan3A_32 = arith.constant 0 : i32
      %scan3A_33 = arith.constant 40 : i32
      %scan3A_34 = arith.addi %scan3A_32, %scan3A_33 : i32
      %scan3A_35 = arith.constant 1 : i32
      scf.for %scan3A_37 = %scan3A_32 to %scan3A_34 step %scan3A_35  : i32 {
        %get3A = arith.index_cast %scan3A_37 : i32 to index
        %get3A_38 = arith.constant 0 : index
        %get3A_39 = tpu.vector_load %arg6[%get3A, %get3A_38] {strides = array<i32>} : memref<40x125xi32, #tpu.memory_space<vmem>>, vector<16xi32>,
        %shift_right_logical3A = arith.constant 7 : i32
        %shift_right_logical3A_40 = vector.broadcast %shift_right_logical3A : i32 to vector<16xi32>
        %shift_right_logical3A_41 = arith.shrui %get3A_39, %shift_right_logical3A_40 : vector<16xi32>
        %and3A = arith.constant 127 : i32
        %and3A_42 = vector.broadcast %and3A : i32 to vector<16xi32>
        %and3A_43 = arith.andi %get3A_39, %and3A_42 : vector<16xi32>
        tpu.vector_store_idx %arg5[%shift_right_logical3A_41, %and3A_43], %broadcast_in_dim3A_3 {add = true} : memref<128x128xf32, #tpu.memory_space<vmem>>[vector<16xi32>, vector<16xi32>], vector<16xf32>,
        %get3A_44 = arith.index_cast %scan3A_37 : i32 to index
        %get3A_45 = arith.constant 16 : index
        %get3A_46 = tpu.vector_load %arg6[%get3A_44, %get3A_45] {strides = array<i32>} : memref<40x125xi32, #tpu.memory_space<vmem>>, vector<16xi32>,
        %shift_right_logical3A_47 = arith.constant 7 : i32
        %shift_right_logical3A_48 = vector.broadcast %shift_right_logical3A_47 : i32 to vector<16xi32>
        %shift_right_logical3A_49 = arith.shrui %get3A_46, %shift_right_logical3A_48 : vector<16xi32>
        %and3A_50 = arith.constant 127 : i32
        %and3A_51 = vector.broadcast %and3A_50 : i32 to vector<16xi32>
        %and3A_52 = arith.andi %get3A_46, %and3A_51 : vector<16xi32>
        tpu.vector_store_idx %arg5[%shift_right_logical3A_49, %and3A_52], %broadcast_in_dim3A_3 {add = true} : memref<128x128xf32, #tpu.memory_space<vmem>>[vector<16xi32>, vector<16xi32>], vector<16xf32>,
        %get3A_53 = arith.index_cast %scan3A_37 : i32 to index
        %get3A_54 = arith.constant 32 : index
        %get3A_55 = tpu.vector_load %arg6[%get3A_53, %get3A_54] {strides = array<i32>} : memref<40x125xi32, #tpu.memory_space<vmem>>, vector<16xi32>,
        %shift_right_logical3A_56 = arith.constant 7 : i32
        %shift_right_logical3A_57 = vector.broadcast %shift_right_logical3A_56 : i32 to vector<16xi32>
        %shift_right_logical3A_58 = arith.shrui %get3A_55, %shift_right_logical3A_57 : vector<16xi32>
        %and3A_59 = arith.constant 127 : i32
        %and3A_60 = vector.broadcast %and3A_59 : i32 to vector<16xi32>
        %and3A_61 = arith.andi %get3A_55, %and3A_60 : vector<16xi32>
        tpu.vector_store_idx %arg5[%shift_right_logical3A_58, %and3A_61], %broadcast_in_dim3A_3 {add = true} : memref<128x128xf32, #tpu.memory_space<vmem>>[vector<16xi32>, vector<16xi32>], vector<16xf32>,
        %get3A_62 = arith.index_cast %scan3A_37 : i32 to index
        %get3A_63 = arith.constant 48 : index
        %get3A_64 = tpu.vector_load %arg6[%get3A_62, %get3A_63] {strides = array<i32>} : memref<40x125xi32, #tpu.memory_space<vmem>>, vector<16xi32>,
        %shift_right_logical3A_65 = arith.constant 7 : i32
        %shift_right_logical3A_66 = vector.broadcast %shift_right_logical3A_65 : i32 to vector<16xi32>
        %shift_right_logical3A_67 = arith.shrui %get3A_64, %shift_right_logical3A_66 : vector<16xi32>
        %and3A_68 = arith.constant 127 : i32
        %and3A_69 = vector.broadcast %and3A_68 : i32 to vector<16xi32>
        %and3A_70 = arith.andi %get3A_64, %and3A_69 : vector<16xi32>
        tpu.vector_store_idx %arg5[%shift_right_logical3A_67, %and3A_70], %broadcast_in_dim3A_3 {add = true} : memref<128x128xf32, #tpu.memory_space<vmem>>[vector<16xi32>, vector<16xi32>], vector<16xf32>,
        %get3A_71 = arith.index_cast %scan3A_37 : i32 to index
        %get3A_72 = arith.constant 64 : index
        %get3A_73 = tpu.vector_load %arg6[%get3A_71, %get3A_72] {strides = array<i32>} : memref<40x125xi32, #tpu.memory_space<vmem>>, vector<16xi32>,
        %shift_right_logical3A_74 = arith.constant 7 : i32
        %shift_right_logical3A_75 = vector.broadcast %shift_right_logical3A_74 : i32 to vector<16xi32>
        %shift_right_logical3A_76 = arith.shrui %get3A_73, %shift_right_logical3A_75 : vector<16xi32>
        %and3A_77 = arith.constant 127 : i32
        %and3A_78 = vector.broadcast %and3A_77 : i32 to vector<16xi32>
        %and3A_79 = arith.andi %get3A_73, %and3A_78 : vector<16xi32>
        tpu.vector_store_idx %arg5[%shift_right_logical3A_76, %and3A_79], %broadcast_in_dim3A_3 {add = true} : memref<128x128xf32, #tpu.memory_space<vmem>>[vector<16xi32>, vector<16xi32>], vector<16xf32>,
        %get3A_80 = arith.index_cast %scan3A_37 : i32 to index
        %get3A_81 = arith.constant 80 : index
        %get3A_82 = tpu.vector_load %arg6[%get3A_80, %get3A_81] {strides = array<i32>} : memref<40x125xi32, #tpu.memory_space<vmem>>, vector<16xi32>,
        %shift_right_logical3A_83 = arith.constant 7 : i32
        %shift_right_logical3A_84 = vector.broadcast %shift_right_logical3A_83 : i32 to vector<16xi32>
        %shift_right_logical3A_85 = arith.shrui %get3A_82, %shift_right_logical3A_84 : vector<16xi32>
        %and3A_86 = arith.constant 127 : i32
        %and3A_87 = vector.broadcast %and3A_86 : i32 to vector<16xi32>
        %and3A_88 = arith.andi %get3A_82, %and3A_87 : vector<16xi32>
        tpu.vector_store_idx %arg5[%shift_right_logical3A_85, %and3A_88], %broadcast_in_dim3A_3 {add = true} : memref<128x128xf32, #tpu.memory_space<vmem>>[vector<16xi32>, vector<16xi32>], vector<16xf32>,
        %get3A_89 = arith.index_cast %scan3A_37 : i32 to index
        %get3A_90 = arith.constant 96 : index
        %get3A_91 = tpu.vector_load %arg6[%get3A_89, %get3A_90] {strides = array<i32>} : memref<40x125xi32, #tpu.memory_space<vmem>>, vector<16xi32>,
        %shift_right_logical3A_92 = arith.constant 7 : i32
        %shift_right_logical3A_93 = vector.broadcast %shift_right_logical3A_92 : i32 to vector<16xi32>
        %shift_right_logical3A_94 = arith.shrui %get3A_91, %shift_right_logical3A_93 : vector<16xi32>
        %and3A_95 = arith.constant 127 : i32
        %and3A_96 = vector.broadcast %and3A_95 : i32 to vector<16xi32>
        %and3A_97 = arith.andi %get3A_91, %and3A_96 : vector<16xi32>
        tpu.vector_store_idx %arg5[%shift_right_logical3A_94, %and3A_97], %broadcast_in_dim3A_3 {add = true} : memref<128x128xf32, #tpu.memory_space<vmem>>[vector<16xi32>, vector<16xi32>], vector<16xf32>,
        %get3A_98 = arith.index_cast %scan3A_37 : i32 to index
        %get3A_99 = arith.constant 109 : index
        %get3A_100 = tpu.vector_load %arg6[%get3A_98, %get3A_99] {strides = array<i32>} : memref<40x125xi32, #tpu.memory_space<vmem>>, vector<16xi32>,
        %shift_right_logical3A_101 = arith.constant 7 : i32
        %shift_right_logical3A_102 = vector.broadcast %shift_right_logical3A_101 : i32 to vector<16xi32>
        %shift_right_logical3A_103 = arith.shrui %get3A_100, %shift_right_logical3A_102 : vector<16xi32>
        %and3A_104 = arith.constant 127 : i32
        %and3A_105 = vector.broadcast %and3A_104 : i32 to vector<16xi32>
        %and3A_106 = arith.andi %get3A_100, %and3A_105 : vector<16xi32>
        tpu.vector_store_idx %arg5[%shift_right_logical3A_103, %and3A_106], %broadcast_in_dim3A_3 masked %ge3A_5 {add = true} : memref<128x128xf32, #tpu.memory_space<vmem>>[vector<16xi32>, vector<16xi32>], vector<16xf32>, vector<16xi1>
      }
      %scan3A_36 = arith.constant 40 : i32
    }
    %scan3A_16 = arith.constant 2 : i32
    "tpu.region"() ({
      %run_scoped3A = tpu.sem_alloc : memref<!tpu.dma_semaphore, #tpu.memory_space<semaphore_mem>>
      %dma_start3A = arith.constant 0 : i32
      %dma_start3A_31 = arith.constant 0 : i32
      %dma_start3A_32 = tpu.memref_slice %arg4[%arg1, %dma_start3A, %dma_start3A_31] : memref<16x128x128xf32, #tpu.memory_space<vmem_shared>> -> memref<1x128x128xf32, #tpu.memory_space<vmem_shared>>
      %dma_start3A_33 = tpu.memref_squeeze %dma_start3A_32 : memref<1x128x128xf32, #tpu.memory_space<vmem_shared>> -> memref<128x128xf32, #tpu.memory_space<vmem_shared>>
      %dma_start3A_34 = arith.constant 0 : i32
      %dma_start3A_35 = arith.constant 0 : i32
      %dma_start3A_36 = tpu.memref_slice %arg4[%arg1, %dma_start3A_34, %dma_start3A_35] : memref<16x128x128xf32, #tpu.memory_space<vmem_shared>> -> memref<1x128x128xf32, #tpu.memory_space<vmem_shared>>
      %dma_start3A_37 = tpu.memref_squeeze %dma_start3A_36 : memref<1x128x128xf32, #tpu.memory_space<vmem_shared>> -> memref<128x128xf32, #tpu.memory_space<vmem_shared>>
      tpu.enqueue_dma source(%arg5 : memref<128x128xf32, #tpu.memory_space<vmem>>) target(%dma_start3A_37 : memref<128x128xf32, #tpu.memory_space<vmem_shared>>) target_semaphore(%run_scoped3A : memref<!tpu.dma_semaphore, #tpu.memory_space<semaphore_mem>>)
      %dma_wait3A = arith.constant 0 : i32
      %dma_wait3A_38 = arith.constant 0 : i32
      %dma_wait3A_39 = tpu.memref_slice %arg4[%arg1, %dma_wait3A, %dma_wait3A_38] : memref<16x128x128xf32, #tpu.memory_space<vmem_shared>> -> memref<1x128x128xf32, #tpu.memory_space<vmem_shared>>
      %dma_wait3A_40 = tpu.memref_squeeze %dma_wait3A_39 : memref<1x128x128xf32, #tpu.memory_space<vmem_shared>> -> memref<128x128xf32, #tpu.memory_space<vmem_shared>>
      %dma_wait3A_41 = arith.constant 0 : i32
      %dma_wait3A_42 = arith.constant 0 : i32
      %dma_wait3A_43 = tpu.memref_slice %arg4[%arg1, %dma_wait3A_41, %dma_wait3A_42] : memref<16x128x128xf32, #tpu.memory_space<vmem_shared>> -> memref<1x128x128xf32, #tpu.memory_space<vmem_shared>>
      %dma_wait3A_44 = tpu.memref_squeeze %dma_wait3A_43 : memref<1x128x128xf32, #tpu.memory_space<vmem_shared>> -> memref<128x128xf32, #tpu.memory_space<vmem_shared>>
      tpu.wait_dma2 semaphore(%run_scoped3A : memref<!tpu.dma_semaphore, #tpu.memory_space<semaphore_mem>>) src(%arg5 : memref<128x128xf32, #tpu.memory_space<vmem>>) dst(%dma_wait3A_44 : memref<128x128xf32, #tpu.memory_space<vmem_shared>>)
      tpu.yield
    }) : () -> ()
    %barrier3A = arith.constant 0 : index
    tpu.barrier barrier_id(%barrier3A)
    %mul3A_17 = arith.constant 8 : i32
    %mul3A_18 = arith.muli %arg1, %mul3A_17 : i32
    %multiple_of3A = tpu.assume_multiple %mul3A_18, 8 : i32
    %scan3A_19 = arith.constant 0 : i32
    %scan3A_20 = arith.constant 0 : i32
    %scan3A_21 = arith.constant 8 : i32
    %scan3A_22 = arith.addi %scan3A_20, %scan3A_21 : i32
    %scan3A_23 = arith.constant 1 : i32
    scf.for %scan3A_31 = %scan3A_20 to %scan3A_22 step %scan3A_23  : i32 {
      %swap3A = arith.index_cast %scan3A_31 : i32 to index
      %swap3A_32 = arith.constant 0 : index
      %swap3A_33 = tpu.vector_load %arg7[%swap3A, %swap3A_32] {strides = array<i32>} : memref<8x128xf32, #tpu.memory_space<vmem>>, vector<16xf32>,
      tpu.vector_store %arg7[%swap3A, %swap3A_32], %broadcast_in_dim3A_1 {strides = array<i32>} : memref<8x128xf32, #tpu.memory_space<vmem>>, vector<16xf32>,
      %swap3A_34 = arith.index_cast %scan3A_31 : i32 to index
      %swap3A_35 = arith.constant 16 : index
      %swap3A_36 = tpu.vector_load %arg7[%swap3A_34, %swap3A_35] {strides = array<i32>} : memref<8x128xf32, #tpu.memory_space<vmem>>, vector<16xf32>,
      tpu.vector_store %arg7[%swap3A_34, %swap3A_35], %broadcast_in_dim3A_1 {strides = array<i32>} : memref<8x128xf32, #tpu.memory_space<vmem>>, vector<16xf32>,
      %swap3A_37 = arith.index_cast %scan3A_31 : i32 to index
      %swap3A_38 = arith.constant 32 : index
      %swap3A_39 = tpu.vector_load %arg7[%swap3A_37, %swap3A_38] {strides = array<i32>} : memref<8x128xf32, #tpu.memory_space<vmem>>, vector<16xf32>,
      tpu.vector_store %arg7[%swap3A_37, %swap3A_38], %broadcast_in_dim3A_1 {strides = array<i32>} : memref<8x128xf32, #tpu.memory_space<vmem>>, vector<16xf32>,
      %swap3A_40 = arith.index_cast %scan3A_31 : i32 to index
      %swap3A_41 = arith.constant 48 : index
      %swap3A_42 = tpu.vector_load %arg7[%swap3A_40, %swap3A_41] {strides = array<i32>} : memref<8x128xf32, #tpu.memory_space<vmem>>, vector<16xf32>,
      tpu.vector_store %arg7[%swap3A_40, %swap3A_41], %broadcast_in_dim3A_1 {strides = array<i32>} : memref<8x128xf32, #tpu.memory_space<vmem>>, vector<16xf32>,
      %swap3A_43 = arith.index_cast %scan3A_31 : i32 to index
      %swap3A_44 = arith.constant 64 : index
      %swap3A_45 = tpu.vector_load %arg7[%swap3A_43, %swap3A_44] {strides = array<i32>} : memref<8x128xf32, #tpu.memory_space<vmem>>, vector<16xf32>,
      tpu.vector_store %arg7[%swap3A_43, %swap3A_44], %broadcast_in_dim3A_1 {strides = array<i32>} : memref<8x128xf32, #tpu.memory_space<vmem>>, vector<16xf32>,
      %swap3A_46 = arith.index_cast %scan3A_31 : i32 to index
      %swap3A_47 = arith.constant 80 : index
      %swap3A_48 = tpu.vector_load %arg7[%swap3A_46, %swap3A_47] {strides = array<i32>} : memref<8x128xf32, #tpu.memory_space<vmem>>, vector<16xf32>,
      tpu.vector_store %arg7[%swap3A_46, %swap3A_47], %broadcast_in_dim3A_1 {strides = array<i32>} : memref<8x128xf32, #tpu.memory_space<vmem>>, vector<16xf32>,
      %swap3A_49 = arith.index_cast %scan3A_31 : i32 to index
      %swap3A_50 = arith.constant 96 : index
      %swap3A_51 = tpu.vector_load %arg7[%swap3A_49, %swap3A_50] {strides = array<i32>} : memref<8x128xf32, #tpu.memory_space<vmem>>, vector<16xf32>,
      tpu.vector_store %arg7[%swap3A_49, %swap3A_50], %broadcast_in_dim3A_1 {strides = array<i32>} : memref<8x128xf32, #tpu.memory_space<vmem>>, vector<16xf32>,
      %swap3A_52 = arith.index_cast %scan3A_31 : i32 to index
      %swap3A_53 = arith.constant 112 : index
      %swap3A_54 = tpu.vector_load %arg7[%swap3A_52, %swap3A_53] {strides = array<i32>} : memref<8x128xf32, #tpu.memory_space<vmem>>, vector<16xf32>,
      tpu.vector_store %arg7[%swap3A_52, %swap3A_53], %broadcast_in_dim3A_1 {strides = array<i32>} : memref<8x128xf32, #tpu.memory_space<vmem>>, vector<16xf32>,
    }
    %scan3A_24 = arith.constant 8 : i32
    %scan3A_25 = arith.constant 0 : i32
    %scan3A_26 = arith.constant 0 : i32
    %scan3A_27 = arith.constant 16 : i32
    %scan3A_28 = arith.addi %scan3A_26, %scan3A_27 : i32
    %scan3A_29 = arith.constant 1 : i32
    scf.for %scan3A_31 = %scan3A_26 to %scan3A_28 step %scan3A_29  : i32 {
      "tpu.region"() ({
        %run_scoped3A = tpu.sem_alloc : memref<!tpu.dma_semaphore, #tpu.memory_space<semaphore_mem>>
        %dma_start3A = arith.constant 0 : i32
        %dma_start3A_37 = tpu.memref_slice %arg4[%scan3A_31, %multiple_of3A, %dma_start3A] : memref<16x128x128xf32, #tpu.memory_space<vmem_shared>> -> memref<1x8x128xf32, #tpu.memory_space<vmem_shared>>
        %dma_start3A_38 = tpu.memref_squeeze %dma_start3A_37 : memref<1x8x128xf32, #tpu.memory_space<vmem_shared>> -> memref<8x128xf32, #tpu.memory_space<vmem_shared>>
        %dma_start3A_39 = arith.constant 0 : i32
        %dma_start3A_40 = tpu.memref_slice %arg4[%scan3A_31, %multiple_of3A, %dma_start3A_39] : memref<16x128x128xf32, #tpu.memory_space<vmem_shared>> -> memref<1x8x128xf32, #tpu.memory_space<vmem_shared>>
        %dma_start3A_41 = tpu.memref_squeeze %dma_start3A_40 : memref<1x8x128xf32, #tpu.memory_space<vmem_shared>> -> memref<8x128xf32, #tpu.memory_space<vmem_shared>>
        tpu.enqueue_dma source(%dma_start3A_41 : memref<8x128xf32, #tpu.memory_space<vmem_shared>>) target(%arg8 : memref<8x128xf32, #tpu.memory_space<vmem>>) target_semaphore(%run_scoped3A : memref<!tpu.dma_semaphore, #tpu.memory_space<semaphore_mem>>)
        %dma_wait3A = arith.constant 0 : i32
        %dma_wait3A_42 = tpu.memref_slice %arg4[%scan3A_31, %multiple_of3A, %dma_wait3A] : memref<16x128x128xf32, #tpu.memory_space<vmem_shared>> -> memref<1x8x128xf32, #tpu.memory_space<vmem_shared>>
        %dma_wait3A_43 = tpu.memref_squeeze %dma_wait3A_42 : memref<1x8x128xf32, #tpu.memory_space<vmem_shared>> -> memref<8x128xf32, #tpu.memory_space<vmem_shared>>
        %dma_wait3A_44 = arith.constant 0 : i32
        %dma_wait3A_45 = tpu.memref_slice %arg4[%scan3A_31, %multiple_of3A, %dma_wait3A_44] : memref<16x128x128xf32, #tpu.memory_space<vmem_shared>> -> memref<1x8x128xf32, #tpu.memory_space<vmem_shared>>
        %dma_wait3A_46 = tpu.memref_squeeze %dma_wait3A_45 : memref<1x8x128xf32, #tpu.memory_space<vmem_shared>> -> memref<8x128xf32, #tpu.memory_space<vmem_shared>>
        tpu.wait_dma2 semaphore(%run_scoped3A : memref<!tpu.dma_semaphore, #tpu.memory_space<semaphore_mem>>) src(%dma_wait3A_46 : memref<8x128xf32, #tpu.memory_space<vmem_shared>>) dst(%arg8 : memref<8x128xf32, #tpu.memory_space<vmem>>)
        tpu.yield
      }) : () -> ()
      %scan3A_32 = arith.constant 0 : i32
      %scan3A_33 = arith.constant 8 : i32
      %scan3A_34 = arith.addi %scan3A_32, %scan3A_33 : i32
      %scan3A_35 = arith.constant 1 : i32
      scf.for %scan3A_37 = %scan3A_32 to %scan3A_34 step %scan3A_35  : i32 {
        %get3A = arith.index_cast %scan3A_37 : i32 to index
        %get3A_38 = arith.constant 0 : index
        %get3A_39 = tpu.vector_load %arg7[%get3A, %get3A_38] {strides = array<i32>} : memref<8x128xf32, #tpu.memory_space<vmem>>, vector<16xf32>,
        %get3A_40 = arith.index_cast %scan3A_37 : i32 to index
        %get3A_41 = arith.constant 0 : index
        %get3A_42 = tpu.vector_load %arg8[%get3A_40, %get3A_41] {strides = array<i32>} : memref<8x128xf32, #tpu.memory_space<vmem>>, vector<16xf32>,
        %add3A_43 = arith.addf %get3A_39, %get3A_42 : vector<16xf32>
        %swap3A = arith.index_cast %scan3A_37 : i32 to index
        %swap3A_44 = arith.constant 0 : index
        %swap3A_45 = tpu.vector_load %arg7[%swap3A, %swap3A_44] {strides = array<i32>} : memref<8x128xf32, #tpu.memory_space<vmem>>, vector<16xf32>,
        tpu.vector_store %arg7[%swap3A, %swap3A_44], %add3A_43 {strides = array<i32>} : memref<8x128xf32, #tpu.memory_space<vmem>>, vector<16xf32>,
        %get3A_46 = arith.index_cast %scan3A_37 : i32 to index
        %get3A_47 = arith.constant 16 : index
        %get3A_48 = tpu.vector_load %arg7[%get3A_46, %get3A_47] {strides = array<i32>} : memref<8x128xf32, #tpu.memory_space<vmem>>, vector<16xf32>,
        %get3A_49 = arith.index_cast %scan3A_37 : i32 to index
        %get3A_50 = arith.constant 16 : index
        %get3A_51 = tpu.vector_load %arg8[%get3A_49, %get3A_50] {strides = array<i32>} : memref<8x128xf32, #tpu.memory_space<vmem>>, vector<16xf32>,
        %add3A_52 = arith.addf %get3A_48, %get3A_51 : vector<16xf32>
        %swap3A_53 = arith.index_cast %scan3A_37 : i32 to index
        %swap3A_54 = arith.constant 16 : index
        %swap3A_55 = tpu.vector_load %arg7[%swap3A_53, %swap3A_54] {strides = array<i32>} : memref<8x128xf32, #tpu.memory_space<vmem>>, vector<16xf32>,
        tpu.vector_store %arg7[%swap3A_53, %swap3A_54], %add3A_52 {strides = array<i32>} : memref<8x128xf32, #tpu.memory_space<vmem>>, vector<16xf32>,
        %get3A_56 = arith.index_cast %scan3A_37 : i32 to index
        %get3A_57 = arith.constant 32 : index
        %get3A_58 = tpu.vector_load %arg7[%get3A_56, %get3A_57] {strides = array<i32>} : memref<8x128xf32, #tpu.memory_space<vmem>>, vector<16xf32>,
        %get3A_59 = arith.index_cast %scan3A_37 : i32 to index
        %get3A_60 = arith.constant 32 : index
        %get3A_61 = tpu.vector_load %arg8[%get3A_59, %get3A_60] {strides = array<i32>} : memref<8x128xf32, #tpu.memory_space<vmem>>, vector<16xf32>,
        %add3A_62 = arith.addf %get3A_58, %get3A_61 : vector<16xf32>
        %swap3A_63 = arith.index_cast %scan3A_37 : i32 to index
        %swap3A_64 = arith.constant 32 : index
        %swap3A_65 = tpu.vector_load %arg7[%swap3A_63, %swap3A_64] {strides = array<i32>} : memref<8x128xf32, #tpu.memory_space<vmem>>, vector<16xf32>,
        tpu.vector_store %arg7[%swap3A_63, %swap3A_64], %add3A_62 {strides = array<i32>} : memref<8x128xf32, #tpu.memory_space<vmem>>, vector<16xf32>,
        %get3A_66 = arith.index_cast %scan3A_37 : i32 to index
        %get3A_67 = arith.constant 48 : index
        %get3A_68 = tpu.vector_load %arg7[%get3A_66, %get3A_67] {strides = array<i32>} : memref<8x128xf32, #tpu.memory_space<vmem>>, vector<16xf32>,
        %get3A_69 = arith.index_cast %scan3A_37 : i32 to index
        %get3A_70 = arith.constant 48 : index
        %get3A_71 = tpu.vector_load %arg8[%get3A_69, %get3A_70] {strides = array<i32>} : memref<8x128xf32, #tpu.memory_space<vmem>>, vector<16xf32>,
        %add3A_72 = arith.addf %get3A_68, %get3A_71 : vector<16xf32>
        %swap3A_73 = arith.index_cast %scan3A_37 : i32 to index
        %swap3A_74 = arith.constant 48 : index
        %swap3A_75 = tpu.vector_load %arg7[%swap3A_73, %swap3A_74] {strides = array<i32>} : memref<8x128xf32, #tpu.memory_space<vmem>>, vector<16xf32>,
        tpu.vector_store %arg7[%swap3A_73, %swap3A_74], %add3A_72 {strides = array<i32>} : memref<8x128xf32, #tpu.memory_space<vmem>>, vector<16xf32>,
        %get3A_76 = arith.index_cast %scan3A_37 : i32 to index
        %get3A_77 = arith.constant 64 : index
        %get3A_78 = tpu.vector_load %arg7[%get3A_76, %get3A_77] {strides = array<i32>} : memref<8x128xf32, #tpu.memory_space<vmem>>, vector<16xf32>,
        %get3A_79 = arith.index_cast %scan3A_37 : i32 to index
        %get3A_80 = arith.constant 64 : index
        %get3A_81 = tpu.vector_load %arg8[%get3A_79, %get3A_80] {strides = array<i32>} : memref<8x128xf32, #tpu.memory_space<vmem>>, vector<16xf32>,
        %add3A_82 = arith.addf %get3A_78, %get3A_81 : vector<16xf32>
        %swap3A_83 = arith.index_cast %scan3A_37 : i32 to index
        %swap3A_84 = arith.constant 64 : index
        %swap3A_85 = tpu.vector_load %arg7[%swap3A_83, %swap3A_84] {strides = array<i32>} : memref<8x128xf32, #tpu.memory_space<vmem>>, vector<16xf32>,
        tpu.vector_store %arg7[%swap3A_83, %swap3A_84], %add3A_82 {strides = array<i32>} : memref<8x128xf32, #tpu.memory_space<vmem>>, vector<16xf32>,
        %get3A_86 = arith.index_cast %scan3A_37 : i32 to index
        %get3A_87 = arith.constant 80 : index
        %get3A_88 = tpu.vector_load %arg7[%get3A_86, %get3A_87] {strides = array<i32>} : memref<8x128xf32, #tpu.memory_space<vmem>>, vector<16xf32>,
        %get3A_89 = arith.index_cast %scan3A_37 : i32 to index
        %get3A_90 = arith.constant 80 : index
        %get3A_91 = tpu.vector_load %arg8[%get3A_89, %get3A_90] {strides = array<i32>} : memref<8x128xf32, #tpu.memory_space<vmem>>, vector<16xf32>,
        %add3A_92 = arith.addf %get3A_88, %get3A_91 : vector<16xf32>
        %swap3A_93 = arith.index_cast %scan3A_37 : i32 to index
        %swap3A_94 = arith.constant 80 : index
        %swap3A_95 = tpu.vector_load %arg7[%swap3A_93, %swap3A_94] {strides = array<i32>} : memref<8x128xf32, #tpu.memory_space<vmem>>, vector<16xf32>,
        tpu.vector_store %arg7[%swap3A_93, %swap3A_94], %add3A_92 {strides = array<i32>} : memref<8x128xf32, #tpu.memory_space<vmem>>, vector<16xf32>,
        %get3A_96 = arith.index_cast %scan3A_37 : i32 to index
        %get3A_97 = arith.constant 96 : index
        %get3A_98 = tpu.vector_load %arg7[%get3A_96, %get3A_97] {strides = array<i32>} : memref<8x128xf32, #tpu.memory_space<vmem>>, vector<16xf32>,
        %get3A_99 = arith.index_cast %scan3A_37 : i32 to index
        %get3A_100 = arith.constant 96 : index
        %get3A_101 = tpu.vector_load %arg8[%get3A_99, %get3A_100] {strides = array<i32>} : memref<8x128xf32, #tpu.memory_space<vmem>>, vector<16xf32>,
        %add3A_102 = arith.addf %get3A_98, %get3A_101 : vector<16xf32>
        %swap3A_103 = arith.index_cast %scan3A_37 : i32 to index
        %swap3A_104 = arith.constant 96 : index
        %swap3A_105 = tpu.vector_load %arg7[%swap3A_103, %swap3A_104] {strides = array<i32>} : memref<8x128xf32, #tpu.memory_space<vmem>>, vector<16xf32>,
        tpu.vector_store %arg7[%swap3A_103, %swap3A_104], %add3A_102 {strides = array<i32>} : memref<8x128xf32, #tpu.memory_space<vmem>>, vector<16xf32>,
        %get3A_106 = arith.index_cast %scan3A_37 : i32 to index
        %get3A_107 = arith.constant 112 : index
        %get3A_108 = tpu.vector_load %arg7[%get3A_106, %get3A_107] {strides = array<i32>} : memref<8x128xf32, #tpu.memory_space<vmem>>, vector<16xf32>,
        %get3A_109 = arith.index_cast %scan3A_37 : i32 to index
        %get3A_110 = arith.constant 112 : index
        %get3A_111 = tpu.vector_load %arg8[%get3A_109, %get3A_110] {strides = array<i32>} : memref<8x128xf32, #tpu.memory_space<vmem>>, vector<16xf32>,
        %add3A_112 = arith.addf %get3A_108, %get3A_111 : vector<16xf32>
        %swap3A_113 = arith.index_cast %scan3A_37 : i32 to index
        %swap3A_114 = arith.constant 112 : index
        %swap3A_115 = tpu.vector_load %arg7[%swap3A_113, %swap3A_114] {strides = array<i32>} : memref<8x128xf32, #tpu.memory_space<vmem>>, vector<16xf32>,
        tpu.vector_store %arg7[%swap3A_113, %swap3A_114], %add3A_112 {strides = array<i32>} : memref<8x128xf32, #tpu.memory_space<vmem>>, vector<16xf32>,
      }
      %scan3A_36 = arith.constant 8 : i32
    }
    %scan3A_30 = arith.constant 16 : i32
    "tpu.region"() ({
      %run_scoped3A = tpu.sem_alloc : memref<!tpu.dma_semaphore, #tpu.memory_space<semaphore_mem>>
      %dma_start3A = arith.constant 0 : i32
      %dma_start3A_31 = tpu.memref_slice %arg3[%arg0, %multiple_of3A, %dma_start3A] : memref<2x128x128xf32, #tpu.memory_space<hbm>> -> memref<1x8x128xf32, #tpu.memory_space<hbm>>
      %dma_start3A_32 = tpu.memref_squeeze %dma_start3A_31 : memref<1x8x128xf32, #tpu.memory_space<hbm>> -> memref<8x128xf32, #tpu.memory_space<hbm>>
      %dma_start3A_33 = arith.constant 0 : i32
      %dma_start3A_34 = tpu.memref_slice %arg3[%arg0, %multiple_of3A, %dma_start3A_33] : memref<2x128x128xf32, #tpu.memory_space<hbm>> -> memref<1x8x128xf32, #tpu.memory_space<hbm>>
      %dma_start3A_35 = tpu.memref_squeeze %dma_start3A_34 : memref<1x8x128xf32, #tpu.memory_space<hbm>> -> memref<8x128xf32, #tpu.memory_space<hbm>>
      tpu.enqueue_dma source(%arg7 : memref<8x128xf32, #tpu.memory_space<vmem>>) target(%dma_start3A_35 : memref<8x128xf32, #tpu.memory_space<hbm>>) target_semaphore(%run_scoped3A : memref<!tpu.dma_semaphore, #tpu.memory_space<semaphore_mem>>)
      %dma_wait3A = arith.constant 0 : i32
      %dma_wait3A_36 = tpu.memref_slice %arg3[%arg0, %multiple_of3A, %dma_wait3A] : memref<2x128x128xf32, #tpu.memory_space<hbm>> -> memref<1x8x128xf32, #tpu.memory_space<hbm>>
      %dma_wait3A_37 = tpu.memref_squeeze %dma_wait3A_36 : memref<1x8x128xf32, #tpu.memory_space<hbm>> -> memref<8x128xf32, #tpu.memory_space<hbm>>
      %dma_wait3A_38 = arith.constant 0 : i32
      %dma_wait3A_39 = tpu.memref_slice %arg3[%arg0, %multiple_of3A, %dma_wait3A_38] : memref<2x128x128xf32, #tpu.memory_space<hbm>> -> memref<1x8x128xf32, #tpu.memory_space<hbm>>
      %dma_wait3A_40 = tpu.memref_squeeze %dma_wait3A_39 : memref<1x8x128xf32, #tpu.memory_space<hbm>> -> memref<8x128xf32, #tpu.memory_space<hbm>>
      tpu.wait_dma2 semaphore(%run_scoped3A : memref<!tpu.dma_semaphore, #tpu.memory_space<semaphore_mem>>) src(%arg7 : memref<8x128xf32, #tpu.memory_space<vmem>>) dst(%dma_wait3A_40 : memref<8x128xf32, #tpu.memory_space<hbm>>)
      tpu.yield
    }) : () -> ()
    return
  }
}

#map = affine_map<(d0, d1) -> (0, 0, 0, 0)>
#map1 = affine_map<(d0, d1) -> (0, 0)>
#map2 = affine_map<(d0, d1) -> (0, 0, 0)>
module attributes {stable_mosaic.version = 14 : i64} {
  func.func @_spmv_body(%arg0: i32, %arg1: i32, %arg2: memref<32x2x40x125xi32, #tpu.memory_space<hbm>>, %arg3: memref<32x2x40x125xi32, #tpu.memory_space<hbm>>, %arg4: memref<10000x128xf32, #tpu.memory_space<hbm>>, %arg5: memref<2x10000x128xf32, #tpu.memory_space<hbm>>, %arg6: memref<10000x128xf32, #tpu.memory_space<vmem_shared>>, %arg7: memref<40x125xi32, #tpu.memory_space<vmem>>, %arg8: memref<40x125xi32, #tpu.memory_space<vmem>>, %arg9: memref<125x128xf32, #tpu.memory_space<vmem>>, %arg10: memref<125x128xf32, #tpu.memory_space<vmem>>, %arg11: memref<!tpu.dma_semaphore, #tpu.memory_space<semaphore_mem>>, %arg12: memref<!tpu.dma_semaphore, #tpu.memory_space<semaphore_mem>>, %arg13: memref<!tpu.dma_semaphore, #tpu.memory_space<semaphore_mem>>, %arg14: memref<!tpu.dma_semaphore, #tpu.memory_space<semaphore_mem>>) attributes {dimension_semantics = [#tpu.dimension_semantics<core_parallel>, #tpu.dimension_semantics<subcore_parallel>], iteration_bounds = array<i64: 2, 16>, scalar_prefetch = 0 : i64, scratch_operands = 9 : i64, tpu.core_type = #tpu.core_type<sc_vector_subcore>, window_params = [{transform_indices = #map}, {transform_indices = #map}, {transform_indices = #map1}, {transform_indices = #map2}]} {
    %mul3A = arith.constant 2 : i32
    %mul3A_0 = arith.muli %arg1, %mul3A : i32
    %add3A = arith.addi %mul3A_0, %arg0 : i32
    %broadcast_in_dim3A = arith.constant 0.000000e+00 : f32
    %broadcast_in_dim3A_1 = vector.broadcast %broadcast_in_dim3A : f32 to vector<16xf32>
    %scan3A = arith.constant 0 : i32
    %scan3A_2 = arith.constant 0 : i32
    %scan3A_3 = arith.constant 125 : i32
    %scan3A_4 = arith.addi %scan3A_2, %scan3A_3 : i32
    %scan3A_5 = arith.constant 1 : i32
    scf.for %scan3A_35 = %scan3A_2 to %scan3A_4 step %scan3A_5  : i32 {
      %swap3A = arith.index_cast %scan3A_35 : i32 to index
      %swap3A_36 = arith.constant 0 : index
      %swap3A_37 = tpu.vector_load %arg9[%swap3A, %swap3A_36] {strides = array<i32>} : memref<125x128xf32, #tpu.memory_space<vmem>>, vector<1x16xf32>,
      %swap3A_38 = vector.shape_cast %swap3A_37 : vector<1x16xf32> to vector<16xf32>
      %swap3A_39 = vector.shape_cast %broadcast_in_dim3A_1 : vector<16xf32> to vector<1x16xf32>
      tpu.vector_store %arg9[%swap3A, %swap3A_36], %swap3A_39 {strides = array<i32>} : memref<125x128xf32, #tpu.memory_space<vmem>>, vector<1x16xf32>,
      %swap3A_40 = arith.index_cast %scan3A_35 : i32 to index
      %swap3A_41 = arith.constant 16 : index
      %swap3A_42 = tpu.vector_load %arg9[%swap3A_40, %swap3A_41] {strides = array<i32>} : memref<125x128xf32, #tpu.memory_space<vmem>>, vector<1x16xf32>,
      %swap3A_43 = vector.shape_cast %swap3A_42 : vector<1x16xf32> to vector<16xf32>
      %swap3A_44 = vector.shape_cast %broadcast_in_dim3A_1 : vector<16xf32> to vector<1x16xf32>
      tpu.vector_store %arg9[%swap3A_40, %swap3A_41], %swap3A_44 {strides = array<i32>} : memref<125x128xf32, #tpu.memory_space<vmem>>, vector<1x16xf32>,
      %swap3A_45 = arith.index_cast %scan3A_35 : i32 to index
      %swap3A_46 = arith.constant 32 : index
      %swap3A_47 = tpu.vector_load %arg9[%swap3A_45, %swap3A_46] {strides = array<i32>} : memref<125x128xf32, #tpu.memory_space<vmem>>, vector<1x16xf32>,
      %swap3A_48 = vector.shape_cast %swap3A_47 : vector<1x16xf32> to vector<16xf32>
      %swap3A_49 = vector.shape_cast %broadcast_in_dim3A_1 : vector<16xf32> to vector<1x16xf32>
      tpu.vector_store %arg9[%swap3A_45, %swap3A_46], %swap3A_49 {strides = array<i32>} : memref<125x128xf32, #tpu.memory_space<vmem>>, vector<1x16xf32>,
      %swap3A_50 = arith.index_cast %scan3A_35 : i32 to index
      %swap3A_51 = arith.constant 48 : index
      %swap3A_52 = tpu.vector_load %arg9[%swap3A_50, %swap3A_51] {strides = array<i32>} : memref<125x128xf32, #tpu.memory_space<vmem>>, vector<1x16xf32>,
      %swap3A_53 = vector.shape_cast %swap3A_52 : vector<1x16xf32> to vector<16xf32>
      %swap3A_54 = vector.shape_cast %broadcast_in_dim3A_1 : vector<16xf32> to vector<1x16xf32>
      tpu.vector_store %arg9[%swap3A_50, %swap3A_51], %swap3A_54 {strides = array<i32>} : memref<125x128xf32, #tpu.memory_space<vmem>>, vector<1x16xf32>,
      %swap3A_55 = arith.index_cast %scan3A_35 : i32 to index
      %swap3A_56 = arith.constant 64 : index
      %swap3A_57 = tpu.vector_load %arg9[%swap3A_55, %swap3A_56] {strides = array<i32>} : memref<125x128xf32, #tpu.memory_space<vmem>>, vector<1x16xf32>,
      %swap3A_58 = vector.shape_cast %swap3A_57 : vector<1x16xf32> to vector<16xf32>
      %swap3A_59 = vector.shape_cast %broadcast_in_dim3A_1 : vector<16xf32> to vector<1x16xf32>
      tpu.vector_store %arg9[%swap3A_55, %swap3A_56], %swap3A_59 {strides = array<i32>} : memref<125x128xf32, #tpu.memory_space<vmem>>, vector<1x16xf32>,
      %swap3A_60 = arith.index_cast %scan3A_35 : i32 to index
      %swap3A_61 = arith.constant 80 : index
      %swap3A_62 = tpu.vector_load %arg9[%swap3A_60, %swap3A_61] {strides = array<i32>} : memref<125x128xf32, #tpu.memory_space<vmem>>, vector<1x16xf32>,
      %swap3A_63 = vector.shape_cast %swap3A_62 : vector<1x16xf32> to vector<16xf32>
      %swap3A_64 = vector.shape_cast %broadcast_in_dim3A_1 : vector<16xf32> to vector<1x16xf32>
      tpu.vector_store %arg9[%swap3A_60, %swap3A_61], %swap3A_64 {strides = array<i32>} : memref<125x128xf32, #tpu.memory_space<vmem>>, vector<1x16xf32>,
      %swap3A_65 = arith.index_cast %scan3A_35 : i32 to index
      %swap3A_66 = arith.constant 96 : index
      %swap3A_67 = tpu.vector_load %arg9[%swap3A_65, %swap3A_66] {strides = array<i32>} : memref<125x128xf32, #tpu.memory_space<vmem>>, vector<1x16xf32>,
      %swap3A_68 = vector.shape_cast %swap3A_67 : vector<1x16xf32> to vector<16xf32>
      %swap3A_69 = vector.shape_cast %broadcast_in_dim3A_1 : vector<16xf32> to vector<1x16xf32>
      tpu.vector_store %arg9[%swap3A_65, %swap3A_66], %swap3A_69 {strides = array<i32>} : memref<125x128xf32, #tpu.memory_space<vmem>>, vector<1x16xf32>,
      %swap3A_70 = arith.index_cast %scan3A_35 : i32 to index
      %swap3A_71 = arith.constant 112 : index
      %swap3A_72 = tpu.vector_load %arg9[%swap3A_70, %swap3A_71] {strides = array<i32>} : memref<125x128xf32, #tpu.memory_space<vmem>>, vector<1x16xf32>,
      %swap3A_73 = vector.shape_cast %swap3A_72 : vector<1x16xf32> to vector<16xf32>
      %swap3A_74 = vector.shape_cast %broadcast_in_dim3A_1 : vector<16xf32> to vector<1x16xf32>
      tpu.vector_store %arg9[%swap3A_70, %swap3A_71], %swap3A_74 {strides = array<i32>} : memref<125x128xf32, #tpu.memory_space<vmem>>, vector<1x16xf32>,
    }
    %scan3A_6 = arith.constant 125 : i32
    %mul3A_7 = arith.constant 624 : i32
    %mul3A_8 = arith.muli %arg1, %mul3A_7 : i32
    %multiple_of3A = tpu.assume_multiple %mul3A_8, 8 : i32
    %add3A_9 = arith.constant 0 : i32
    %add3A_10 = arith.addi %multiple_of3A, %add3A_9 : i32
    "tpu.region"() ({
      %run_scoped3A = tpu.sem_alloc : memref<!tpu.dma_semaphore, #tpu.memory_space<semaphore_mem>>
      %dma_start3A = arith.constant 0 : i32
      %dma_start3A_35 = arith.constant 0 : i32
      %dma_start3A_36 = tpu.memref_slice %arg9[%dma_start3A, %dma_start3A_35] : memref<125x128xf32, #tpu.memory_space<vmem>> -> memref<104x128xf32, #tpu.memory_space<vmem>>
      %dma_start3A_37 = arith.constant 0 : i32
      %dma_start3A_38 = tpu.memref_slice %arg6[%add3A_10, %dma_start3A_37] : memref<10000x128xf32, #tpu.memory_space<vmem_shared>> -> memref<104x128xf32, #tpu.memory_space<vmem_shared>>
      %dma_start3A_39 = arith.constant 0 : i32
      %dma_start3A_40 = tpu.memref_slice %arg6[%add3A_10, %dma_start3A_39] : memref<10000x128xf32, #tpu.memory_space<vmem_shared>> -> memref<104x128xf32, #tpu.memory_space<vmem_shared>>
      %dma_start3A_41 = arith.constant 0 : i32
      %dma_start3A_42 = arith.constant 0 : i32
      %dma_start3A_43 = tpu.memref_slice %arg9[%dma_start3A_41, %dma_start3A_42] : memref<125x128xf32, #tpu.memory_space<vmem>> -> memref<104x128xf32, #tpu.memory_space<vmem>>
      tpu.enqueue_dma source(%dma_start3A_43 : memref<104x128xf32, #tpu.memory_space<vmem>>) target(%dma_start3A_40 : memref<104x128xf32, #tpu.memory_space<vmem_shared>>) target_semaphore(%run_scoped3A : memref<!tpu.dma_semaphore, #tpu.memory_space<semaphore_mem>>)
      %dma_wait3A = arith.constant 0 : i32
      %dma_wait3A_44 = arith.constant 0 : i32
      %dma_wait3A_45 = tpu.memref_slice %arg9[%dma_wait3A, %dma_wait3A_44] : memref<125x128xf32, #tpu.memory_space<vmem>> -> memref<104x128xf32, #tpu.memory_space<vmem>>
      %dma_wait3A_46 = arith.constant 0 : i32
      %dma_wait3A_47 = tpu.memref_slice %arg6[%add3A_10, %dma_wait3A_46] : memref<10000x128xf32, #tpu.memory_space<vmem_shared>> -> memref<104x128xf32, #tpu.memory_space<vmem_shared>>
      %dma_wait3A_48 = arith.constant 0 : i32
      %dma_wait3A_49 = tpu.memref_slice %arg6[%add3A_10, %dma_wait3A_48] : memref<10000x128xf32, #tpu.memory_space<vmem_shared>> -> memref<104x128xf32, #tpu.memory_space<vmem_shared>>
      %dma_wait3A_50 = arith.constant 0 : i32
      %dma_wait3A_51 = arith.constant 0 : i32
      %dma_wait3A_52 = tpu.memref_slice %arg9[%dma_wait3A_50, %dma_wait3A_51] : memref<125x128xf32, #tpu.memory_space<vmem>> -> memref<104x128xf32, #tpu.memory_space<vmem>>
      tpu.wait_dma2 semaphore(%run_scoped3A : memref<!tpu.dma_semaphore, #tpu.memory_space<semaphore_mem>>) src(%dma_wait3A_52 : memref<104x128xf32, #tpu.memory_space<vmem>>) dst(%dma_wait3A_49 : memref<104x128xf32, #tpu.memory_space<vmem_shared>>)
      tpu.yield
    }) : () -> ()
    %add3A_11 = arith.constant 104 : i32
    %add3A_12 = arith.addi %multiple_of3A, %add3A_11 : i32
    "tpu.region"() ({
      %run_scoped3A = tpu.sem_alloc : memref<!tpu.dma_semaphore, #tpu.memory_space<semaphore_mem>>
      %dma_start3A = arith.constant 0 : i32
      %dma_start3A_35 = arith.constant 0 : i32
      %dma_start3A_36 = tpu.memref_slice %arg9[%dma_start3A, %dma_start3A_35] : memref<125x128xf32, #tpu.memory_space<vmem>> -> memref<104x128xf32, #tpu.memory_space<vmem>>
      %dma_start3A_37 = arith.constant 0 : i32
      %dma_start3A_38 = tpu.memref_slice %arg6[%add3A_12, %dma_start3A_37] : memref<10000x128xf32, #tpu.memory_space<vmem_shared>> -> memref<104x128xf32, #tpu.memory_space<vmem_shared>>
      %dma_start3A_39 = arith.constant 0 : i32
      %dma_start3A_40 = tpu.memref_slice %arg6[%add3A_12, %dma_start3A_39] : memref<10000x128xf32, #tpu.memory_space<vmem_shared>> -> memref<104x128xf32, #tpu.memory_space<vmem_shared>>
      %dma_start3A_41 = arith.constant 0 : i32
      %dma_start3A_42 = arith.constant 0 : i32
      %dma_start3A_43 = tpu.memref_slice %arg9[%dma_start3A_41, %dma_start3A_42] : memref<125x128xf32, #tpu.memory_space<vmem>> -> memref<104x128xf32, #tpu.memory_space<vmem>>
      tpu.enqueue_dma source(%dma_start3A_43 : memref<104x128xf32, #tpu.memory_space<vmem>>) target(%dma_start3A_40 : memref<104x128xf32, #tpu.memory_space<vmem_shared>>) target_semaphore(%run_scoped3A : memref<!tpu.dma_semaphore, #tpu.memory_space<semaphore_mem>>)
      %dma_wait3A = arith.constant 0 : i32
      %dma_wait3A_44 = arith.constant 0 : i32
      %dma_wait3A_45 = tpu.memref_slice %arg9[%dma_wait3A, %dma_wait3A_44] : memref<125x128xf32, #tpu.memory_space<vmem>> -> memref<104x128xf32, #tpu.memory_space<vmem>>
      %dma_wait3A_46 = arith.constant 0 : i32
      %dma_wait3A_47 = tpu.memref_slice %arg6[%add3A_12, %dma_wait3A_46] : memref<10000x128xf32, #tpu.memory_space<vmem_shared>> -> memref<104x128xf32, #tpu.memory_space<vmem_shared>>
      %dma_wait3A_48 = arith.constant 0 : i32
      %dma_wait3A_49 = tpu.memref_slice %arg6[%add3A_12, %dma_wait3A_48] : memref<10000x128xf32, #tpu.memory_space<vmem_shared>> -> memref<104x128xf32, #tpu.memory_space<vmem_shared>>
      %dma_wait3A_50 = arith.constant 0 : i32
      %dma_wait3A_51 = arith.constant 0 : i32
      %dma_wait3A_52 = tpu.memref_slice %arg9[%dma_wait3A_50, %dma_wait3A_51] : memref<125x128xf32, #tpu.memory_space<vmem>> -> memref<104x128xf32, #tpu.memory_space<vmem>>
      tpu.wait_dma2 semaphore(%run_scoped3A : memref<!tpu.dma_semaphore, #tpu.memory_space<semaphore_mem>>) src(%dma_wait3A_52 : memref<104x128xf32, #tpu.memory_space<vmem>>) dst(%dma_wait3A_49 : memref<104x128xf32, #tpu.memory_space<vmem_shared>>)
      tpu.yield
    }) : () -> ()
    %add3A_13 = arith.constant 208 : i32
    %add3A_14 = arith.addi %multiple_of3A, %add3A_13 : i32
    "tpu.region"() ({
      %run_scoped3A = tpu.sem_alloc : memref<!tpu.dma_semaphore, #tpu.memory_space<semaphore_mem>>
      %dma_start3A = arith.constant 0 : i32
      %dma_start3A_35 = arith.constant 0 : i32
      %dma_start3A_36 = tpu.memref_slice %arg9[%dma_start3A, %dma_start3A_35] : memref<125x128xf32, #tpu.memory_space<vmem>> -> memref<104x128xf32, #tpu.memory_space<vmem>>
      %dma_start3A_37 = arith.constant 0 : i32
      %dma_start3A_38 = tpu.memref_slice %arg6[%add3A_14, %dma_start3A_37] : memref<10000x128xf32, #tpu.memory_space<vmem_shared>> -> memref<104x128xf32, #tpu.memory_space<vmem_shared>>
      %dma_start3A_39 = arith.constant 0 : i32
      %dma_start3A_40 = tpu.memref_slice %arg6[%add3A_14, %dma_start3A_39] : memref<10000x128xf32, #tpu.memory_space<vmem_shared>> -> memref<104x128xf32, #tpu.memory_space<vmem_shared>>
      %dma_start3A_41 = arith.constant 0 : i32
      %dma_start3A_42 = arith.constant 0 : i32
      %dma_start3A_43 = tpu.memref_slice %arg9[%dma_start3A_41, %dma_start3A_42] : memref<125x128xf32, #tpu.memory_space<vmem>> -> memref<104x128xf32, #tpu.memory_space<vmem>>
      tpu.enqueue_dma source(%dma_start3A_43 : memref<104x128xf32, #tpu.memory_space<vmem>>) target(%dma_start3A_40 : memref<104x128xf32, #tpu.memory_space<vmem_shared>>) target_semaphore(%run_scoped3A : memref<!tpu.dma_semaphore, #tpu.memory_space<semaphore_mem>>)
      %dma_wait3A = arith.constant 0 : i32
      %dma_wait3A_44 = arith.constant 0 : i32
      %dma_wait3A_45 = tpu.memref_slice %arg9[%dma_wait3A, %dma_wait3A_44] : memref<125x128xf32, #tpu.memory_space<vmem>> -> memref<104x128xf32, #tpu.memory_space<vmem>>
      %dma_wait3A_46 = arith.constant 0 : i32
      %dma_wait3A_47 = tpu.memref_slice %arg6[%add3A_14, %dma_wait3A_46] : memref<10000x128xf32, #tpu.memory_space<vmem_shared>> -> memref<104x128xf32, #tpu.memory_space<vmem_shared>>
      %dma_wait3A_48 = arith.constant 0 : i32
      %dma_wait3A_49 = tpu.memref_slice %arg6[%add3A_14, %dma_wait3A_48] : memref<10000x128xf32, #tpu.memory_space<vmem_shared>> -> memref<104x128xf32, #tpu.memory_space<vmem_shared>>
      %dma_wait3A_50 = arith.constant 0 : i32
      %dma_wait3A_51 = arith.constant 0 : i32
      %dma_wait3A_52 = tpu.memref_slice %arg9[%dma_wait3A_50, %dma_wait3A_51] : memref<125x128xf32, #tpu.memory_space<vmem>> -> memref<104x128xf32, #tpu.memory_space<vmem>>
      tpu.wait_dma2 semaphore(%run_scoped3A : memref<!tpu.dma_semaphore, #tpu.memory_space<semaphore_mem>>) src(%dma_wait3A_52 : memref<104x128xf32, #tpu.memory_space<vmem>>) dst(%dma_wait3A_49 : memref<104x128xf32, #tpu.memory_space<vmem_shared>>)
      tpu.yield
    }) : () -> ()
    %add3A_15 = arith.constant 312 : i32
    %add3A_16 = arith.addi %multiple_of3A, %add3A_15 : i32
    "tpu.region"() ({
      %run_scoped3A = tpu.sem_alloc : memref<!tpu.dma_semaphore, #tpu.memory_space<semaphore_mem>>
      %dma_start3A = arith.constant 0 : i32
      %dma_start3A_35 = arith.constant 0 : i32
      %dma_start3A_36 = tpu.memref_slice %arg9[%dma_start3A, %dma_start3A_35] : memref<125x128xf32, #tpu.memory_space<vmem>> -> memref<104x128xf32, #tpu.memory_space<vmem>>
      %dma_start3A_37 = arith.constant 0 : i32
      %dma_start3A_38 = tpu.memref_slice %arg6[%add3A_16, %dma_start3A_37] : memref<10000x128xf32, #tpu.memory_space<vmem_shared>> -> memref<104x128xf32, #tpu.memory_space<vmem_shared>>
      %dma_start3A_39 = arith.constant 0 : i32
      %dma_start3A_40 = tpu.memref_slice %arg6[%add3A_16, %dma_start3A_39] : memref<10000x128xf32, #tpu.memory_space<vmem_shared>> -> memref<104x128xf32, #tpu.memory_space<vmem_shared>>
      %dma_start3A_41 = arith.constant 0 : i32
      %dma_start3A_42 = arith.constant 0 : i32
      %dma_start3A_43 = tpu.memref_slice %arg9[%dma_start3A_41, %dma_start3A_42] : memref<125x128xf32, #tpu.memory_space<vmem>> -> memref<104x128xf32, #tpu.memory_space<vmem>>
      tpu.enqueue_dma source(%dma_start3A_43 : memref<104x128xf32, #tpu.memory_space<vmem>>) target(%dma_start3A_40 : memref<104x128xf32, #tpu.memory_space<vmem_shared>>) target_semaphore(%run_scoped3A : memref<!tpu.dma_semaphore, #tpu.memory_space<semaphore_mem>>)
      %dma_wait3A = arith.constant 0 : i32
      %dma_wait3A_44 = arith.constant 0 : i32
      %dma_wait3A_45 = tpu.memref_slice %arg9[%dma_wait3A, %dma_wait3A_44] : memref<125x128xf32, #tpu.memory_space<vmem>> -> memref<104x128xf32, #tpu.memory_space<vmem>>
      %dma_wait3A_46 = arith.constant 0 : i32
      %dma_wait3A_47 = tpu.memref_slice %arg6[%add3A_16, %dma_wait3A_46] : memref<10000x128xf32, #tpu.memory_space<vmem_shared>> -> memref<104x128xf32, #tpu.memory_space<vmem_shared>>
      %dma_wait3A_48 = arith.constant 0 : i32
      %dma_wait3A_49 = tpu.memref_slice %arg6[%add3A_16, %dma_wait3A_48] : memref<10000x128xf32, #tpu.memory_space<vmem_shared>> -> memref<104x128xf32, #tpu.memory_space<vmem_shared>>
      %dma_wait3A_50 = arith.constant 0 : i32
      %dma_wait3A_51 = arith.constant 0 : i32
      %dma_wait3A_52 = tpu.memref_slice %arg9[%dma_wait3A_50, %dma_wait3A_51] : memref<125x128xf32, #tpu.memory_space<vmem>> -> memref<104x128xf32, #tpu.memory_space<vmem>>
      tpu.wait_dma2 semaphore(%run_scoped3A : memref<!tpu.dma_semaphore, #tpu.memory_space<semaphore_mem>>) src(%dma_wait3A_52 : memref<104x128xf32, #tpu.memory_space<vmem>>) dst(%dma_wait3A_49 : memref<104x128xf32, #tpu.memory_space<vmem_shared>>)
      tpu.yield
    }) : () -> ()
    %add3A_17 = arith.constant 416 : i32
    %add3A_18 = arith.addi %multiple_of3A, %add3A_17 : i32
    "tpu.region"() ({
      %run_scoped3A = tpu.sem_alloc : memref<!tpu.dma_semaphore, #tpu.memory_space<semaphore_mem>>
      %dma_start3A = arith.constant 0 : i32
      %dma_start3A_35 = arith.constant 0 : i32
      %dma_start3A_36 = tpu.memref_slice %arg9[%dma_start3A, %dma_start3A_35] : memref<125x128xf32, #tpu.memory_space<vmem>> -> memref<104x128xf32, #tpu.memory_space<vmem>>
      %dma_start3A_37 = arith.constant 0 : i32
      %dma_start3A_38 = tpu.memref_slice %arg6[%add3A_18, %dma_start3A_37] : memref<10000x128xf32, #tpu.memory_space<vmem_shared>> -> memref<104x128xf32, #tpu.memory_space<vmem_shared>>
      %dma_start3A_39 = arith.constant 0 : i32
      %dma_start3A_40 = tpu.memref_slice %arg6[%add3A_18, %dma_start3A_39] : memref<10000x128xf32, #tpu.memory_space<vmem_shared>> -> memref<104x128xf32, #tpu.memory_space<vmem_shared>>
      %dma_start3A_41 = arith.constant 0 : i32
      %dma_start3A_42 = arith.constant 0 : i32
      %dma_start3A_43 = tpu.memref_slice %arg9[%dma_start3A_41, %dma_start3A_42] : memref<125x128xf32, #tpu.memory_space<vmem>> -> memref<104x128xf32, #tpu.memory_space<vmem>>
      tpu.enqueue_dma source(%dma_start3A_43 : memref<104x128xf32, #tpu.memory_space<vmem>>) target(%dma_start3A_40 : memref<104x128xf32, #tpu.memory_space<vmem_shared>>) target_semaphore(%run_scoped3A : memref<!tpu.dma_semaphore, #tpu.memory_space<semaphore_mem>>)
      %dma_wait3A = arith.constant 0 : i32
      %dma_wait3A_44 = arith.constant 0 : i32
      %dma_wait3A_45 = tpu.memref_slice %arg9[%dma_wait3A, %dma_wait3A_44] : memref<125x128xf32, #tpu.memory_space<vmem>> -> memref<104x128xf32, #tpu.memory_space<vmem>>
      %dma_wait3A_46 = arith.constant 0 : i32
      %dma_wait3A_47 = tpu.memref_slice %arg6[%add3A_18, %dma_wait3A_46] : memref<10000x128xf32, #tpu.memory_space<vmem_shared>> -> memref<104x128xf32, #tpu.memory_space<vmem_shared>>
      %dma_wait3A_48 = arith.constant 0 : i32
      %dma_wait3A_49 = tpu.memref_slice %arg6[%add3A_18, %dma_wait3A_48] : memref<10000x128xf32, #tpu.memory_space<vmem_shared>> -> memref<104x128xf32, #tpu.memory_space<vmem_shared>>
      %dma_wait3A_50 = arith.constant 0 : i32
      %dma_wait3A_51 = arith.constant 0 : i32
      %dma_wait3A_52 = tpu.memref_slice %arg9[%dma_wait3A_50, %dma_wait3A_51] : memref<125x128xf32, #tpu.memory_space<vmem>> -> memref<104x128xf32, #tpu.memory_space<vmem>>
      tpu.wait_dma2 semaphore(%run_scoped3A : memref<!tpu.dma_semaphore, #tpu.memory_space<semaphore_mem>>) src(%dma_wait3A_52 : memref<104x128xf32, #tpu.memory_space<vmem>>) dst(%dma_wait3A_49 : memref<104x128xf32, #tpu.memory_space<vmem_shared>>)
      tpu.yield
    }) : () -> ()
    %add3A_19 = arith.constant 520 : i32
    %add3A_20 = arith.addi %multiple_of3A, %add3A_19 : i32
    "tpu.region"() ({
      %run_scoped3A = tpu.sem_alloc : memref<!tpu.dma_semaphore, #tpu.memory_space<semaphore_mem>>
      %dma_start3A = arith.constant 0 : i32
      %dma_start3A_35 = arith.constant 0 : i32
      %dma_start3A_36 = tpu.memref_slice %arg9[%dma_start3A, %dma_start3A_35] : memref<125x128xf32, #tpu.memory_space<vmem>> -> memref<104x128xf32, #tpu.memory_space<vmem>>
      %dma_start3A_37 = arith.constant 0 : i32
      %dma_start3A_38 = tpu.memref_slice %arg6[%add3A_20, %dma_start3A_37] : memref<10000x128xf32, #tpu.memory_space<vmem_shared>> -> memref<104x128xf32, #tpu.memory_space<vmem_shared>>
      %dma_start3A_39 = arith.constant 0 : i32
      %dma_start3A_40 = tpu.memref_slice %arg6[%add3A_20, %dma_start3A_39] : memref<10000x128xf32, #tpu.memory_space<vmem_shared>> -> memref<104x128xf32, #tpu.memory_space<vmem_shared>>
      %dma_start3A_41 = arith.constant 0 : i32
      %dma_start3A_42 = arith.constant 0 : i32
      %dma_start3A_43 = tpu.memref_slice %arg9[%dma_start3A_41, %dma_start3A_42] : memref<125x128xf32, #tpu.memory_space<vmem>> -> memref<104x128xf32, #tpu.memory_space<vmem>>
      tpu.enqueue_dma source(%dma_start3A_43 : memref<104x128xf32, #tpu.memory_space<vmem>>) target(%dma_start3A_40 : memref<104x128xf32, #tpu.memory_space<vmem_shared>>) target_semaphore(%run_scoped3A : memref<!tpu.dma_semaphore, #tpu.memory_space<semaphore_mem>>)
      %dma_wait3A = arith.constant 0 : i32
      %dma_wait3A_44 = arith.constant 0 : i32
      %dma_wait3A_45 = tpu.memref_slice %arg9[%dma_wait3A, %dma_wait3A_44] : memref<125x128xf32, #tpu.memory_space<vmem>> -> memref<104x128xf32, #tpu.memory_space<vmem>>
      %dma_wait3A_46 = arith.constant 0 : i32
      %dma_wait3A_47 = tpu.memref_slice %arg6[%add3A_20, %dma_wait3A_46] : memref<10000x128xf32, #tpu.memory_space<vmem_shared>> -> memref<104x128xf32, #tpu.memory_space<vmem_shared>>
      %dma_wait3A_48 = arith.constant 0 : i32
      %dma_wait3A_49 = tpu.memref_slice %arg6[%add3A_20, %dma_wait3A_48] : memref<10000x128xf32, #tpu.memory_space<vmem_shared>> -> memref<104x128xf32, #tpu.memory_space<vmem_shared>>
      %dma_wait3A_50 = arith.constant 0 : i32
      %dma_wait3A_51 = arith.constant 0 : i32
      %dma_wait3A_52 = tpu.memref_slice %arg9[%dma_wait3A_50, %dma_wait3A_51] : memref<125x128xf32, #tpu.memory_space<vmem>> -> memref<104x128xf32, #tpu.memory_space<vmem>>
      tpu.wait_dma2 semaphore(%run_scoped3A : memref<!tpu.dma_semaphore, #tpu.memory_space<semaphore_mem>>) src(%dma_wait3A_52 : memref<104x128xf32, #tpu.memory_space<vmem>>) dst(%dma_wait3A_49 : memref<104x128xf32, #tpu.memory_space<vmem_shared>>)
      tpu.yield
    }) : () -> ()
    %eq3A = arith.constant 15 : i32
    %eq3A_21 = arith.cmpi eq, %arg1, %eq3A : i32
    %convert_element_type3A = arith.extui %eq3A_21 : i1 to i32
    %cond3A = arith.constant 0 : i32
    %cond3A_22 = arith.cmpi ne, %convert_element_type3A, %cond3A : i32
    scf.if %cond3A_22 {
      "tpu.region"() ({
        %run_scoped3A = tpu.sem_alloc : memref<!tpu.dma_semaphore, #tpu.memory_space<semaphore_mem>>
        %dma_start3A = arith.constant 0 : i32
        %dma_start3A_35 = arith.constant 0 : i32
        %dma_start3A_36 = tpu.memref_slice %arg9[%dma_start3A, %dma_start3A_35] : memref<125x128xf32, #tpu.memory_space<vmem>> -> memref<16x128xf32, #tpu.memory_space<vmem>>
        %dma_start3A_37 = arith.constant 9984 : i32
        %dma_start3A_38 = arith.constant 0 : i32
        %dma_start3A_39 = tpu.memref_slice %arg6[%dma_start3A_37, %dma_start3A_38] : memref<10000x128xf32, #tpu.memory_space<vmem_shared>> -> memref<16x128xf32, #tpu.memory_space<vmem_shared>>
        %dma_start3A_40 = arith.constant 9984 : i32
        %dma_start3A_41 = arith.constant 0 : i32
        %dma_start3A_42 = tpu.memref_slice %arg6[%dma_start3A_40, %dma_start3A_41] : memref<10000x128xf32, #tpu.memory_space<vmem_shared>> -> memref<16x128xf32, #tpu.memory_space<vmem_shared>>
        %dma_start3A_43 = arith.constant 0 : i32
        %dma_start3A_44 = arith.constant 0 : i32
        %dma_start3A_45 = tpu.memref_slice %arg9[%dma_start3A_43, %dma_start3A_44] : memref<125x128xf32, #tpu.memory_space<vmem>> -> memref<16x128xf32, #tpu.memory_space<vmem>>
        tpu.enqueue_dma source(%dma_start3A_45 : memref<16x128xf32, #tpu.memory_space<vmem>>) target(%dma_start3A_42 : memref<16x128xf32, #tpu.memory_space<vmem_shared>>) target_semaphore(%run_scoped3A : memref<!tpu.dma_semaphore, #tpu.memory_space<semaphore_mem>>)
        %dma_wait3A = arith.constant 0 : i32
        %dma_wait3A_46 = arith.constant 0 : i32
        %dma_wait3A_47 = tpu.memref_slice %arg9[%dma_wait3A, %dma_wait3A_46] : memref<125x128xf32, #tpu.memory_space<vmem>> -> memref<16x128xf32, #tpu.memory_space<vmem>>
        %dma_wait3A_48 = arith.constant 9984 : i32
        %dma_wait3A_49 = arith.constant 0 : i32
        %dma_wait3A_50 = tpu.memref_slice %arg6[%dma_wait3A_48, %dma_wait3A_49] : memref<10000x128xf32, #tpu.memory_space<vmem_shared>> -> memref<16x128xf32, #tpu.memory_space<vmem_shared>>
        %dma_wait3A_51 = arith.constant 9984 : i32
        %dma_wait3A_52 = arith.constant 0 : i32
        %dma_wait3A_53 = tpu.memref_slice %arg6[%dma_wait3A_51, %dma_wait3A_52] : memref<10000x128xf32, #tpu.memory_space<vmem_shared>> -> memref<16x128xf32, #tpu.memory_space<vmem_shared>>
        %dma_wait3A_54 = arith.constant 0 : i32
        %dma_wait3A_55 = arith.constant 0 : i32
        %dma_wait3A_56 = tpu.memref_slice %arg9[%dma_wait3A_54, %dma_wait3A_55] : memref<125x128xf32, #tpu.memory_space<vmem>> -> memref<16x128xf32, #tpu.memory_space<vmem>>
        tpu.wait_dma2 semaphore(%run_scoped3A : memref<!tpu.dma_semaphore, #tpu.memory_space<semaphore_mem>>) src(%dma_wait3A_56 : memref<16x128xf32, #tpu.memory_space<vmem>>) dst(%dma_wait3A_53 : memref<16x128xf32, #tpu.memory_space<vmem_shared>>)
        tpu.yield
      }) : () -> ()
    } else {
    }
    %barrier3A = arith.constant 0 : index
    tpu.barrier barrier_id(%barrier3A)
    %scan3A_23 = arith.constant 0 : i32
    %scan3A_24 = arith.constant 0 : i32
    %scan3A_25 = arith.constant 2 : i32
    %scan3A_26 = arith.addi %scan3A_24, %scan3A_25 : i32
    %scan3A_27 = arith.constant 1 : i32
    scf.for %scan3A_35 = %scan3A_24 to %scan3A_26 step %scan3A_27  : i32 {
      "tpu.region"() ({
        %run_scoped3A = tpu.sem_alloc : memref<!tpu.dma_semaphore, #tpu.memory_space<semaphore_mem>>
        %dma_start3A_47 = arith.constant 0 : i32
        %dma_start3A_48 = arith.constant 0 : i32
        %dma_start3A_49 = tpu.memref_slice %arg2[%add3A, %scan3A_35, %dma_start3A_47, %dma_start3A_48] : memref<32x2x40x125xi32, #tpu.memory_space<hbm>> -> memref<1x1x40x125xi32, #tpu.memory_space<hbm>>
        %dma_start3A_50 = tpu.memref_squeeze %dma_start3A_49 : memref<1x1x40x125xi32, #tpu.memory_space<hbm>> -> memref<40x125xi32, #tpu.memory_space<hbm>>
        %dma_start3A_51 = arith.constant 0 : i32
        %dma_start3A_52 = arith.constant 0 : i32
        %dma_start3A_53 = tpu.memref_slice %arg2[%add3A, %scan3A_35, %dma_start3A_51, %dma_start3A_52] : memref<32x2x40x125xi32, #tpu.memory_space<hbm>> -> memref<1x1x40x125xi32, #tpu.memory_space<hbm>>
        %dma_start3A_54 = tpu.memref_squeeze %dma_start3A_53 : memref<1x1x40x125xi32, #tpu.memory_space<hbm>> -> memref<40x125xi32, #tpu.memory_space<hbm>>
        tpu.enqueue_dma source(%dma_start3A_54 : memref<40x125xi32, #tpu.memory_space<hbm>>) target(%arg7 : memref<40x125xi32, #tpu.memory_space<vmem>>) target_semaphore(%run_scoped3A : memref<!tpu.dma_semaphore, #tpu.memory_space<semaphore_mem>>)
        %dma_wait3A = arith.constant 0 : i32
        %dma_wait3A_55 = arith.constant 0 : i32
        %dma_wait3A_56 = tpu.memref_slice %arg2[%add3A, %scan3A_35, %dma_wait3A, %dma_wait3A_55] : memref<32x2x40x125xi32, #tpu.memory_space<hbm>> -> memref<1x1x40x125xi32, #tpu.memory_space<hbm>>
        %dma_wait3A_57 = tpu.memref_squeeze %dma_wait3A_56 : memref<1x1x40x125xi32, #tpu.memory_space<hbm>> -> memref<40x125xi32, #tpu.memory_space<hbm>>
        %dma_wait3A_58 = arith.constant 0 : i32
        %dma_wait3A_59 = arith.constant 0 : i32
        %dma_wait3A_60 = tpu.memref_slice %arg2[%add3A, %scan3A_35, %dma_wait3A_58, %dma_wait3A_59] : memref<32x2x40x125xi32, #tpu.memory_space<hbm>> -> memref<1x1x40x125xi32, #tpu.memory_space<hbm>>
        %dma_wait3A_61 = tpu.memref_squeeze %dma_wait3A_60 : memref<1x1x40x125xi32, #tpu.memory_space<hbm>> -> memref<40x125xi32, #tpu.memory_space<hbm>>
        tpu.wait_dma2 semaphore(%run_scoped3A : memref<!tpu.dma_semaphore, #tpu.memory_space<semaphore_mem>>) src(%dma_wait3A_61 : memref<40x125xi32, #tpu.memory_space<hbm>>) dst(%arg7 : memref<40x125xi32, #tpu.memory_space<vmem>>)
        tpu.yield
      }) : () -> ()
      "tpu.region"() ({
        %run_scoped3A = tpu.sem_alloc : memref<!tpu.dma_semaphore, #tpu.memory_space<semaphore_mem>>
        %dma_start3A_47 = arith.constant 0 : i32
        %dma_start3A_48 = arith.constant 0 : i32
        %dma_start3A_49 = tpu.memref_slice %arg3[%add3A, %scan3A_35, %dma_start3A_47, %dma_start3A_48] : memref<32x2x40x125xi32, #tpu.memory_space<hbm>> -> memref<1x1x40x125xi32, #tpu.memory_space<hbm>>
        %dma_start3A_50 = tpu.memref_squeeze %dma_start3A_49 : memref<1x1x40x125xi32, #tpu.memory_space<hbm>> -> memref<40x125xi32, #tpu.memory_space<hbm>>
        %dma_start3A_51 = arith.constant 0 : i32
        %dma_start3A_52 = arith.constant 0 : i32
        %dma_start3A_53 = tpu.memref_slice %arg3[%add3A, %scan3A_35, %dma_start3A_51, %dma_start3A_52] : memref<32x2x40x125xi32, #tpu.memory_space<hbm>> -> memref<1x1x40x125xi32, #tpu.memory_space<hbm>>
        %dma_start3A_54 = tpu.memref_squeeze %dma_start3A_53 : memref<1x1x40x125xi32, #tpu.memory_space<hbm>> -> memref<40x125xi32, #tpu.memory_space<hbm>>
        tpu.enqueue_dma source(%dma_start3A_54 : memref<40x125xi32, #tpu.memory_space<hbm>>) target(%arg8 : memref<40x125xi32, #tpu.memory_space<vmem>>) target_semaphore(%run_scoped3A : memref<!tpu.dma_semaphore, #tpu.memory_space<semaphore_mem>>)
        %dma_wait3A = arith.constant 0 : i32
        %dma_wait3A_55 = arith.constant 0 : i32
        %dma_wait3A_56 = tpu.memref_slice %arg3[%add3A, %scan3A_35, %dma_wait3A, %dma_wait3A_55] : memref<32x2x40x125xi32, #tpu.memory_space<hbm>> -> memref<1x1x40x125xi32, #tpu.memory_space<hbm>>
        %dma_wait3A_57 = tpu.memref_squeeze %dma_wait3A_56 : memref<1x1x40x125xi32, #tpu.memory_space<hbm>> -> memref<40x125xi32, #tpu.memory_space<hbm>>
        %dma_wait3A_58 = arith.constant 0 : i32
        %dma_wait3A_59 = arith.constant 0 : i32
        %dma_wait3A_60 = tpu.memref_slice %arg3[%add3A, %scan3A_35, %dma_wait3A_58, %dma_wait3A_59] : memref<32x2x40x125xi32, #tpu.memory_space<hbm>> -> memref<1x1x40x125xi32, #tpu.memory_space<hbm>>
        %dma_wait3A_61 = tpu.memref_squeeze %dma_wait3A_60 : memref<1x1x40x125xi32, #tpu.memory_space<hbm>> -> memref<40x125xi32, #tpu.memory_space<hbm>>
        tpu.wait_dma2 semaphore(%run_scoped3A : memref<!tpu.dma_semaphore, #tpu.memory_space<semaphore_mem>>) src(%dma_wait3A_61 : memref<40x125xi32, #tpu.memory_space<hbm>>) dst(%arg8 : memref<40x125xi32, #tpu.memory_space<vmem>>)
        tpu.yield
      }) : () -> ()
      %dma_start3A = arith.constant 0 : i32
      %dma_start3A_36 = arith.constant 0 : i32
      %dma_start3A_37 = tpu.memref_slice %arg7[%dma_start3A, %dma_start3A_36] : memref<40x125xi32, #tpu.memory_space<vmem>> -> memref<1x125xi32, #tpu.memory_space<vmem>>
      %dma_start3A_38 = tpu.memref_squeeze %dma_start3A_37 : memref<1x125xi32, #tpu.memory_space<vmem>> -> memref<125xi32, #tpu.memory_space<vmem>>
      %dma_start3A_39 = arith.constant 0 : i32
      %dma_start3A_40 = arith.constant 0 : i32
      %dma_start3A_41 = tpu.memref_slice %arg4[%dma_start3A_39, %dma_start3A_40] : memref<10000x128xf32, #tpu.memory_space<hbm>> -> memref<10000x128xf32, #tpu.memory_space<hbm>>
      tpu.enqueue_indirect_dma source(%dma_start3A_41 : memref<10000x128xf32, #tpu.memory_space<hbm>>) target(%arg9 : memref<125x128xf32, #tpu.memory_space<vmem>>) offsets(%dma_start3A_38 : memref<125xi32, #tpu.memory_space<vmem>>) semaphore(%arg11 : memref<!tpu.dma_semaphore, #tpu.memory_space<semaphore_mem>>)
      %scan3A_42 = arith.constant 0 : i32
      %scan3A_43 = arith.constant 20 : i32
      %scan3A_44 = arith.addi %scan3A_42, %scan3A_43 : i32
      %scan3A_45 = arith.constant 1 : i32
      scf.for %scan3A_47 = %scan3A_42 to %scan3A_44 step %scan3A_45  : i32 {
        %mul3A_48 = arith.constant 2 : i32
        %mul3A_49 = arith.muli %mul3A_48, %scan3A_47 : i32
        %dma_wait3A = arith.constant 0 : i32
        %dma_wait3A_50 = tpu.memref_slice %arg7[%mul3A_49, %dma_wait3A] : memref<40x125xi32, #tpu.memory_space<vmem>> -> memref<1x125xi32, #tpu.memory_space<vmem>>
        %dma_wait3A_51 = tpu.memref_squeeze %dma_wait3A_50 : memref<1x125xi32, #tpu.memory_space<vmem>> -> memref<125xi32, #tpu.memory_space<vmem>>
        %dma_wait3A_52 = arith.constant 0 : i32
        %dma_wait3A_53 = arith.constant 0 : i32
        %dma_wait3A_54 = tpu.memref_slice %arg4[%dma_wait3A_52, %dma_wait3A_53] : memref<10000x128xf32, #tpu.memory_space<hbm>> -> memref<10000x128xf32, #tpu.memory_space<hbm>>
        tpu.wait_indirect_dma semaphore(%arg11 : memref<!tpu.dma_semaphore, #tpu.memory_space<semaphore_mem>>) src(%dma_wait3A_54 : memref<10000x128xf32, #tpu.memory_space<hbm>>) dst(%arg9 : memref<125x128xf32, #tpu.memory_space<vmem>>)
        %add3A_55 = arith.constant 1 : i32
        %add3A_56 = arith.addi %mul3A_49, %add3A_55 : i32
        %dma_start3A_57 = arith.constant 0 : i32
        %dma_start3A_58 = tpu.memref_slice %arg7[%add3A_56, %dma_start3A_57] : memref<40x125xi32, #tpu.memory_space<vmem>> -> memref<1x125xi32, #tpu.memory_space<vmem>>
        %dma_start3A_59 = tpu.memref_squeeze %dma_start3A_58 : memref<1x125xi32, #tpu.memory_space<vmem>> -> memref<125xi32, #tpu.memory_space<vmem>>
        %dma_start3A_60 = arith.constant 0 : i32
        %dma_start3A_61 = arith.constant 0 : i32
        %dma_start3A_62 = tpu.memref_slice %arg4[%dma_start3A_60, %dma_start3A_61] : memref<10000x128xf32, #tpu.memory_space<hbm>> -> memref<10000x128xf32, #tpu.memory_space<hbm>>
        tpu.enqueue_indirect_dma source(%dma_start3A_62 : memref<10000x128xf32, #tpu.memory_space<hbm>>) target(%arg10 : memref<125x128xf32, #tpu.memory_space<vmem>>) offsets(%dma_start3A_59 : memref<125xi32, #tpu.memory_space<vmem>>) semaphore(%arg12 : memref<!tpu.dma_semaphore, #tpu.memory_space<semaphore_mem>>)
        "tpu.region"() ({
          %run_scoped3A = tpu.sem_alloc : memref<!tpu.dma_semaphore, #tpu.memory_space<semaphore_mem>>
          %dma_start3A_77 = arith.constant 0 : i32
          %dma_start3A_78 = tpu.memref_slice %arg8[%mul3A_49, %dma_start3A_77] : memref<40x125xi32, #tpu.memory_space<vmem>> -> memref<1x125xi32, #tpu.memory_space<vmem>>
          %dma_start3A_79 = tpu.memref_squeeze %dma_start3A_78 : memref<1x125xi32, #tpu.memory_space<vmem>> -> memref<125xi32, #tpu.memory_space<vmem>>
          %dma_start3A_80 = arith.constant 0 : i32
          %dma_start3A_81 = arith.constant 0 : i32
          %dma_start3A_82 = tpu.memref_slice %arg6[%dma_start3A_80, %dma_start3A_81] : memref<10000x128xf32, #tpu.memory_space<vmem_shared>> -> memref<10000x128xf32, #tpu.memory_space<vmem_shared>>
          tpu.enqueue_indirect_dma source(%arg9 : memref<125x128xf32, #tpu.memory_space<vmem>>) target(%dma_start3A_82 : memref<10000x128xf32, #tpu.memory_space<vmem_shared>>) offsets(%dma_start3A_79 : memref<125xi32, #tpu.memory_space<vmem>>) semaphore(%run_scoped3A : memref<!tpu.dma_semaphore, #tpu.memory_space<semaphore_mem>>) {add = true}
          %dma_wait3A_83 = arith.constant 0 : i32
          %dma_wait3A_84 = tpu.memref_slice %arg8[%mul3A_49, %dma_wait3A_83] : memref<40x125xi32, #tpu.memory_space<vmem>> -> memref<1x125xi32, #tpu.memory_space<vmem>>
          %dma_wait3A_85 = tpu.memref_squeeze %dma_wait3A_84 : memref<1x125xi32, #tpu.memory_space<vmem>> -> memref<125xi32, #tpu.memory_space<vmem>>
          %dma_wait3A_86 = arith.constant 0 : i32
          %dma_wait3A_87 = arith.constant 0 : i32
          %dma_wait3A_88 = tpu.memref_slice %arg6[%dma_wait3A_86, %dma_wait3A_87] : memref<10000x128xf32, #tpu.memory_space<vmem_shared>> -> memref<10000x128xf32, #tpu.memory_space<vmem_shared>>
          tpu.wait_indirect_dma semaphore(%run_scoped3A : memref<!tpu.dma_semaphore, #tpu.memory_space<semaphore_mem>>) src(%arg9 : memref<125x128xf32, #tpu.memory_space<vmem>>) dst(%dma_wait3A_88 : memref<10000x128xf32, #tpu.memory_space<vmem_shared>>)
          tpu.yield
        }) : () -> ()
        %add3A_63 = arith.constant 1 : i32
        %add3A_64 = arith.addi %mul3A_49, %add3A_63 : i32
        %dma_wait3A_65 = arith.constant 0 : i32
        %dma_wait3A_66 = tpu.memref_slice %arg7[%add3A_64, %dma_wait3A_65] : memref<40x125xi32, #tpu.memory_space<vmem>> -> memref<1x125xi32, #tpu.memory_space<vmem>>
        %dma_wait3A_67 = tpu.memref_squeeze %dma_wait3A_66 : memref<1x125xi32, #tpu.memory_space<vmem>> -> memref<125xi32, #tpu.memory_space<vmem>>
        %dma_wait3A_68 = arith.constant 0 : i32
        %dma_wait3A_69 = arith.constant 0 : i32
        %dma_wait3A_70 = tpu.memref_slice %arg4[%dma_wait3A_68, %dma_wait3A_69] : memref<10000x128xf32, #tpu.memory_space<hbm>> -> memref<10000x128xf32, #tpu.memory_space<hbm>>
        tpu.wait_indirect_dma semaphore(%arg12 : memref<!tpu.dma_semaphore, #tpu.memory_space<semaphore_mem>>) src(%dma_wait3A_70 : memref<10000x128xf32, #tpu.memory_space<hbm>>) dst(%arg10 : memref<125x128xf32, #tpu.memory_space<vmem>>)
        %lt3A = arith.constant 19 : i32
        %lt3A_71 = arith.cmpi slt, %scan3A_47, %lt3A : i32
        %convert_element_type3A_72 = arith.extui %lt3A_71 : i1 to i32
        %cond3A_73 = arith.constant 0 : i32
        %cond3A_74 = arith.cmpi ne, %convert_element_type3A_72, %cond3A_73 : i32
        scf.if %cond3A_74 {
          %add3A_77 = arith.constant 2 : i32
          %add3A_78 = arith.addi %mul3A_49, %add3A_77 : i32
          %dma_start3A_79 = arith.constant 0 : i32
          %dma_start3A_80 = tpu.memref_slice %arg7[%add3A_78, %dma_start3A_79] : memref<40x125xi32, #tpu.memory_space<vmem>> -> memref<1x125xi32, #tpu.memory_space<vmem>>
          %dma_start3A_81 = tpu.memref_squeeze %dma_start3A_80 : memref<1x125xi32, #tpu.memory_space<vmem>> -> memref<125xi32, #tpu.memory_space<vmem>>
          %dma_start3A_82 = arith.constant 0 : i32
          %dma_start3A_83 = arith.constant 0 : i32
          %dma_start3A_84 = tpu.memref_slice %arg4[%dma_start3A_82, %dma_start3A_83] : memref<10000x128xf32, #tpu.memory_space<hbm>> -> memref<10000x128xf32, #tpu.memory_space<hbm>>
          tpu.enqueue_indirect_dma source(%dma_start3A_84 : memref<10000x128xf32, #tpu.memory_space<hbm>>) target(%arg9 : memref<125x128xf32, #tpu.memory_space<vmem>>) offsets(%dma_start3A_81 : memref<125xi32, #tpu.memory_space<vmem>>) semaphore(%arg11 : memref<!tpu.dma_semaphore, #tpu.memory_space<semaphore_mem>>)
        } else {
        }
        %add3A_75 = arith.constant 1 : i32
        %add3A_76 = arith.addi %mul3A_49, %add3A_75 : i32
        "tpu.region"() ({
          %run_scoped3A = tpu.sem_alloc : memref<!tpu.dma_semaphore, #tpu.memory_space<semaphore_mem>>
          %dma_start3A_77 = arith.constant 0 : i32
          %dma_start3A_78 = tpu.memref_slice %arg8[%add3A_76, %dma_start3A_77] : memref<40x125xi32, #tpu.memory_space<vmem>> -> memref<1x125xi32, #tpu.memory_space<vmem>>
          %dma_start3A_79 = tpu.memref_squeeze %dma_start3A_78 : memref<1x125xi32, #tpu.memory_space<vmem>> -> memref<125xi32, #tpu.memory_space<vmem>>
          %dma_start3A_80 = arith.constant 0 : i32
          %dma_start3A_81 = arith.constant 0 : i32
          %dma_start3A_82 = tpu.memref_slice %arg6[%dma_start3A_80, %dma_start3A_81] : memref<10000x128xf32, #tpu.memory_space<vmem_shared>> -> memref<10000x128xf32, #tpu.memory_space<vmem_shared>>
          tpu.enqueue_indirect_dma source(%arg10 : memref<125x128xf32, #tpu.memory_space<vmem>>) target(%dma_start3A_82 : memref<10000x128xf32, #tpu.memory_space<vmem_shared>>) offsets(%dma_start3A_79 : memref<125xi32, #tpu.memory_space<vmem>>) semaphore(%run_scoped3A : memref<!tpu.dma_semaphore, #tpu.memory_space<semaphore_mem>>) {add = true}
          %dma_wait3A_83 = arith.constant 0 : i32
          %dma_wait3A_84 = tpu.memref_slice %arg8[%add3A_76, %dma_wait3A_83] : memref<40x125xi32, #tpu.memory_space<vmem>> -> memref<1x125xi32, #tpu.memory_space<vmem>>
          %dma_wait3A_85 = tpu.memref_squeeze %dma_wait3A_84 : memref<1x125xi32, #tpu.memory_space<vmem>> -> memref<125xi32, #tpu.memory_space<vmem>>
          %dma_wait3A_86 = arith.constant 0 : i32
          %dma_wait3A_87 = arith.constant 0 : i32
          %dma_wait3A_88 = tpu.memref_slice %arg6[%dma_wait3A_86, %dma_wait3A_87] : memref<10000x128xf32, #tpu.memory_space<vmem_shared>> -> memref<10000x128xf32, #tpu.memory_space<vmem_shared>>
          tpu.wait_indirect_dma semaphore(%run_scoped3A : memref<!tpu.dma_semaphore, #tpu.memory_space<semaphore_mem>>) src(%arg10 : memref<125x128xf32, #tpu.memory_space<vmem>>) dst(%dma_wait3A_88 : memref<10000x128xf32, #tpu.memory_space<vmem_shared>>)
          tpu.yield
        }) : () -> ()
      }
      %scan3A_46 = arith.constant 20 : i32
    }
    %scan3A_28 = arith.constant 2 : i32
    %barrier3A_29 = arith.constant 0 : index
    tpu.barrier barrier_id(%barrier3A_29)
    "tpu.region"() ({
      %run_scoped3A = tpu.sem_alloc : memref<!tpu.dma_semaphore, #tpu.memory_space<semaphore_mem>>
      %dma_start3A = arith.constant 0 : i32
      %dma_start3A_35 = tpu.memref_slice %arg5[%arg0, %multiple_of3A, %dma_start3A] : memref<2x10000x128xf32, #tpu.memory_space<hbm>> -> memref<1x624x128xf32, #tpu.memory_space<hbm>>
      %dma_start3A_36 = tpu.memref_squeeze %dma_start3A_35 : memref<1x624x128xf32, #tpu.memory_space<hbm>> -> memref<624x128xf32, #tpu.memory_space<hbm>>
      %dma_start3A_37 = arith.constant 0 : i32
      %dma_start3A_38 = tpu.memref_slice %arg6[%multiple_of3A, %dma_start3A_37] : memref<10000x128xf32, #tpu.memory_space<vmem_shared>> -> memref<624x128xf32, #tpu.memory_space<vmem_shared>>
      tpu.enqueue_dma source(%dma_start3A_38 : memref<624x128xf32, #tpu.memory_space<vmem_shared>>) target(%dma_start3A_36 : memref<624x128xf32, #tpu.memory_space<hbm>>) target_semaphore(%run_scoped3A : memref<!tpu.dma_semaphore, #tpu.memory_space<semaphore_mem>>)
      %dma_wait3A = arith.constant 0 : i32
      %dma_wait3A_39 = tpu.memref_slice %arg5[%arg0, %multiple_of3A, %dma_wait3A] : memref<2x10000x128xf32, #tpu.memory_space<hbm>> -> memref<1x624x128xf32, #tpu.memory_space<hbm>>
      %dma_wait3A_40 = tpu.memref_squeeze %dma_wait3A_39 : memref<1x624x128xf32, #tpu.memory_space<hbm>> -> memref<624x128xf32, #tpu.memory_space<hbm>>
      %dma_wait3A_41 = arith.constant 0 : i32
      %dma_wait3A_42 = tpu.memref_slice %arg6[%multiple_of3A, %dma_wait3A_41] : memref<10000x128xf32, #tpu.memory_space<vmem_shared>> -> memref<624x128xf32, #tpu.memory_space<vmem_shared>>
      tpu.wait_dma2 semaphore(%run_scoped3A : memref<!tpu.dma_semaphore, #tpu.memory_space<semaphore_mem>>) src(%dma_wait3A_42 : memref<624x128xf32, #tpu.memory_space<vmem_shared>>) dst(%dma_wait3A_40 : memref<624x128xf32, #tpu.memory_space<hbm>>)
      tpu.yield
    }) : () -> ()
    %eq3A_30 = arith.constant 15 : i32
    %eq3A_31 = arith.cmpi eq, %arg1, %eq3A_30 : i32
    %convert_element_type3A_32 = arith.extui %eq3A_31 : i1 to i32
    %cond3A_33 = arith.constant 0 : i32
    %cond3A_34 = arith.cmpi ne, %convert_element_type3A_32, %cond3A_33 : i32
    scf.if %cond3A_34 {
      "tpu.region"() ({
        %run_scoped3A = tpu.sem_alloc : memref<!tpu.dma_semaphore, #tpu.memory_space<semaphore_mem>>
        %dma_start3A = arith.constant 9984 : i32
        %dma_start3A_35 = arith.constant 0 : i32
        %dma_start3A_36 = tpu.memref_slice %arg5[%arg0, %dma_start3A, %dma_start3A_35] : memref<2x10000x128xf32, #tpu.memory_space<hbm>> -> memref<1x16x128xf32, #tpu.memory_space<hbm>>
        %dma_start3A_37 = tpu.memref_squeeze %dma_start3A_36 : memref<1x16x128xf32, #tpu.memory_space<hbm>> -> memref<16x128xf32, #tpu.memory_space<hbm>>
        %dma_start3A_38 = arith.constant 9984 : i32
        %dma_start3A_39 = arith.constant 0 : i32
        %dma_start3A_40 = tpu.memref_slice %arg6[%dma_start3A_38, %dma_start3A_39] : memref<10000x128xf32, #tpu.memory_space<vmem_shared>> -> memref<16x128xf32, #tpu.memory_space<vmem_shared>>
        tpu.enqueue_dma source(%dma_start3A_40 : memref<16x128xf32, #tpu.memory_space<vmem_shared>>) target(%dma_start3A_37 : memref<16x128xf32, #tpu.memory_space<hbm>>) target_semaphore(%run_scoped3A : memref<!tpu.dma_semaphore, #tpu.memory_space<semaphore_mem>>)
        %dma_wait3A = arith.constant 9984 : i32
        %dma_wait3A_41 = arith.constant 0 : i32
        %dma_wait3A_42 = tpu.memref_slice %arg5[%arg0, %dma_wait3A, %dma_wait3A_41] : memref<2x10000x128xf32, #tpu.memory_space<hbm>> -> memref<1x16x128xf32, #tpu.memory_space<hbm>>
        %dma_wait3A_43 = tpu.memref_squeeze %dma_wait3A_42 : memref<1x16x128xf32, #tpu.memory_space<hbm>> -> memref<16x128xf32, #tpu.memory_space<hbm>>
        %dma_wait3A_44 = arith.constant 9984 : i32
        %dma_wait3A_45 = arith.constant 0 : i32
        %dma_wait3A_46 = tpu.memref_slice %arg6[%dma_wait3A_44, %dma_wait3A_45] : memref<10000x128xf32, #tpu.memory_space<vmem_shared>> -> memref<16x128xf32, #tpu.memory_space<vmem_shared>>
        tpu.wait_dma2 semaphore(%run_scoped3A : memref<!tpu.dma_semaphore, #tpu.memory_space<semaphore_mem>>) src(%dma_wait3A_46 : memref<16x128xf32, #tpu.memory_space<vmem_shared>>) dst(%dma_wait3A_43 : memref<16x128xf32, #tpu.memory_space<hbm>>)
        tpu.yield
      }) : () -> ()
    } else {
    }
    return
  }
}

module attributes {stable_mosaic.version = 14 : i64} {
  func.func @_scale_body(%arg0: i32, %arg1: memref<2x1000x1xf32, #tpu.memory_space<vmem>>, %arg2: memref<1000x128xf32, #tpu.memory_space<vmem>>, %arg3: memref<1000x128xf32, #tpu.memory_space<vmem>>) attributes {dimension_semantics = [#tpu.dimension_semantics<arbitrary>], iteration_bounds = array<i64: 10>, scalar_prefetch = 0 : i64, scratch_operands = 0 : i64, tpu.core_type = #tpu.core_type<tc>, window_params = [{transform_indices = @transform_0, window_bounds = array<i64: 2, 1000, 1>}, {transform_indices = @transform_1, window_bounds = array<i64: 1000, 128>}, {transform_indices = @transform_2, window_bounds = array<i64: 1000, 128>}]} {
    %get3A = arith.constant 0 : index
    %get3A_0 = arith.constant 0 : index
    %get3A_1 = vector.load %arg2[%get3A, %get3A_0] : memref<1000x128xf32, #tpu.memory_space<vmem>>, vector<1000x128xf32>
    %get3A_2 = arith.constant 0 : index
    %get3A_3 = arith.constant 0 : index
    %get3A_4 = arith.constant 0 : index
    %get3A_5 = vector.load %arg1[%get3A_2, %get3A_3, %get3A_4] : memref<2x1000x1xf32, #tpu.memory_space<vmem>>, vector<1x1000x1xf32>
    %get3A_6 = vector.shape_cast %get3A_5 : vector<1x1000x1xf32> to vector<1000x1xf32>
    %get3A_7 = arith.constant 1 : index
    %get3A_8 = arith.constant 0 : index
    %get3A_9 = arith.constant 0 : index
    %get3A_10 = vector.load %arg1[%get3A_7, %get3A_8, %get3A_9] : memref<2x1000x1xf32, #tpu.memory_space<vmem>>, vector<1x1000x1xf32>
    %get3A_11 = vector.shape_cast %get3A_10 : vector<1x1000x1xf32> to vector<1000x1xf32>
    %add3A = arith.addf %get3A_6, %get3A_11 : vector<1000x1xf32>
    %max3A = arith.constant 1.000000e+00 : f32
    %max3A_12 = vector.broadcast %max3A : f32 to vector<1000x1xf32>
    %max3A_13 = arith.maximumf %add3A, %max3A_12 : vector<1000x1xf32>
    %rsqrt3A = math.rsqrt %max3A_13 : vector<1000x1xf32>
    %mul3A = vector.broadcast %rsqrt3A : vector<1000x1xf32> to vector<1000x128xf32>
    %mul3A_14 = arith.mulf %get3A_1, %mul3A : vector<1000x128xf32>
    %swap3A = arith.constant 0 : index
    %swap3A_15 = arith.constant 0 : index
    %swap3A_16 = vector.load %arg3[%swap3A, %swap3A_15] : memref<1000x128xf32, #tpu.memory_space<vmem>>, vector<1000x128xf32>
    tpu.vector_store %arg3[%swap3A, %swap3A_15], %mul3A_14 {strides = array<i32>} : memref<1000x128xf32, #tpu.memory_space<vmem>>, vector<1000x128xf32>,
    return
  }
  func.func @transform_0(%arg0: i32) -> (i32, i32, i32) {
    %c0_i32 = arith.constant 0 : i32
    %c0_i32_0 = arith.constant 0 : i32
    %c0_i32_1 = arith.constant 0 : i32
    return %c0_i32, %arg0, %c0_i32_0 : i32, i32, i32
  }
  func.func @transform_1(%arg0: i32) -> (i32, i32) {
    %c0_i32 = arith.constant 0 : i32
    %c0_i32_0 = arith.constant 0 : i32
    return %arg0, %c0_i32 : i32, i32
  }
  func.func @transform_2(%arg0: i32) -> (i32, i32) {
    %c0_i32 = arith.constant 0 : i32
    %c0_i32_0 = arith.constant 0 : i32
    return %arg0, %c0_i32 : i32, i32
  }
}

module attributes {stable_mosaic.version = 14 : i64} {
  func.func @_mid_body(%arg0: i32, %arg1: memref<2x1000x1xf32, #tpu.memory_space<vmem>>, %arg2: memref<2x1000x128xf32, #tpu.memory_space<vmem>>, %arg3: memref<1000x128xf32, #tpu.memory_space<vmem>>, %arg4: memref<1000x128xf32, #tpu.memory_space<vmem>>) attributes {dimension_semantics = [#tpu.dimension_semantics<arbitrary>], iteration_bounds = array<i64: 10>, scalar_prefetch = 0 : i64, scratch_operands = 0 : i64, tpu.core_type = #tpu.core_type<tc>, window_params = [{transform_indices = @transform_0, window_bounds = array<i64: 2, 1000, 1>}, {transform_indices = @transform_1, window_bounds = array<i64: 2, 1000, 128>}, {transform_indices = @transform_2, window_bounds = array<i64: 1000, 128>}, {transform_indices = @transform_3, window_bounds = array<i64: 1000, 128>}]} {
    %get3A = arith.constant 0 : index
    %get3A_0 = arith.constant 0 : index
    %get3A_1 = arith.constant 0 : index
    %get3A_2 = vector.load %arg1[%get3A, %get3A_0, %get3A_1] : memref<2x1000x1xf32, #tpu.memory_space<vmem>>, vector<1x1000x1xf32>
    %get3A_3 = vector.shape_cast %get3A_2 : vector<1x1000x1xf32> to vector<1000x1xf32>
    %get3A_4 = arith.constant 1 : index
    %get3A_5 = arith.constant 0 : index
    %get3A_6 = arith.constant 0 : index
    %get3A_7 = vector.load %arg1[%get3A_4, %get3A_5, %get3A_6] : memref<2x1000x1xf32, #tpu.memory_space<vmem>>, vector<1x1000x1xf32>
    %get3A_8 = vector.shape_cast %get3A_7 : vector<1x1000x1xf32> to vector<1000x1xf32>
    %add3A = arith.addf %get3A_3, %get3A_8 : vector<1000x1xf32>
    %max3A = arith.constant 1.000000e+00 : f32
    %max3A_9 = vector.broadcast %max3A : f32 to vector<1000x1xf32>
    %max3A_10 = arith.maximumf %add3A, %max3A_9 : vector<1000x1xf32>
    %rsqrt3A = math.rsqrt %max3A_10 : vector<1000x1xf32>
    %get3A_11 = arith.constant 0 : index
    %get3A_12 = arith.constant 0 : index
    %get3A_13 = arith.constant 0 : index
    %get3A_14 = vector.load %arg2[%get3A_11, %get3A_12, %get3A_13] : memref<2x1000x128xf32, #tpu.memory_space<vmem>>, vector<1x1000x128xf32>
    %get3A_15 = vector.shape_cast %get3A_14 : vector<1x1000x128xf32> to vector<1000x128xf32>
    %get3A_16 = arith.constant 1 : index
    %get3A_17 = arith.constant 0 : index
    %get3A_18 = arith.constant 0 : index
    %get3A_19 = vector.load %arg2[%get3A_16, %get3A_17, %get3A_18] : memref<2x1000x128xf32, #tpu.memory_space<vmem>>, vector<1x1000x128xf32>
    %get3A_20 = vector.shape_cast %get3A_19 : vector<1x1000x128xf32> to vector<1000x128xf32>
    %add3A_21 = arith.addf %get3A_15, %get3A_20 : vector<1000x128xf32>
    %neg3A = arith.constant 0.000000e+00 : f32
    %neg3A_22 = vector.broadcast %neg3A : f32 to vector<1000x1xf32>
    %neg3A_23 = arith.subf %neg3A_22, %rsqrt3A : vector<1000x1xf32>
    %mul3A = vector.broadcast %neg3A_23 : vector<1000x1xf32> to vector<1000x128xf32>
    %mul3A_24 = arith.mulf %mul3A, %add3A_21 : vector<1000x128xf32>
    %swap3A = arith.constant 0 : index
    %swap3A_25 = arith.constant 0 : index
    %swap3A_26 = vector.load %arg3[%swap3A, %swap3A_25] : memref<1000x128xf32, #tpu.memory_space<vmem>>, vector<1000x128xf32>
    tpu.vector_store %arg3[%swap3A, %swap3A_25], %mul3A_24 {strides = array<i32>} : memref<1000x128xf32, #tpu.memory_space<vmem>>, vector<1000x128xf32>,
    %mul3A_27 = vector.broadcast %rsqrt3A : vector<1000x1xf32> to vector<1000x128xf32>
    %mul3A_28 = arith.mulf %mul3A_27, %mul3A_24 : vector<1000x128xf32>
    %swap3A_29 = arith.constant 0 : index
    %swap3A_30 = arith.constant 0 : index
    %swap3A_31 = vector.load %arg4[%swap3A_29, %swap3A_30] : memref<1000x128xf32, #tpu.memory_space<vmem>>, vector<1000x128xf32>
    tpu.vector_store %arg4[%swap3A_29, %swap3A_30], %mul3A_28 {strides = array<i32>} : memref<1000x128xf32, #tpu.memory_space<vmem>>, vector<1000x128xf32>,
    return
  }
  func.func @transform_0(%arg0: i32) -> (i32, i32, i32) {
    %c0_i32 = arith.constant 0 : i32
    %c0_i32_0 = arith.constant 0 : i32
    %c0_i32_1 = arith.constant 0 : i32
    return %c0_i32, %arg0, %c0_i32_0 : i32, i32, i32
  }
  func.func @transform_1(%arg0: i32) -> (i32, i32, i32) {
    %c0_i32 = arith.constant 0 : i32
    %c0_i32_0 = arith.constant 0 : i32
    %c0_i32_1 = arith.constant 0 : i32
    return %c0_i32, %arg0, %c0_i32_0 : i32, i32, i32
  }
  func.func @transform_2(%arg0: i32) -> (i32, i32) {
    %c0_i32 = arith.constant 0 : i32
    %c0_i32_0 = arith.constant 0 : i32
    return %arg0, %c0_i32 : i32, i32
  }
  func.func @transform_3(%arg0: i32) -> (i32, i32) {
    %c0_i32 = arith.constant 0 : i32
    %c0_i32_0 = arith.constant 0 : i32
    return %arg0, %c0_i32 : i32, i32
  }
}

module attributes {stable_mosaic.version = 14 : i64} {
  func.func @_final_body(%arg0: i32, %arg1: memref<2x1000x1xf32, #tpu.memory_space<vmem>>, %arg2: memref<1000x128xf32, #tpu.memory_space<vmem>>, %arg3: memref<1000x128xf32, #tpu.memory_space<vmem>>, %arg4: memref<2x1000x128xf32, #tpu.memory_space<vmem>>, %arg5: memref<3x1000x1xf32, #tpu.memory_space<vmem>>, %arg6: memref<3x128x128xf32, #tpu.memory_space<vmem>>, %arg7: memref<1x128xf32, #tpu.memory_space<vmem>>, %arg8: memref<1000x128xf32, #tpu.memory_space<vmem>>) attributes {dimension_semantics = [#tpu.dimension_semantics<arbitrary>], iteration_bounds = array<i64: 10>, scalar_prefetch = 0 : i64, scratch_operands = 0 : i64, tpu.core_type = #tpu.core_type<tc>, window_params = [{transform_indices = @transform_0, window_bounds = array<i64: 2, 1000, 1>}, {transform_indices = @transform_1, window_bounds = array<i64: 1000, 128>}, {transform_indices = @transform_2, window_bounds = array<i64: 1000, 128>}, {transform_indices = @transform_3, window_bounds = array<i64: 2, 1000, 128>}, {transform_indices = @transform_4, window_bounds = array<i64: 3, 1000, 1>}, {pipeline_mode = #tpu.pipeline_mode<synchronous>, transform_indices = @transform_5, window_bounds = array<i64: 3, 128, 128>}, {pipeline_mode = #tpu.pipeline_mode<synchronous>, transform_indices = @transform_6, window_bounds = array<i64: 1, 128>}, {transform_indices = @transform_7, window_bounds = array<i64: 1000, 128>}]} {
    %get3A = arith.constant 0 : index
    %get3A_0 = arith.constant 0 : index
    %get3A_1 = arith.constant 0 : index
    %get3A_2 = vector.load %arg1[%get3A, %get3A_0, %get3A_1] : memref<2x1000x1xf32, #tpu.memory_space<vmem>>, vector<1x1000x1xf32>
    %get3A_3 = vector.shape_cast %get3A_2 : vector<1x1000x1xf32> to vector<1000x1xf32>
    %get3A_4 = arith.constant 1 : index
    %get3A_5 = arith.constant 0 : index
    %get3A_6 = arith.constant 0 : index
    %get3A_7 = vector.load %arg1[%get3A_4, %get3A_5, %get3A_6] : memref<2x1000x1xf32, #tpu.memory_space<vmem>>, vector<1x1000x1xf32>
    %get3A_8 = vector.shape_cast %get3A_7 : vector<1x1000x1xf32> to vector<1000x1xf32>
    %add3A = arith.addf %get3A_3, %get3A_8 : vector<1000x1xf32>
    %max3A = arith.constant 1.000000e+00 : f32
    %max3A_9 = vector.broadcast %max3A : f32 to vector<1000x1xf32>
    %max3A_10 = arith.maximumf %add3A, %max3A_9 : vector<1000x1xf32>
    %rsqrt3A = math.rsqrt %max3A_10 : vector<1000x1xf32>
    %mul3A = arith.constant -2.000000e+00 : f32
    %mul3A_11 = vector.broadcast %mul3A : f32 to vector<1000x1xf32>
    %mul3A_12 = arith.mulf %mul3A_11, %rsqrt3A : vector<1000x1xf32>
    %get3A_13 = arith.constant 0 : index
    %get3A_14 = arith.constant 0 : index
    %get3A_15 = arith.constant 0 : index
    %get3A_16 = vector.load %arg4[%get3A_13, %get3A_14, %get3A_15] : memref<2x1000x128xf32, #tpu.memory_space<vmem>>, vector<1x1000x128xf32>
    %get3A_17 = vector.shape_cast %get3A_16 : vector<1x1000x128xf32> to vector<1000x128xf32>
    %get3A_18 = arith.constant 1 : index
    %get3A_19 = arith.constant 0 : index
    %get3A_20 = arith.constant 0 : index
    %get3A_21 = vector.load %arg4[%get3A_18, %get3A_19, %get3A_20] : memref<2x1000x128xf32, #tpu.memory_space<vmem>>, vector<1x1000x128xf32>
    %get3A_22 = vector.shape_cast %get3A_21 : vector<1x1000x128xf32> to vector<1000x128xf32>
    %add3A_23 = arith.addf %get3A_17, %get3A_22 : vector<1000x128xf32>
    %mul3A_24 = vector.broadcast %mul3A_12 : vector<1000x1xf32> to vector<1000x128xf32>
    %mul3A_25 = arith.mulf %mul3A_24, %add3A_23 : vector<1000x128xf32>
    %get3A_26 = arith.constant 0 : index
    %get3A_27 = arith.constant 0 : index
    %get3A_28 = vector.load %arg2[%get3A_26, %get3A_27] : memref<1000x128xf32, #tpu.memory_space<vmem>>, vector<1000x128xf32>
    %sub3A = arith.subf %mul3A_25, %get3A_28 : vector<1000x128xf32>
    %get3A_29 = arith.constant 0 : index
    %get3A_30 = arith.constant 0 : index
    %get3A_31 = arith.constant 0 : index
    %get3A_32 = vector.load %arg5[%get3A_29, %get3A_30, %get3A_31] : memref<3x1000x1xf32, #tpu.memory_space<vmem>>, vector<1x1000x1xf32>
    %get3A_33 = vector.shape_cast %get3A_32 : vector<1x1000x1xf32> to vector<1000x1xf32>
    %get3A_34 = arith.constant 0 : index
    %get3A_35 = arith.constant 0 : index
    %get3A_36 = vector.load %arg2[%get3A_34, %get3A_35] : memref<1000x128xf32, #tpu.memory_space<vmem>>, vector<1000x128xf32>
    %mul3A_37 = vector.broadcast %get3A_33 : vector<1000x1xf32> to vector<1000x128xf32>
    %mul3A_38 = arith.mulf %mul3A_37, %get3A_36 : vector<1000x128xf32>
    %get3A_39 = arith.constant 0 : index
    %get3A_40 = arith.constant 0 : index
    %get3A_41 = arith.constant 0 : index
    %get3A_42 = vector.load %arg6[%get3A_39, %get3A_40, %get3A_41] : memref<3x128x128xf32, #tpu.memory_space<vmem>>, vector<1x128x128xf32>
    %get3A_43 = vector.shape_cast %get3A_42 : vector<1x128x128xf32> to vector<128x128xf32>
    %dot_general3A = arith.constant dense<0.000000e+00> : vector<1000x128xf32>
    %dot_general3A_44 = tpu.matmul %mul3A_38, %get3A_43, %dot_general3A {dimension_numbers = #tpu.dot_dimension_numbers<[1], [0], [0], [1], [0, 0, 1, 1], [], []>, precision = #tpu.contract_precision<fp32>, transpose_lhs_hint = false} : vector<1000x128xf32>, vector<128x128xf32>, vector<1000x128xf32> -> vector<1000x128xf32>
    %get3A_45 = arith.constant 1 : index
    %get3A_46 = arith.constant 0 : index
    %get3A_47 = arith.constant 0 : index
    %get3A_48 = vector.load %arg5[%get3A_45, %get3A_46, %get3A_47] : memref<3x1000x1xf32, #tpu.memory_space<vmem>>, vector<1x1000x1xf32>
    %get3A_49 = vector.shape_cast %get3A_48 : vector<1x1000x1xf32> to vector<1000x1xf32>
    %get3A_50 = arith.constant 0 : index
    %get3A_51 = arith.constant 0 : index
    %get3A_52 = vector.load %arg3[%get3A_50, %get3A_51] : memref<1000x128xf32, #tpu.memory_space<vmem>>, vector<1000x128xf32>
    %mul3A_53 = vector.broadcast %get3A_49 : vector<1000x1xf32> to vector<1000x128xf32>
    %mul3A_54 = arith.mulf %mul3A_53, %get3A_52 : vector<1000x128xf32>
    %get3A_55 = arith.constant 1 : index
    %get3A_56 = arith.constant 0 : index
    %get3A_57 = arith.constant 0 : index
    %get3A_58 = vector.load %arg6[%get3A_55, %get3A_56, %get3A_57] : memref<3x128x128xf32, #tpu.memory_space<vmem>>, vector<1x128x128xf32>
    %get3A_59 = vector.shape_cast %get3A_58 : vector<1x128x128xf32> to vector<128x128xf32>
    %dot_general3A_60 = arith.constant dense<0.000000e+00> : vector<1000x128xf32>
    %dot_general3A_61 = tpu.matmul %mul3A_54, %get3A_59, %dot_general3A_60 {dimension_numbers = #tpu.dot_dimension_numbers<[1], [0], [0], [1], [0, 0, 1, 1], [], []>, precision = #tpu.contract_precision<fp32>, transpose_lhs_hint = false} : vector<1000x128xf32>, vector<128x128xf32>, vector<1000x128xf32> -> vector<1000x128xf32>
    %add3A_62 = arith.addf %dot_general3A_44, %dot_general3A_61 : vector<1000x128xf32>
    %get3A_63 = arith.constant 2 : index
    %get3A_64 = arith.constant 0 : index
    %get3A_65 = arith.constant 0 : index
    %get3A_66 = vector.load %arg5[%get3A_63, %get3A_64, %get3A_65] : memref<3x1000x1xf32, #tpu.memory_space<vmem>>, vector<1x1000x1xf32>
    %get3A_67 = vector.shape_cast %get3A_66 : vector<1x1000x1xf32> to vector<1000x1xf32>
    %mul3A_68 = vector.broadcast %get3A_67 : vector<1000x1xf32> to vector<1000x128xf32>
    %mul3A_69 = arith.mulf %mul3A_68, %sub3A : vector<1000x128xf32>
    %get3A_70 = arith.constant 2 : index
    %get3A_71 = arith.constant 0 : index
    %get3A_72 = arith.constant 0 : index
    %get3A_73 = vector.load %arg6[%get3A_70, %get3A_71, %get3A_72] : memref<3x128x128xf32, #tpu.memory_space<vmem>>, vector<1x128x128xf32>
    %get3A_74 = vector.shape_cast %get3A_73 : vector<1x128x128xf32> to vector<128x128xf32>
    %dot_general3A_75 = arith.constant dense<0.000000e+00> : vector<1000x128xf32>
    %dot_general3A_76 = tpu.matmul %mul3A_69, %get3A_74, %dot_general3A_75 {dimension_numbers = #tpu.dot_dimension_numbers<[1], [0], [0], [1], [0, 0, 1, 1], [], []>, precision = #tpu.contract_precision<fp32>, transpose_lhs_hint = false} : vector<1000x128xf32>, vector<128x128xf32>, vector<1000x128xf32> -> vector<1000x128xf32>
    %add3A_77 = arith.addf %add3A_62, %dot_general3A_76 : vector<1000x128xf32>
    %get3A_78 = arith.constant 0 : index
    %get3A_79 = arith.constant 0 : index
    %get3A_80 = vector.load %arg7[%get3A_78, %get3A_79] : memref<1x128xf32, #tpu.memory_space<vmem>>, vector<1x128xf32>
    %add3A_81 = vector.broadcast %get3A_80 : vector<1x128xf32> to vector<1000x128xf32>
    %add3A_82 = arith.addf %add3A_77, %add3A_81 : vector<1000x128xf32>
    %swap3A = arith.constant 0 : index
    %swap3A_83 = arith.constant 0 : index
    %swap3A_84 = vector.load %arg8[%swap3A, %swap3A_83] : memref<1000x128xf32, #tpu.memory_space<vmem>>, vector<1000x128xf32>
    tpu.vector_store %arg8[%swap3A, %swap3A_83], %add3A_82 {strides = array<i32>} : memref<1000x128xf32, #tpu.memory_space<vmem>>, vector<1000x128xf32>,
    return
  }
  func.func @transform_0(%arg0: i32) -> (i32, i32, i32) {
    %c0_i32 = arith.constant 0 : i32
    %c0_i32_0 = arith.constant 0 : i32
    %c0_i32_1 = arith.constant 0 : i32
    return %c0_i32, %arg0, %c0_i32_0 : i32, i32, i32
  }
  func.func @transform_1(%arg0: i32) -> (i32, i32) {
    %c0_i32 = arith.constant 0 : i32
    %c0_i32_0 = arith.constant 0 : i32
    return %arg0, %c0_i32 : i32, i32
  }
  func.func @transform_2(%arg0: i32) -> (i32, i32) {
    %c0_i32 = arith.constant 0 : i32
    %c0_i32_0 = arith.constant 0 : i32
    return %arg0, %c0_i32 : i32, i32
  }
  func.func @transform_3(%arg0: i32) -> (i32, i32, i32) {
    %c0_i32 = arith.constant 0 : i32
    %c0_i32_0 = arith.constant 0 : i32
    %c0_i32_1 = arith.constant 0 : i32
    return %c0_i32, %arg0, %c0_i32_0 : i32, i32, i32
  }
  func.func @transform_4(%arg0: i32) -> (i32, i32, i32) {
    %c0_i32 = arith.constant 0 : i32
    %c0_i32_0 = arith.constant 0 : i32
    %c0_i32_1 = arith.constant 0 : i32
    return %c0_i32, %arg0, %c0_i32_0 : i32, i32, i32
  }
  func.func @transform_5(%arg0: i32) -> (i32, i32, i32) {
    %c0_i32 = arith.constant 0 : i32
    %c0_i32_0 = arith.constant 0 : i32
    %c0_i32_1 = arith.constant 0 : i32
    %c0_i32_2 = arith.constant 0 : i32
    return %c0_i32, %c0_i32_0, %c0_i32_1 : i32, i32, i32
  }
  func.func @transform_6(%arg0: i32) -> (i32, i32) {
    %c0_i32 = arith.constant 0 : i32
    %c0_i32_0 = arith.constant 0 : i32
    %c0_i32_1 = arith.constant 0 : i32
    return %c0_i32, %c0_i32_0 : i32, i32
  }
  func.func @transform_7(%arg0: i32) -> (i32, i32) {
    %c0_i32 = arith.constant 0 : i32
    %c0_i32_0 = arith.constant 0 : i32
    return %arg0, %c0_i32 : i32, i32
  }
}

</mosaic_0001>

<sc_bundles>
// kernel: kernel.11.cloned.1.call-start
scs
__scs_entry_jumppad:
0x0: {  	(pc) =	sbr.rel $0x88, $3  }
0x1: {  	(tag) =	ssettag $0x0;
	lr =	simm.s32 $0x1  }
0x2: {  	[smem:$0x3F9C] =	sst lr;
	_ =	strace $0xD0000000  }
0x3: {  	_ = 	snop  }
0x4: {  	_ = 	snop  }
0x5: {  	_ = 	snop  }
0x6: {  	_ = 	snop  }
0x7: {  	_ = 	snop  }
__scs_overlays_trampoline_lowered:
0x8: {  	[smem:$0x3FAB] =	sst s0  }
0x9: {  	[smem:$0x3FAC] =	sst s1  }
0xa: {  	[smem:$0x3FAD] =	sst s2  }
0xb: {  	[smem:$0x3FAE] =	sst s3  }
0xc: {  	[smem:$0x3FAF] =	sst s4  }
0xd: {  	[smem:$0x3FB0] =	sst s5  }
0xe: {  	[smem:$0x3FB1] =	sst s6  }
0xf: {  	[smem:$0x3FB2] =	sst s7  }
0x10: {  	[smem:$0x3FB3] =	sst s8  }
0x11: {  	[smem:$0x3FB4] =	sst s9;
	s0 =	simm.s32 @!p0 $0x0  }
0x12: {  	s1 =	sld [smem:$0x3F9A];
	s0 =	simm.s32 @p0 $0x1  }
0x13: {  	[smem:$0x3FB5] =	sst s0;
	s0 =	simm.s32 @!p1 $0x0  }
0x14: {  	s2 =	sld [smem:$0x3F99];
	s0 =	simm.s32 @p1 $0x1  }
0x15: {  	[smem:$0x3FB6] =	sst s0;
	s0 =	simm.s32 @!p2 $0x0  }
0x16: {  	s3 =	sld [smem:$0x3FDB];
	s0 =	simm.s32 @p2 $0x1  }
0x17: {  	s4 =	simm.s32 $0x1BF5;
	[smem:$0x3FB8] =	sst s0  }
0x18: {  	s0 =	sld [smem:$0x3F9B];
	_ =	swait.ge [sflag:s4], $0x0  }
0x19: {  	s7 =	sld [smem:$0x3F9C]  }
0x1a: {  	s8 =	sadd.s32 $0xFFFFE003, lr  }
0x1b: {  	s9 =	sadd.s32 $0xFFFFFEF7, lr;
	s5 =	simm.s32 $0xFFFFFFFF;
	p2 =	slt.u32 s8, $0xFFFFF086  }
0x1c: {  	p1 =	slt.u32 s9, $0xF7A;
	s5 =	simm.s32 @!p2 $0x0  }
0x1d: {  	s5 =	simm.s32 @p1 $0x1;
	p0 =	seq.s32 s7, s2  }
0x1e: {  	s7 =	smul.u32 @!p0 $0xF7A, s2;
	p2 =	seq.s32 @!p0 s5, $0x0  }
0x1f: {  	s9 =	smul.u32 $0xF7A, s1;
	s8 =	simm.s32 @!p0 $0x1BF5;
	p2 =	por !p2, p0  }
0x20: {  	[sflag:s8] =	ssyncset.s32 @!p0 $0xFFFFF086;
	s6 =	sadd.s32 @!p0 s3, s7;
	s7 =	simm.s32 @!p0 $0x108  }
0x21: {  	s3 =	sadd.s32 s3, s9;
	s6 =	sadd.s32 @!p0 $0x88, s6;
	s7 =	simm.s32 @p2 $0x1082  }
0x22: {  	[simem:s7], [sflag:s8] =	dma.local @!p0 [hbm:s6], $0xF7A  }
0x23: {  	s9 =	sor.u32 $0xD0000000, s2;
	s6 =	simm.s32 $0x108;
	_ =	swait.ge @!p0 [sflag:s8], $0x0  }
0x24: {  	s3 =	sadd.s32 $0x88, s3;
	s6 =	simm.s32 @!p1 $0x1082;
	[sflag:s4] =	ssyncset.s32 $0xFFFFF086  }
0x25: {  	[simem:s6], [sflag:s4] =	dma.local [hbm:s3], $0xF7A  }
0x26: {  	[smem:$0x3F9C] =	sst s1;
	(tag) =	ssettag s2;
	_ =	strace s9  }
0x27: {  	s1 =	sld [smem:$0x3FAC]  }
0x28: {  	s2 =	sld [smem:$0x3FAD]  }
0x29: {  	s4 =	sld [smem:$0x3FAF]  }
0x2a: {  	p0 =	seq.s32 s5, $0x0;
	s5 =	sld [smem:$0x3FB0]  }
0x2b: {  	s6 =	sld [smem:$0x3FB1]  }
0x2c: {  	s7 =	sld [smem:$0x3FB2]  }
0x2d: {  	s3 =	simm.s32 $0x108;
	s8 =	sld [smem:$0x3FB3]  }
0x2e: {  	s3 =	simm.s32 @!p0 $0x1082;
	s9 =	sld [smem:$0x3FB4]  }
0x2f: {  	lr =	sadd.s32 s0, s3;
	s0 =	sld [smem:$0x3FAB]  }
0x30: {  	s3 =	sld [smem:$0x3FAE]  }
0x31: {  	[smem:$0x3FB7] =	sst s10  }
0x32: {  	s10 =	sld [smem:$0x3FB5];
	_ =	sdelay $0x3  }
0x33: {  	p0 =	seq.s32 s10, $0x1;
	s10 =	sld [smem:$0x3FB7];
	_ =	sdelay $0x3  }
0x34: {  	[smem:$0x3FB7] =	sst s10  }
0x35: {  	s10 =	sld [smem:$0x3FB6];
	_ =	sdelay $0x3  }
0x36: {  	p1 =	seq.s32 s10, $0x1;
	s10 =	sld [smem:$0x3FB7];
	_ =	sdelay $0x3  }
0x37: {  	[smem:$0x3FB7] =	sst s10  }
0x38: {  	s10 =	sld [smem:$0x3FB8]  }
0x39: {  	_ = 	snop;
	(pc) =	sbr.ind lr, $3  }
0x3a: {  	_ = 	snop  }
0x3b: {  	_ = 	snop  }
0x3c: {  	p2 =	seq.s32 s10, $0x1;
	s10 =	sld [smem:$0x3FB7]  }
0x3d: {  	_ =	shalt  }
0x3e: {  	_ =	shalt  }
0x3f: {  	_ =	shalt  }
0x40: {  	_ =	shalt  }
0x41: {  	_ =	shalt  }
0x42: {  	_ =	shalt  }
0x43: {  	_ =	shalt  }
0x44: {  	_ =	shalt  }
0x45: {  	_ =	shalt  }
0x46: {  	_ =	shalt  }
0x47: {  	_ =	shalt  }
0x48: {  	_ =	shalt  }
0x49: {  	_ =	shalt  }
0x4a: {  	_ =	shalt  }
0x4b: {  	_ =	shalt  }
0x4c: {  	_ =	shalt  }
0x4d: {  	_ =	shalt  }
0x4e: {  	_ =	shalt  }
0x4f: {  	_ =	shalt  }
0x50: {  	_ =	shalt  }
0x51: {  	_ =	shalt  }
0x52: {  	_ =	shalt  }
0x53: {  	_ =	shalt  }
0x54: {  	_ =	shalt  }
0x55: {  	_ =	shalt  }
0x56: {  	_ =	shalt  }
0x57: {  	_ =	shalt  }
0x58: {  	_ =	shalt  }
0x59: {  	_ =	shalt  }
0x5a: {  	_ =	shalt  }
0x5b: {  	_ =	shalt  }
0x5c: {  	_ =	shalt  }
0x5d: {  	_ =	shalt  }
0x5e: {  	_ =	shalt  }
0x5f: {  	_ =	shalt  }
0x60: {  	_ =	shalt  }
0x61: {  	_ =	shalt  }
0x62: {  	_ =	shalt  }
0x63: {  	_ =	shalt  }
0x64: {  	_ =	shalt  }
0x65: {  	_ =	shalt  }
0x66: {  	_ =	shalt  }
0x67: {  	_ =	shalt  }
0x68: {  	_ =	shalt  }
0x69: {  	_ =	shalt  }
0x6a: {  	_ =	shalt  }
0x6b: {  	_ =	shalt  }
0x6c: {  	_ =	shalt  }
0x6d: {  	_ =	shalt  }
0x6e: {  	_ =	shalt  }
0x6f: {  	_ =	shalt  }
0x70: {  	_ =	shalt  }
0x71: {  	_ =	shalt  }
0x72: {  	_ =	shalt  }
0x73: {  	_ =	shalt  }
0x74: {  	_ =	shalt  }
0x75: {  	_ =	shalt  }
0x76: {  	_ =	shalt  }
0x77: {  	_ =	shalt  }
0x78: {  	_ =	shalt  }
0x79: {  	_ =	shalt  }
0x7a: {  	_ =	shalt  }
0x7b: {  	_ =	shalt  }
0x7c: {  	_ =	shalt  }
0x7d: {  	_ =	shalt  }
0x7e: {  	_ =	shalt  }
0x7f: {  	_ =	shalt  }
0x80: {  	_ =	shalt  }
0x81: {  	_ =	shalt  }
0x82: {  	_ =	shalt  }
0x83: {  	_ =	shalt  }
0x84: {  	_ =	shalt  }
0x85: {  	_ =	shalt  }
0x86: {  	_ =	shalt  }
0x87: {  	_ =	shalt  }
.Lfunc_end0:
.L_simem_size_0:
called_computation.1_lowered:
.L_overlay_start_0:
0x88: {  	s2 =	sld [smem:$0x3FD9]  }
0x89: {  	s3 =	sld [smem:$0x3FFE];
	_ =	sdelay $0x1  }
0x8a: {  	s1 =	srdreg.scid  }
0x8b: {  	s0 =	sand.u32 $0x1, s1  }
0x8c: {  	s17 =	sshll.u32 s0, $0xA;
	s2 =	sadd.s32 s3, s2  }
0x8d: {  	s2 =	sadd.s32 s2, s17  }
0x8e: {  	[smem:$0x3FC3] =	sst s2  }
0x8f: {  	_ = 	snop  }
0x90: {  	s2 =	sld [smem:$0x3FD0];
	(tm) =	ssettm $0x1  }
0x91: {  	s18 =	sld [smem:$0x3FFB];
	_ =	sdelay $0x3  }
0x92: {  	_ =	strace s18  }
0x93: {  	s3 =	sld [smem:$0x3FFC];
	_ =	sdelay $0x3  }
0x94: {  	_ =	strace s3  }
0x95: {  	s3 =	sld [smem:$0x3FFD];
	_ =	sdelay $0x3  }
0x96: {  	_ =	strace s3  }
0x97: {  	_ =	strace $0x8FFFFFFF  }
0x98: {  	s19 =	sld [smem:$0x3FDB];
	_ =	sdelay $0x1  }
0x99: {  	s4 =	simm.s32 $_scs_section_size  }
0x9a: {  	s5 =	simm.s32 $_size__tile_overlayer_lowered;
	s6 =	simm.s32 $_tile_overlayer_lowered  }
0x9b: {  	s22 =	simm.s32 $0x1BFF;
	s21 =	sshll.u32 s6, $0x1;
	s3 =	sadd.s32 s4, s19  }
0x9c: {  	s7 =	simm.s32 $0x0;
	s20 =	sshll.u32 s5, $0x1;
	s5 =	sadd.s32 s21, s3  }
0x9d: {  	[timem:s7], [sflag:s22] =	dma.local [hbm:s5], s20  }
0x9e: {  	_ =	swait.ge [sflag:s22], s20  }
0x9f: {  	s4 =	ssub.s32 $0x0, s20;
	[sflag:s22] =	ssyncset.done $0x0  }
0xa0: {  	[sflag:s22] =	ssyncadd.s32 s4;
	_ =	sdelay $0x1  }
0xa1: {  	s23 =	simm.s32 $0x1B8B  }
0xa2: {  	_ =	swait.ge [sflag:s23], $0x1  }
0xa3: {  	[sflag:s23] =	ssyncset.done $0x0  }
0xa4: {  	s25 =	simm.s32 $0x1B8E;
	s24 =	sld [smem:$0x3FFE];
	[sflag:s23] =	ssyncadd.s32 $0xFFFFFFFF  }
0xa5: {  	s26 =	simm.s32 $execute0_lowered;
	[smem:$0x3FD2] =	sst s25  }
0xa6: {  	s5 =	sshll.u32 s26, $0x1;
	_ =	strace $0x80000049;
	[dreg:$0x1] =	wrdreg $0xFFFFFFFF  }
0xa7: {  	s28 =	simm.s32 $_size_execute0_lowered;
	s3 =	sadd.s32 s3, s5;
	[dreg:$0x0] =	wrdreg $0x0  }
0xa8: {  	s5 =	sshll.u32 s28, $0x1;
	[dreg:$0x2] =	wrdreg s3  }
0xa9: {  	[dreg:$0x3] =	wrdreg s5  }
0xaa: {  	[dreg:$0x4] =	wrdreg $0xC0  }
0xab: {  	_ =	task [dreg:s7], $0x5FFFF  }
0xac: {  	[dreg:$0x1] =	wrdreg $0xFFFFFFFF  }
0xad: {  	[dreg:$0x0] =	wrdreg $0x60  }
0xae: {  	[dreg:$0x2] =	wrdreg s24  }
0xaf: {  	[dreg:$0x3] =	wrdreg s2  }
0xb0: {  	[dreg:$0x4] =	wrdreg $0x0  }
0xb1: {  	[dreg:$0x5] =	wrdreg $0x9  }
0xb2: {  	_ =	task.clear_ibuf [dreg:s7], $0x6FFFF;
	_ =	strace $0x90000049  }
0xb3: {  	s29 =	simm.s32 $0x9;
	_ =	strace $0x8000004B  }
0xb4: {  	_ =	swait.ge [sflag:s29], $0x1  }
0xb5: {  	[sflag:s29] =	ssyncadd.s32 $0xFFFFFFFF  }
0xb6: {  	_ =	strace $0x9000004B  }
0xb7: {  	_ =	sfence  }
0xb8: {  	s30 =	sld [smem:$0x0];
	_ =	sdelay $0x2  }
0xb9: {  	s31 =	sshll.u32 s1, $0xD;
	s1 =	sshrl.u32 s1, $0x2  }
0xba: {  	s3 =	sand.u32 $0x4000, s31;
	s1 =	sadd.s32 s1, s30  }
0xbb: {  	s0 =	sor.u32 s3, s0;
	s1 =	sshll.u32 s1, $0x11  }
0xbc: {  	s0 =	sor.u32 s1, s0  }
0xbd: {  	s0 =	sadd.s32 $0x8F2B, s0  }
0xbe: {  	[sflag:s0] =	ssyncadd.remote.s32 $0x1  }
0xbf: {  	_ =	sfence.sel $0xFFFF  }
0xc0: {  	[dreg:$0x0] =	wrdreg $0xFFFFFFFF;
	(pc) =	sbr.abs _section_cstart, $3  }
0xc1: {  	[dreg:$0x1] =	wrdreg $0xFFFFFFFF  }
0xc2: {  	_ =	task.clear_ibuf [dreg:s7], $0x2FFFF;
	_ =	strace $0x9FFFFFFF  }
0xc3: {  	(tm) =	ssettm $0x7FFFFFFF  }
tec
execute0_lowered:
.L_overlay_start_1:
0x0: {  	(tag) =	ssettag $0x1  }
0x1: {  	s0 =	rddreg [dreg:$0x0]  }
0x2: {  	s1 =	rddreg [dreg:$0x1]  }
0x3: {  	s2 =	rddreg [dreg:$0x2]  }
0x4: {  	s4 =	simm.s32 $0x0;
	s5 =	srdreg.scid;
	s3 =	stileid.u32  }
0x5: {  	s20 =	simm.s32 $0x3;
	s21 =	simm.s32 $0x13880;
	s22 =	simm.s32 $0x14C80  }
0x6: {  	s23 =	simm.s32 $0x7D;
	s24 =	simm.s32 $0x1;
	s25 =	simm.s32 $0x1A080  }
0x7: {  	s28 =	simm.s32 $0x14C00;
	s29 =	simm.s32 $0x15F80;
	s30 =	simm.s32 $0x16000  }
0x8: {  	[smem:$0x7FF] =	sst s4;
	s6 =	sand.u32 $0x1, s5;
	s17 =	sadd.s32 $0xB800, s0  }
0x9: {  	s7 =	smul.u32 $0x4E000, s3;
	s18 =	sadd.s32 $0x1800, s0;
	s0 =	sadd.s32 $0x15800, s0  }
0xa: {  	s26 =	sshll.u32 s3, $0x1;
	s13 =	smul.u32 $0x13800, s3;
	p0 =	sne.s32 s3, $0xF  }
0xb: {  	_ =	strace $0x8000004A;
	s5 =	ssub.s32 $0x2, s6;
	s11 =	sor.u32 s6, s26  }
0xc: {  	s12 =	smul.u32 $0x138800, s6;
	s26 =	simm.s32 $0x2;
	s8 =	sshrl.u32 s5, $0x1  }
0xd: {  	s7 =	sshrl.u32 s7, $0x2;
	s15 =	smul.u32 $0x2800, s11;
	s11 =	sadd.s32 $0x138000, s2  }
0xe: {  	s14 =	ssub.s32 s5, s8;
	s5 =	sadd.s32 s7, s2;
	s13 =	sadd.s32 s13, s12  }
0xf: {  	s12 =	sshrl.u32 s12, $0x3;
	s6 =	sadd.s32 $0x3400, s5;
	s7 =	sadd.s32 $0x6800, s5  }
0x10: {  	s8 =	sadd.s32 $0x9C00, s5;
	s9 =	sadd.s32 $0xD000, s5;
	s10 =	sadd.s32 $0x10400, s5  }
0x11: {  	s13 =	sshrl.u32 s13, $0x3;
	s16 =	sadd.s32 s0, s12;
	s31 =	sshrl.u32 s15, $0x3  }
0x12: {  	s14 =	smax.u32 s14, $0x1;
	s12 =	sadd.s32 s0, s13;
	s13 =	sadd.s32 $0x27000, s16  }
0x13: {  	s15 =	sadd.s32 s17, s31;
	s19 =	sadd.s32 $0x280, s31;
	s16 =	sadd.s32 s18, s31  }
0x14: {  	v0 =	vimm.f32 $0.0e+00;
	s17 =	sadd.s32 s17, s19;
	s18 =	sadd.s32 s18, s19;
	s19 =	simm.s32 $0x16080  }
.LBB2_1:
0x15: {  	s31 =	simm.s32 $0x0;
	s0 =	simm.s32 $0x200  }
.LBB2_2:
0x16: {  	p1 =	sne.s32 s0, $0xF800;
	[tilespmem:s31+$0x160F0] =	vst v0  }
0x17: {  	[tilespmem:s31+$0x16080] =	vst v0  }
0x18: {  	[tilespmem:s31+$0x16090] =	vst v0  }
.Ltmp0:
0x19: {  	[tilespmem:s31+$0x160A0] =	vst v0;
	(pc) =	sbr.rel @p1 .LBB2_2-.Ltmp0, $4  }
0x1a: {  	[tilespmem:s31+$0x160B0] =	vst v0  }
0x1b: {  	[tilespmem:s31+$0x160C0] =	vst v0  }
0x1c: {  	[tilespmem:s31+$0x160D0] =	vst v0  }
0x1d: {  	[tilespmem:s31+$0x160E0] =	vst v0;
	s31 =	sshra.s32 s0, $0x2;
	s0 =	sadd.s32 $0x200, s0  }
0x1e: {  	[tilespmem:s31+$0x160F0] =	vst v0  }
0x1f: {  	[tilespmem:s31+$0x16080] =	vst v0  }
0x20: {  	[tilespmem:s31+$0x16090] =	vst v0  }
0x21: {  	[tilespmem:s31+$0x160A0] =	vst v0  }
0x22: {  	[tilespmem:s31+$0x160B0] =	vst v0  }
0x23: {  	[tilespmem:s31+$0x160C0] =	vst v0  }
0x24: {  	[tilespmem:s31+$0x160D0] =	vst v0  }
0x25: {  	[tilespmem:s31+$0x160E0] =	vst v0  }
0x26: {  	[spmem:s5] =	stream.linear.scatter [tilespmem:s19], [sflag:$0x3], $0x3400, $0x38;
	[tilespmem:$0x1E080] =	vst v63  }
0x27: {  	_ =	swait.ge [sflag:s20], $0x3400  }
0x28: {  	[sflag:s20] =	ssyncset.done $0x0  }
0x29: {  	[sflag:s20] =	ssyncadd.s32 $0xFFFFCC00  }
0x2a: {  	[spmem:s6] =	stream.linear.scatter [tilespmem:s19], [sflag:$0x3], $0x3400, $0x38;
	[tilespmem:$0x1E080] =	vst v63  }
0x2b: {  	_ =	swait.ge [sflag:s20], $0x3400  }
0x2c: {  	[sflag:s20] =	ssyncset.done $0x0  }
0x2d: {  	[sflag:s20] =	ssyncadd.s32 $0xFFFFCC00  }
0x2e: {  	[spmem:s7] =	stream.linear.scatter [tilespmem:s19], [sflag:$0x3], $0x3400, $0x38;
	[tilespmem:$0x1E080] =	vst v63  }
0x2f: {  	_ =	swait.ge [sflag:s20], $0x3400  }
0x30: {  	[sflag:s20] =	ssyncset.done $0x0  }
0x31: {  	[sflag:s20] =	ssyncadd.s32 $0xFFFFCC00  }
0x32: {  	[spmem:s8] =	stream.linear.scatter [tilespmem:s19], [sflag:$0x3], $0x3400, $0x38;
	[tilespmem:$0x1E080] =	vst v63  }
0x33: {  	_ =	swait.ge [sflag:s20], $0x3400  }
0x34: {  	[sflag:s20] =	ssyncset.done $0x0  }
0x35: {  	[sflag:s20] =	ssyncadd.s32 $0xFFFFCC00  }
0x36: {  	[spmem:s9] =	stream.linear.scatter [tilespmem:s19], [sflag:$0x3], $0x3400, $0x38;
	[tilespmem:$0x1E080] =	vst v63  }
0x37: {  	_ =	swait.ge [sflag:s20], $0x3400  }
0x38: {  	[sflag:s20] =	ssyncset.done $0x0  }
0x39: {  	[sflag:s20] =	ssyncadd.s32 $0xFFFFCC00  }
0x3a: {  	[spmem:s10] =	stream.linear.scatter [tilespmem:s19], [sflag:$0x3], $0x3400, $0x38;
	[tilespmem:$0x1E080] =	vst v63  }
0x3b: {  	_ =	swait.ge [sflag:s20], $0x3400  }
0x3c: {  	[sflag:s20] =	ssyncset.done $0x0  }
0x3d: {  	s0 =	simm.s32 @!p0 $0x16080;
	[sflag:s20] =	ssyncadd.s32 $0xFFFFCC00  }
0x3e: {  	[spmem:s11] =	stream.linear.scatter @!p0 [tilespmem:s0], [sflag:$0x3], $0x800, $0x38;
	[tilespmem:$0x1E080] =	vst v63  }
0x3f: {  	s0 =	simm.s32 @!p0 $0x3  }
0x40: {  	_ =	swait.ge @!p0 [sflag:s0], $0x800  }
0x41: {  	[sflag:s0] =	ssyncset.done @!p0 $0x0  }
0x42: {  	[sflag:s0] =	ssyncadd.s32 @!p0 $0xFFFFF800  }
0x43: {  	s3 =	simm.s32 $0x0;
	[bflag:$0x0] =	sbarrier.arrive $0xFFFF  }
0x44: {  	[tilespmem:s21], [sflag:$0x3] =	stream.linear.gather [hbm4b:s15+s3], $0x1400, $0x38;
	[tilespmem:$0x1E080] =	vst v63  }
0x45: {  	_ =	swait.ge [sflag:s20], $0x1400  }
0x46: {  	[sflag:s20] =	ssyncset.done $0x0  }
0x47: {  	[sflag:s20] =	ssyncadd.s32 $0xFFFFEC00  }
0x48: {  	[tilespmem:s22], [sflag:$0x3] =	stream.linear.gather [hbm4b:s16+s3], $0x1400, $0x38;
	[tilespmem:$0x1E080] =	vst v63  }
0x49: {  	_ =	swait.ge [sflag:s20], $0x1400  }
0x4a: {  	[sflag:s20] =	ssyncset.done $0x0  }
0x4b: {  	[sflag:s20] =	ssyncadd.s32 $0xFFFFEC00  }
0x4c: {  	[tilespmem:s19], [sflag:$0x1] =	stream.indirect.gather [hbm4b:s1+s23], $0x80, s21, s23, $0xb8;
	[tilespmem:$0x1E080] =	vst v63  }
0x4d: {  	_ =	swait.ge [sflag:s24], $0x3E80  }
0x4e: {  	[sflag:s24] =	ssyncset.done $0x0  }
0x4f: {  	s3 =	simm.s32 $0x13900;
	[sflag:s24] =	ssyncadd.s32 $0xFFFFC180  }
0x50: {  	[tilespmem:s25], [sflag:$0x2] =	stream.indirect.gather [hbm4b:s1+s23], $0x80, s3, s23, $0xb8;
	[tilespmem:$0x1E080] =	vst v63  }
0x51: {  	s3 =	simm.s32 $0x14C80  }
0x52: {  	[spmem:s2] =	stream.indirect.scatter.add.f32 [tilespmem:s19], [sflag:$0x3], $0x80, s3, s23, $0xb8;
	[tilespmem:$0x1E080] =	vst v63  }
0x53: {  	_ =	swait.ge [sflag:s20], $0x3E80  }
0x54: {  	[sflag:s20] =	ssyncset.done $0x0  }
0x55: {  	[sflag:s20] =	ssyncadd.s32 $0xFFFFC180  }
0x56: {  	_ =	swait.ge [sflag:s26], $0x3E80  }
0x57: {  	[sflag:s26] =	ssyncset.done $0x0  }
0x58: {  	s3 =	simm.s32 $0x13980;
	[sflag:s26] =	ssyncadd.s32 $0xFFFFC180  }
0x59: {  	[tilespmem:s19], [sflag:$0x1] =	stream.indirect.gather [hbm4b:s1+s23], $0x80, s3, s23, $0xb8;
	[tilespmem:$0x1E080] =	vst v63  }
0x5a: {  	s3 =	simm.s32 $0x14D00  }
0x5b: {  	[spmem:s2] =	stream.indirect.scatter.add.f32 [tilespmem:s25], [sflag:$0x3], $0x80, s3, s23, $0xb8;
	[tilespmem:$0x1E080] =	vst v63  }
0x5c: {  	_ =	swait.ge [sflag:s20], $0x3E80  }
0x5d: {  	s31 =	simm.s32 $0x400;
	[sflag:s20] =	ssyncset.done $0x0  }
.LBB2_4:
0x5e: {  	p1 =	sne.s32 s31, $0x4800  }
0x5f: {  	[sflag:s20] =	ssyncadd.s32 $0xFFFFC180;
	s0 =	smov.u32 s31;
	s31 =	sadd.s32 $0x400, s31  }
0x60: {  	_ = 	snop  }
0x61: {  	_ =	swait.ge [sflag:s24], $0x3E80  }
0x62: {  	s0 =	sshra.s32 s0, $0x2;
	[sflag:s24] =	ssyncset.done $0x0  }
0x63: {  	s3 =	sadd.s32 $0x13900, s0;
	[sflag:s24] =	ssyncadd.s32 $0xFFFFC180  }
0x64: {  	[tilespmem:s25], [sflag:$0x2] =	stream.indirect.gather [hbm4b:s1+s23], $0x80, s3, s23, $0xb8;
	[tilespmem:$0x1E080] =	vst v63  }
0x65: {  	s3 =	sadd.s32 $0x14C80, s0  }
0x66: {  	[spmem:s2] =	stream.indirect.scatter.add.f32 [tilespmem:s19], [sflag:$0x3], $0x80, s3, s23, $0xb8;
	[tilespmem:$0x1E080] =	vst v63  }
0x67: {  	_ =	swait.ge [sflag:s20], $0x3E80  }
0x68: {  	[sflag:s20] =	ssyncset.done $0x0  }
0x69: {  	[sflag:s20] =	ssyncadd.s32 $0xFFFFC180  }
0x6a: {  	_ =	swait.ge [sflag:s26], $0x3E80  }
0x6b: {  	[sflag:s26] =	ssyncset.done $0x0  }
0x6c: {  	s3 =	sadd.s32 $0x13980, s0;
	[sflag:s26] =	ssyncadd.s32 $0xFFFFC180  }
0x6d: {  	[tilespmem:s19], [sflag:$0x1] =	stream.indirect.gather [hbm4b:s1+s23], $0x80, s3, s23, $0xb8;
	[tilespmem:$0x1E080] =	vst v63  }
.Ltmp1:
0x6e: {  	_ = 	snop;
	(pc) =	sbr.rel @p1 .LBB2_4-.Ltmp1, $4  }
0x6f: {  	s0 =	sadd.s32 $0x14D00, s0  }
0x70: {  	[spmem:s2] =	stream.indirect.scatter.add.f32 [tilespmem:s25], [sflag:$0x3], $0x80, s0, s23, $0xb8;
	[tilespmem:$0x1E080] =	vst v63  }
0x71: {  	_ =	swait.ge [sflag:s20], $0x3E80  }
0x72: {  	[sflag:s20] =	ssyncset.done $0x0  }
0x73: {  	[sflag:s20] =	ssyncadd.s32 $0xFFFFC180  }
0x74: {  	_ =	swait.ge [sflag:s24], $0x3E80  }
0x75: {  	[sflag:s24] =	ssyncset.done $0x0  }
0x76: {  	[sflag:s24] =	ssyncadd.s32 $0xFFFFC180  }
0x77: {  	[tilespmem:s25], [sflag:$0x2] =	stream.indirect.gather [hbm4b:s1+s23], $0x80, s28, s23, $0xb8;
	[tilespmem:$0x1E080] =	vst v63  }
0x78: {  	_ = 	snop  }
0x79: {  	[spmem:s2] =	stream.indirect.scatter.add.f32 [tilespmem:s19], [sflag:$0x3], $0x80, s29, s23, $0xb8;
	[tilespmem:$0x1E080] =	vst v63  }
0x7a: {  	_ =	swait.ge [sflag:s20], $0x3E80  }
0x7b: {  	[sflag:s20] =	ssyncset.done $0x0  }
0x7c: {  	[sflag:s20] =	ssyncadd.s32 $0xFFFFC180  }
0x7d: {  	_ =	swait.ge [sflag:s26], $0x3E80  }
0x7e: {  	[sflag:s26] =	ssyncset.done $0x0  }
0x7f: {  	[sflag:s26] =	ssyncadd.s32 $0xFFFFC180  }
0x80: {  	[spmem:s2] =	stream.indirect.scatter.add.f32 [tilespmem:s25], [sflag:$0x3], $0x80, s30, s23, $0xb8;
	[tilespmem:$0x1E080] =	vst v63  }
0x81: {  	_ =	swait.ge [sflag:s20], $0x3E80  }
0x82: {  	[sflag:s20] =	ssyncset.done $0x0  }
0x83: {  	s0 =	simm.s32 $0x0;
	[sflag:s20] =	ssyncadd.s32 $0xFFFFC180  }
0x84: {  	[tilespmem:s21], [sflag:$0x3] =	stream.linear.gather [hbm4b:s17+s0], $0x1400, $0x38;
	[tilespmem:$0x1E080] =	vst v63  }
0x85: {  	_ =	swait.ge [sflag:s20], $0x1400  }
0x86: {  	[sflag:s20] =	ssyncset.done $0x0  }
0x87: {  	[sflag:s20] =	ssyncadd.s32 $0xFFFFEC00  }
0x88: {  	[tilespmem:s22], [sflag:$0x3] =	stream.linear.gather [hbm4b:s18+s0], $0x1400, $0x38;
	[tilespmem:$0x1E080] =	vst v63  }
0x89: {  	_ =	swait.ge [sflag:s20], $0x1400  }
0x8a: {  	[sflag:s20] =	ssyncset.done $0x0  }
0x8b: {  	[sflag:s20] =	ssyncadd.s32 $0xFFFFEC00  }
0x8c: {  	[tilespmem:s19], [sflag:$0x1] =	stream.indirect.gather [hbm4b:s1+s23], $0x80, s21, s23, $0xb8;
	[tilespmem:$0x1E080] =	vst v63  }
0x8d: {  	_ =	swait.ge [sflag:s24], $0x3E80  }
0x8e: {  	[sflag:s24] =	ssyncset.done $0x0  }
0x8f: {  	s3 =	simm.s32 $0x13900;
	[sflag:s24] =	ssyncadd.s32 $0xFFFFC180  }
0x90: {  	[tilespmem:s25], [sflag:$0x2] =	stream.indirect.gather [hbm4b:s1+s23], $0x80, s3, s23, $0xb8;
	[tilespmem:$0x1E080] =	vst v63  }
0x91: {  	s3 =	simm.s32 $0x14C80  }
0x92: {  	[spmem:s2] =	stream.indirect.scatter.add.f32 [tilespmem:s19], [sflag:$0x3], $0x80, s3, s23, $0xb8;
	[tilespmem:$0x1E080] =	vst v63  }
0x93: {  	_ =	swait.ge [sflag:s20], $0x3E80  }
0x94: {  	[sflag:s20] =	ssyncset.done $0x0  }
0x95: {  	[sflag:s20] =	ssyncadd.s32 $0xFFFFC180  }
0x96: {  	_ =	swait.ge [sflag:s26], $0x3E80  }
0x97: {  	[sflag:s26] =	ssyncset.done $0x0  }
0x98: {  	s3 =	simm.s32 $0x13980;
	[sflag:s26] =	ssyncadd.s32 $0xFFFFC180  }
0x99: {  	[tilespmem:s19], [sflag:$0x1] =	stream.indirect.gather [hbm4b:s1+s23], $0x80, s3, s23, $0xb8;
	[tilespmem:$0x1E080] =	vst v63  }
0x9a: {  	s3 =	simm.s32 $0x14D00  }
0x9b: {  	[spmem:s2] =	stream.indirect.scatter.add.f32 [tilespmem:s25], [sflag:$0x3], $0x80, s3, s23, $0xb8;
	[tilespmem:$0x1E080] =	vst v63  }
0x9c: {  	_ =	swait.ge [sflag:s20], $0x3E80  }
0x9d: {  	s31 =	simm.s32 $0x400;
	[sflag:s20] =	ssyncset.done $0x0  }
.LBB2_6:
0x9e: {  	p1 =	sne.s32 s31, $0x4800  }
0x9f: {  	[sflag:s20] =	ssyncadd.s32 $0xFFFFC180;
	s0 =	smov.u32 s31;
	s31 =	sadd.s32 $0x400, s31  }
0xa0: {  	_ = 	snop  }
0xa1: {  	_ =	swait.ge [sflag:s24], $0x3E80  }
0xa2: {  	s0 =	sshra.s32 s0, $0x2;
	[sflag:s24] =	ssyncset.done $0x0  }
0xa3: {  	s3 =	sadd.s32 $0x13900, s0;
	[sflag:s24] =	ssyncadd.s32 $0xFFFFC180  }
0xa4: {  	[tilespmem:s25], [sflag:$0x2] =	stream.indirect.gather [hbm4b:s1+s23], $0x80, s3, s23, $0xb8;
	[tilespmem:$0x1E080] =	vst v63  }
0xa5: {  	s3 =	sadd.s32 $0x14C80, s0  }
0xa6: {  	[spmem:s2] =	stream.indirect.scatter.add.f32 [tilespmem:s19], [sflag:$0x3], $0x80, s3, s23, $0xb8;
	[tilespmem:$0x1E080] =	vst v63  }
0xa7: {  	_ =	swait.ge [sflag:s20], $0x3E80  }
0xa8: {  	[sflag:s20] =	ssyncset.done $0x0  }
0xa9: {  	[sflag:s20] =	ssyncadd.s32 $0xFFFFC180  }
0xaa: {  	_ =	swait.ge [sflag:s26], $0x3E80  }
0xab: {  	[sflag:s26] =	ssyncset.done $0x0  }
0xac: {  	s3 =	sadd.s32 $0x13980, s0;
	[sflag:s26] =	ssyncadd.s32 $0xFFFFC180  }
0xad: {  	[tilespmem:s19], [sflag:$0x1] =	stream.indirect.gather [hbm4b:s1+s23], $0x80, s3, s23, $0xb8;
	[tilespmem:$0x1E080] =	vst v63  }
.Ltmp2:
0xae: {  	_ = 	snop;
	(pc) =	sbr.rel @p1 .LBB2_6-.Ltmp2, $4  }
0xaf: {  	s0 =	sadd.s32 $0x14D00, s0  }
0xb0: {  	[spmem:s2] =	stream.indirect.scatter.add.f32 [tilespmem:s25], [sflag:$0x3], $0x80, s0, s23, $0xb8;
	[tilespmem:$0x1E080] =	vst v63  }
0xb1: {  	_ =	swait.ge [sflag:s20], $0x3E80  }
0xb2: {  	[sflag:s20] =	ssyncset.done $0x0  }
0xb3: {  	[sflag:s20] =	ssyncadd.s32 $0xFFFFC180  }
0xb4: {  	_ =	swait.ge [sflag:s24], $0x3E80  }
0xb5: {  	[sflag:s24] =	ssyncset.done $0x0  }
0xb6: {  	[sflag:s24] =	ssyncadd.s32 $0xFFFFC180  }
0xb7: {  	[tilespmem:s25], [sflag:$0x2] =	stream.indirect.gather [hbm4b:s1+s23], $0x80, s28, s23, $0xb8;
	[tilespmem:$0x1E080] =	vst v63  }
0xb8: {  	_ = 	snop  }
0xb9: {  	[spmem:s2] =	stream.indirect.scatter.add.f32 [tilespmem:s19], [sflag:$0x3], $0x80, s29, s23, $0xb8;
	[tilespmem:$0x1E080] =	vst v63  }
0xba: {  	_ =	swait.ge [sflag:s20], $0x3E80  }
0xbb: {  	[sflag:s20] =	ssyncset.done $0x0  }
0xbc: {  	[sflag:s20] =	ssyncadd.s32 $0xFFFFC180  }
0xbd: {  	_ =	swait.ge [sflag:s26], $0x3E80  }
0xbe: {  	[sflag:s26] =	ssyncset.done $0x0  }
0xbf: {  	[sflag:s26] =	ssyncadd.s32 $0xFFFFC180  }
0xc0: {  	[spmem:s2] =	stream.indirect.scatter.add.f32 [tilespmem:s25], [sflag:$0x3], $0x80, s30, s23, $0xb8;
	[tilespmem:$0x1E080] =	vst v63  }
0xc1: {  	_ =	swait.ge [sflag:s20], $0x3E80  }
0xc2: {  	s0 =	stileid.u32;
	[sflag:s20] =	ssyncset.done $0x0  }
0xc3: {  	s0 =	sshll.u32 s0, $0x6;
	[sflag:s20] =	ssyncadd.s32 $0xFFFFC180  }
0xc4: {  	s3 =	sshrl.u32 s5, $0x3;
	s0 =	sor.u32 $0x1C03, s0;
	[bflag:$0x0] =	sbarrier.arrive $0xFFFF  }
0xc5: {  	[hbm:s12], [sflag:s0] =	dma.local [spmem:s3], $0x2700  }
0xc6: {  	_ =	swait.ge [sflag:s20], $0x2700  }
0xc7: {  	s4 =	sadd.s32 $0x1, s4;
	[sflag:s20] =	ssyncset.done $0x0  }
0xc8: {  	p1 =	sne.s32 s4, s14;
	s3 =	sshrl.u32 @!p0 s11, $0x3;
	[sflag:s20] =	ssyncadd.s32 $0xFFFFD900  }
0xc9: {  	[hbm:s13], [sflag:s0] =	dma.local @!p0 [spmem:s3], $0x100  }
.Ltmp3:
0xca: {  	_ = 	snop;
	(pc) =	sbr.rel @p1 .LBB2_1-.Ltmp3, $4  }
0xcb: {  	s0 =	simm.s32 @!p0 $0x3  }
0xcc: {  	_ =	swait.ge @!p0 [sflag:s0], $0x100  }
0xcd: {  	[sflag:s0] =	ssyncset.done @!p0 $0x0  }
0xce: {  	[sflag:s0] =	ssyncadd.s32 @!p0 $0xFFFFFF00  }
0xcf: {  	_ =	sfence.sel $0x180000  }
0xd0: {  	[bflag:$0x0] =	sbarrier.arrive $0xFFFF  }
0xd1: {  	_ =	strace $0x9000004A  }
0xd2: {  	s0 =	stileid.u32;
	[bflag:$0x2] =	sbarrier.arrive $0xFFFF  }
0xd3: {  	p0 =	sne.s32 s0, $0x0;
	s0 =	rddreg [dreg:$0x3]  }
0xd4: {  	s0 =	sadd.s32 @!p0 $0x100000, s0  }
0xd5: {  	[sflag:s0] =	ssyncadd.tile.s32 @!p0 $0x1;
	_ =	shalt  }
.Lfunc_end2:
_tile_overlayer_lowered:
.L_overlay_start_2:
0xd6: {  	(tag) =	ssettag $0x2  }
0xd7: {  	s0 =	rddreg [dreg:$0x0];
	s2 =	stileid.u32  }
0xd8: {  	s1 =	rddreg [dreg:$0x1];
	p0 =	sne.s32 s2, $0x0  }
0xd9: {  	s3 =	rddreg [dreg:$0x2];
	[bflag:$0x3] =	sbarrier.arrive $0xFFFF;
	s2 =	simm.s32 @!p0 $0x1C03  }
0xda: {  	[timem:s3], [sflag:s2] =	dma.local @!p0 [hbm:s0], s1  }
0xdb: {  	s0 =	simm.s32 @!p0 $0x3  }
0xdc: {  	_ =	swait.ge @!p0 [sflag:s0], s1  }
0xdd: {  	s1 =	ssub.s32 @!p0 $0x0, s1;
	[sflag:s0] =	ssyncset.done @!p0 $0x0  }
0xde: {  	[sflag:s0] =	ssyncadd.s32 @!p0 s1  }
0xdf: {  	[bflag:$0x3] =	sbarrier.arrive $0xFFFF  }
0xe0: {  	_ =	shalt  }

// kernel: kernel.14.cloned.1.call-start
scs
__scs_entry_jumppad:
0x0: {  	(pc) =	sbr.rel $0x88, $3  }
0x1: {  	(tag) =	ssettag $0x0;
	lr =	simm.s32 $0x1  }
0x2: {  	[smem:$0x3F9C] =	sst lr;
	_ =	strace $0xD0000000  }
0x3: {  	_ = 	snop  }
0x4: {  	_ = 	snop  }
0x5: {  	_ = 	snop  }
0x6: {  	_ = 	snop  }
0x7: {  	_ = 	snop  }
__scs_overlays_trampoline_lowered:
0x8: {  	[smem:$0x3FAB] =	sst s0  }
0x9: {  	[smem:$0x3FAC] =	sst s1  }
0xa: {  	[smem:$0x3FAD] =	sst s2  }
0xb: {  	[smem:$0x3FAE] =	sst s3  }
0xc: {  	[smem:$0x3FAF] =	sst s4  }
0xd: {  	[smem:$0x3FB0] =	sst s5  }
0xe: {  	[smem:$0x3FB1] =	sst s6  }
0xf: {  	[smem:$0x3FB2] =	sst s7  }
0x10: {  	[smem:$0x3FB3] =	sst s8  }
0x11: {  	[smem:$0x3FB4] =	sst s9;
	s0 =	simm.s32 @!p0 $0x0  }
0x12: {  	s1 =	sld [smem:$0x3F9A];
	s0 =	simm.s32 @p0 $0x1  }
0x13: {  	[smem:$0x3FB5] =	sst s0;
	s0 =	simm.s32 @!p1 $0x0  }
0x14: {  	s2 =	sld [smem:$0x3F99];
	s0 =	simm.s32 @p1 $0x1  }
0x15: {  	[smem:$0x3FB6] =	sst s0;
	s0 =	simm.s32 @!p2 $0x0  }
0x16: {  	s3 =	sld [smem:$0x3FDB];
	s0 =	simm.s32 @p2 $0x1  }
0x17: {  	s4 =	simm.s32 $0x1BF5;
	[smem:$0x3FB8] =	sst s0  }
0x18: {  	s0 =	sld [smem:$0x3F9B];
	_ =	swait.ge [sflag:s4], $0x0  }
0x19: {  	s7 =	sld [smem:$0x3F9C]  }
0x1a: {  	s8 =	sadd.s32 $0xFFFFE003, lr  }
0x1b: {  	s9 =	sadd.s32 $0xFFFFFEF7, lr;
	s5 =	simm.s32 $0xFFFFFFFF;
	p2 =	slt.u32 s8, $0xFFFFF086  }
0x1c: {  	p1 =	slt.u32 s9, $0xF7A;
	s5 =	simm.s32 @!p2 $0x0  }
0x1d: {  	s5 =	simm.s32 @p1 $0x1;
	p0 =	seq.s32 s7, s2  }
0x1e: {  	s7 =	smul.u32 @!p0 $0xF7A, s2;
	p2 =	seq.s32 @!p0 s5, $0x0  }
0x1f: {  	s9 =	smul.u32 $0xF7A, s1;
	s8 =	simm.s32 @!p0 $0x1BF5;
	p2 =	por !p2, p0  }
0x20: {  	[sflag:s8] =	ssyncset.s32 @!p0 $0xFFFFF086;
	s6 =	sadd.s32 @!p0 s3, s7;
	s7 =	simm.s32 @!p0 $0x108  }
0x21: {  	s3 =	sadd.s32 s3, s9;
	s6 =	sadd.s32 @!p0 $0x88, s6;
	s7 =	simm.s32 @p2 $0x1082  }
0x22: {  	[simem:s7], [sflag:s8] =	dma.local @!p0 [hbm:s6], $0xF7A  }
0x23: {  	s9 =	sor.u32 $0xD0000000, s2;
	s6 =	simm.s32 $0x108;
	_ =	swait.ge @!p0 [sflag:s8], $0x0  }
0x24: {  	s3 =	sadd.s32 $0x88, s3;
	s6 =	simm.s32 @!p1 $0x1082;
	[sflag:s4] =	ssyncset.s32 $0xFFFFF086  }
0x25: {  	[simem:s6], [sflag:s4] =	dma.local [hbm:s3], $0xF7A  }
0x26: {  	[smem:$0x3F9C] =	sst s1;
	(tag) =	ssettag s2;
	_ =	strace s9  }
0x27: {  	s1 =	sld [smem:$0x3FAC]  }
0x28: {  	s2 =	sld [smem:$0x3FAD]  }
0x29: {  	s4 =	sld [smem:$0x3FAF]  }
0x2a: {  	p0 =	seq.s32 s5, $0x0;
	s5 =	sld [smem:$0x3FB0]  }
0x2b: {  	s6 =	sld [smem:$0x3FB1]  }
0x2c: {  	s7 =	sld [smem:$0x3FB2]  }
0x2d: {  	s3 =	simm.s32 $0x108;
	s8 =	sld [smem:$0x3FB3]  }
0x2e: {  	s3 =	simm.s32 @!p0 $0x1082;
	s9 =	sld [smem:$0x3FB4]  }
0x2f: {  	lr =	sadd.s32 s0, s3;
	s0 =	sld [smem:$0x3FAB]  }
0x30: {  	s3 =	sld [smem:$0x3FAE]  }
0x31: {  	[smem:$0x3FB7] =	sst s10  }
0x32: {  	s10 =	sld [smem:$0x3FB5];
	_ =	sdelay $0x3  }
0x33: {  	p0 =	seq.s32 s10, $0x1;
	s10 =	sld [smem:$0x3FB7];
	_ =	sdelay $0x3  }
0x34: {  	[smem:$0x3FB7] =	sst s10  }
0x35: {  	s10 =	sld [smem:$0x3FB6];
	_ =	sdelay $0x3  }
0x36: {  	p1 =	seq.s32 s10, $0x1;
	s10 =	sld [smem:$0x3FB7];
	_ =	sdelay $0x3  }
0x37: {  	[smem:$0x3FB7] =	sst s10  }
0x38: {  	s10 =	sld [smem:$0x3FB8]  }
0x39: {  	_ = 	snop;
	(pc) =	sbr.ind lr, $3  }
0x3a: {  	_ = 	snop  }
0x3b: {  	_ = 	snop  }
0x3c: {  	p2 =	seq.s32 s10, $0x1;
	s10 =	sld [smem:$0x3FB7]  }
0x3d: {  	_ =	shalt  }
0x3e: {  	_ =	shalt  }
0x3f: {  	_ =	shalt  }
0x40: {  	_ =	shalt  }
0x41: {  	_ =	shalt  }
0x42: {  	_ =	shalt  }
0x43: {  	_ =	shalt  }
0x44: {  	_ =	shalt  }
0x45: {  	_ =	shalt  }
0x46: {  	_ =	shalt  }
0x47: {  	_ =	shalt  }
0x48: {  	_ =	shalt  }
0x49: {  	_ =	shalt  }
0x4a: {  	_ =	shalt  }
0x4b: {  	_ =	shalt  }
0x4c: {  	_ =	shalt  }
0x4d: {  	_ =	shalt  }
0x4e: {  	_ =	shalt  }
0x4f: {  	_ =	shalt  }
0x50: {  	_ =	shalt  }
0x51: {  	_ =	shalt  }
0x52: {  	_ =	shalt  }
0x53: {  	_ =	shalt  }
0x54: {  	_ =	shalt  }
0x55: {  	_ =	shalt  }
0x56: {  	_ =	shalt  }
0x57: {  	_ =	shalt  }
0x58: {  	_ =	shalt  }
0x59: {  	_ =	shalt  }
0x5a: {  	_ =	shalt  }
0x5b: {  	_ =	shalt  }
0x5c: {  	_ =	shalt  }
0x5d: {  	_ =	shalt  }
0x5e: {  	_ =	shalt  }
0x5f: {  	_ =	shalt  }
0x60: {  	_ =	shalt  }
0x61: {  	_ =	shalt  }
0x62: {  	_ =	shalt  }
0x63: {  	_ =	shalt  }
0x64: {  	_ =	shalt  }
0x65: {  	_ =	shalt  }
0x66: {  	_ =	shalt  }
0x67: {  	_ =	shalt  }
0x68: {  	_ =	shalt  }
0x69: {  	_ =	shalt  }
0x6a: {  	_ =	shalt  }
0x6b: {  	_ =	shalt  }
0x6c: {  	_ =	shalt  }
0x6d: {  	_ =	shalt  }
0x6e: {  	_ =	shalt  }
0x6f: {  	_ =	shalt  }
0x70: {  	_ =	shalt  }
0x71: {  	_ =	shalt  }
0x72: {  	_ =	shalt  }
0x73: {  	_ =	shalt  }
0x74: {  	_ =	shalt  }
0x75: {  	_ =	shalt  }
0x76: {  	_ =	shalt  }
0x77: {  	_ =	shalt  }
0x78: {  	_ =	shalt  }
0x79: {  	_ =	shalt  }
0x7a: {  	_ =	shalt  }
0x7b: {  	_ =	shalt  }
0x7c: {  	_ =	shalt  }
0x7d: {  	_ =	shalt  }
0x7e: {  	_ =	shalt  }
0x7f: {  	_ =	shalt  }
0x80: {  	_ =	shalt  }
0x81: {  	_ =	shalt  }
0x82: {  	_ =	shalt  }
0x83: {  	_ =	shalt  }
0x84: {  	_ =	shalt  }
0x85: {  	_ =	shalt  }
0x86: {  	_ =	shalt  }
0x87: {  	_ =	shalt  }
.Lfunc_end0:
.L_simem_size_0:
called_computation.2_lowered:
.L_overlay_start_0:
0x88: {  	s2 =	sld [smem:$0x3FD9]  }
0x89: {  	s3 =	sld [smem:$0x3FFE];
	_ =	sdelay $0x1  }
0x8a: {  	s1 =	srdreg.scid  }
0x8b: {  	s0 =	sand.u32 $0x1, s1  }
0x8c: {  	s17 =	sshll.u32 s0, $0xA;
	s2 =	sadd.s32 s3, s2  }
0x8d: {  	s2 =	sadd.s32 s2, s17  }
0x8e: {  	[smem:$0x3FC3] =	sst s2  }
0x8f: {  	_ = 	snop  }
0x90: {  	s2 =	sld [smem:$0x3FD0];
	(tm) =	ssettm $0x1  }
0x91: {  	s18 =	sld [smem:$0x3FFB];
	_ =	sdelay $0x3  }
0x92: {  	_ =	strace s18  }
0x93: {  	s3 =	sld [smem:$0x3FFC];
	_ =	sdelay $0x3  }
0x94: {  	_ =	strace s3  }
0x95: {  	s3 =	sld [smem:$0x3FFD];
	_ =	sdelay $0x3  }
0x96: {  	_ =	strace s3  }
0x97: {  	_ =	strace $0x8FFFFFFF  }
0x98: {  	s19 =	sld [smem:$0x3FDB];
	_ =	sdelay $0x1  }
0x99: {  	s4 =	simm.s32 $_scs_section_size  }
0x9a: {  	s5 =	simm.s32 $_size__tile_overlayer_lowered;
	s6 =	simm.s32 $_tile_overlayer_lowered  }
0x9b: {  	s22 =	simm.s32 $0x1BFF;
	s21 =	sshll.u32 s6, $0x1;
	s3 =	sadd.s32 s4, s19  }
0x9c: {  	s7 =	simm.s32 $0x0;
	s20 =	sshll.u32 s5, $0x1;
	s5 =	sadd.s32 s21, s3  }
0x9d: {  	[timem:s7], [sflag:s22] =	dma.local [hbm:s5], s20  }
0x9e: {  	_ =	swait.ge [sflag:s22], s20  }
0x9f: {  	s4 =	ssub.s32 $0x0, s20;
	[sflag:s22] =	ssyncset.done $0x0  }
0xa0: {  	[sflag:s22] =	ssyncadd.s32 s4;
	_ =	sdelay $0x1  }
0xa1: {  	s23 =	simm.s32 $0x1B8B  }
0xa2: {  	_ =	swait.ge [sflag:s23], $0x1  }
0xa3: {  	[sflag:s23] =	ssyncset.done $0x0  }
0xa4: {  	s25 =	simm.s32 $0x1B8E;
	s24 =	sld [smem:$0x3FFE];
	[sflag:s23] =	ssyncadd.s32 $0xFFFFFFFF  }
0xa5: {  	s26 =	simm.s32 $execute0_lowered;
	[smem:$0x3FD2] =	sst s25  }
0xa6: {  	s5 =	sshll.u32 s26, $0x1;
	_ =	strace $0x8000004C;
	[dreg:$0x1] =	wrdreg $0xFFFFFFFF  }
0xa7: {  	s28 =	simm.s32 $_size_execute0_lowered;
	s3 =	sadd.s32 s3, s5;
	[dreg:$0x0] =	wrdreg $0x0  }
0xa8: {  	s5 =	sshll.u32 s28, $0x1;
	[dreg:$0x2] =	wrdreg s3  }
0xa9: {  	[dreg:$0x3] =	wrdreg s5  }
0xaa: {  	[dreg:$0x4] =	wrdreg $0xC0  }
0xab: {  	_ =	task [dreg:s7], $0x5FFFF  }
0xac: {  	[dreg:$0x1] =	wrdreg $0xFFFFFFFF  }
0xad: {  	[dreg:$0x0] =	wrdreg $0x60  }
0xae: {  	[dreg:$0x2] =	wrdreg s24  }
0xaf: {  	[dreg:$0x3] =	wrdreg s2  }
0xb0: {  	[dreg:$0x4] =	wrdreg $0x0  }
0xb1: {  	[dreg:$0x5] =	wrdreg $0x9  }
0xb2: {  	_ =	task.clear_ibuf [dreg:s7], $0x6FFFF;
	_ =	strace $0x9000004C  }
0xb3: {  	s29 =	simm.s32 $0x9;
	_ =	strace $0x8000004E  }
0xb4: {  	_ =	swait.ge [sflag:s29], $0x1  }
0xb5: {  	[sflag:s29] =	ssyncadd.s32 $0xFFFFFFFF  }
0xb6: {  	_ =	strace $0x9000004E  }
0xb7: {  	_ =	sfence  }
0xb8: {  	s30 =	sld [smem:$0x0];
	_ =	sdelay $0x2  }
0xb9: {  	s31 =	sshll.u32 s1, $0xD;
	s1 =	sshrl.u32 s1, $0x2  }
0xba: {  	s3 =	sand.u32 $0x4000, s31;
	s1 =	sadd.s32 s1, s30  }
0xbb: {  	s0 =	sor.u32 s3, s0;
	s1 =	sshll.u32 s1, $0x11  }
0xbc: {  	s0 =	sor.u32 s1, s0  }
0xbd: {  	s0 =	sadd.s32 $0x8F2B, s0  }
0xbe: {  	[sflag:s0] =	ssyncadd.remote.s32 $0x1  }
0xbf: {  	_ =	sfence.sel $0xFFFF  }
0xc0: {  	[dreg:$0x0] =	wrdreg $0xFFFFFFFF;
	(pc) =	sbr.abs _section_cstart, $3  }
0xc1: {  	[dreg:$0x1] =	wrdreg $0xFFFFFFFF  }
0xc2: {  	_ =	task.clear_ibuf [dreg:s7], $0x2FFFF;
	_ =	strace $0x9FFFFFFF  }
0xc3: {  	(tm) =	ssettm $0x7FFFFFFF  }
tec
execute0_lowered:
.L_overlay_start_1:
0x0: {  	(tag) =	ssettag $0x1  }
0x1: {  	s0 =	rddreg [dreg:$0x0]  }
0x2: {  	s1 =	rddreg [dreg:$0x1]  }
0x3: {  	s2 =	rddreg [dreg:$0x2]  }
0x4: {  	s4 =	simm.s32 $0x0;
	s5 =	srdreg.scid;
	s3 =	stileid.u32  }
0x5: {  	s20 =	simm.s32 $0x3;
	s21 =	simm.s32 $0x13880;
	s22 =	simm.s32 $0x14C80  }
0x6: {  	s23 =	simm.s32 $0x7D;
	s24 =	simm.s32 $0x1;
	s25 =	simm.s32 $0x1A080  }
0x7: {  	s28 =	simm.s32 $0x14C00;
	s29 =	simm.s32 $0x15F80;
	s30 =	simm.s32 $0x16000  }
0x8: {  	[smem:$0x7FF] =	sst s4;
	s6 =	sand.u32 $0x1, s5;
	s17 =	sadd.s32 $0xB800, s0  }
0x9: {  	s7 =	smul.u32 $0x4E000, s3;
	s18 =	sadd.s32 $0x1800, s0;
	s0 =	sadd.s32 $0x15800, s0  }
0xa: {  	s26 =	sshll.u32 s3, $0x1;
	s13 =	smul.u32 $0x13800, s3;
	p0 =	sne.s32 s3, $0xF  }
0xb: {  	_ =	strace $0x8000004D;
	s5 =	ssub.s32 $0x2, s6;
	s11 =	sor.u32 s6, s26  }
0xc: {  	s12 =	smul.u32 $0x138800, s6;
	s26 =	simm.s32 $0x2;
	s8 =	sshrl.u32 s5, $0x1  }
0xd: {  	s7 =	sshrl.u32 s7, $0x2;
	s15 =	smul.u32 $0x2800, s11;
	s11 =	sadd.s32 $0x138000, s2  }
0xe: {  	s14 =	ssub.s32 s5, s8;
	s5 =	sadd.s32 s7, s2;
	s13 =	sadd.s32 s13, s12  }
0xf: {  	s12 =	sshrl.u32 s12, $0x3;
	s6 =	sadd.s32 $0x3400, s5;
	s7 =	sadd.s32 $0x6800, s5  }
0x10: {  	s8 =	sadd.s32 $0x9C00, s5;
	s9 =	sadd.s32 $0xD000, s5;
	s10 =	sadd.s32 $0x10400, s5  }
0x11: {  	s13 =	sshrl.u32 s13, $0x3;
	s16 =	sadd.s32 s0, s12;
	s31 =	sshrl.u32 s15, $0x3  }
0x12: {  	s14 =	smax.u32 s14, $0x1;
	s12 =	sadd.s32 s0, s13;
	s13 =	sadd.s32 $0x27000, s16  }
0x13: {  	s15 =	sadd.s32 s17, s31;
	s19 =	sadd.s32 $0x280, s31;
	s16 =	sadd.s32 s18, s31  }
0x14: {  	v0 =	vimm.f32 $0.0e+00;
	s17 =	sadd.s32 s17, s19;
	s18 =	sadd.s32 s18, s19;
	s19 =	simm.s32 $0x16080  }
.LBB2_1:
0x15: {  	s31 =	simm.s32 $0x0;
	s0 =	simm.s32 $0x200  }
.LBB2_2:
0x16: {  	p1 =	sne.s32 s0, $0xF800;
	[tilespmem:s31+$0x160F0] =	vst v0  }
0x17: {  	[tilespmem:s31+$0x16080] =	vst v0  }
0x18: {  	[tilespmem:s31+$0x16090] =	vst v0  }
.Ltmp0:
0x19: {  	[tilespmem:s31+$0x160A0] =	vst v0;
	(pc) =	sbr.rel @p1 .LBB2_2-.Ltmp0, $4  }
0x1a: {  	[tilespmem:s31+$0x160B0] =	vst v0  }
0x1b: {  	[tilespmem:s31+$0x160C0] =	vst v0  }
0x1c: {  	[tilespmem:s31+$0x160D0] =	vst v0  }
0x1d: {  	[tilespmem:s31+$0x160E0] =	vst v0;
	s31 =	sshra.s32 s0, $0x2;
	s0 =	sadd.s32 $0x200, s0  }
0x1e: {  	[tilespmem:s31+$0x160F0] =	vst v0  }
0x1f: {  	[tilespmem:s31+$0x16080] =	vst v0  }
0x20: {  	[tilespmem:s31+$0x16090] =	vst v0  }
0x21: {  	[tilespmem:s31+$0x160A0] =	vst v0  }
0x22: {  	[tilespmem:s31+$0x160B0] =	vst v0  }
0x23: {  	[tilespmem:s31+$0x160C0] =	vst v0  }
0x24: {  	[tilespmem:s31+$0x160D0] =	vst v0  }
0x25: {  	[tilespmem:s31+$0x160E0] =	vst v0  }
0x26: {  	[spmem:s5] =	stream.linear.scatter [tilespmem:s19], [sflag:$0x3], $0x3400, $0x38;
	[tilespmem:$0x1E080] =	vst v63  }
0x27: {  	_ =	swait.ge [sflag:s20], $0x3400  }
0x28: {  	[sflag:s20] =	ssyncset.done $0x0  }
0x29: {  	[sflag:s20] =	ssyncadd.s32 $0xFFFFCC00  }
0x2a: {  	[spmem:s6] =	stream.linear.scatter [tilespmem:s19], [sflag:$0x3], $0x3400, $0x38;
	[tilespmem:$0x1E080] =	vst v63  }
0x2b: {  	_ =	swait.ge [sflag:s20], $0x3400  }
0x2c: {  	[sflag:s20] =	ssyncset.done $0x0  }
0x2d: {  	[sflag:s20] =	ssyncadd.s32 $0xFFFFCC00  }
0x2e: {  	[spmem:s7] =	stream.linear.scatter [tilespmem:s19], [sflag:$0x3], $0x3400, $0x38;
	[tilespmem:$0x1E080] =	vst v63  }
0x2f: {  	_ =	swait.ge [sflag:s20], $0x3400  }
0x30: {  	[sflag:s20] =	ssyncset.done $0x0  }
0x31: {  	[sflag:s20] =	ssyncadd.s32 $0xFFFFCC00  }
0x32: {  	[spmem:s8] =	stream.linear.scatter [tilespmem:s19], [sflag:$0x3], $0x3400, $0x38;
	[tilespmem:$0x1E080] =	vst v63  }
0x33: {  	_ =	swait.ge [sflag:s20], $0x3400  }
0x34: {  	[sflag:s20] =	ssyncset.done $0x0  }
0x35: {  	[sflag:s20] =	ssyncadd.s32 $0xFFFFCC00  }
0x36: {  	[spmem:s9] =	stream.linear.scatter [tilespmem:s19], [sflag:$0x3], $0x3400, $0x38;
	[tilespmem:$0x1E080] =	vst v63  }
0x37: {  	_ =	swait.ge [sflag:s20], $0x3400  }
0x38: {  	[sflag:s20] =	ssyncset.done $0x0  }
0x39: {  	[sflag:s20] =	ssyncadd.s32 $0xFFFFCC00  }
0x3a: {  	[spmem:s10] =	stream.linear.scatter [tilespmem:s19], [sflag:$0x3], $0x3400, $0x38;
	[tilespmem:$0x1E080] =	vst v63  }
0x3b: {  	_ =	swait.ge [sflag:s20], $0x3400  }
0x3c: {  	[sflag:s20] =	ssyncset.done $0x0  }
0x3d: {  	s0 =	simm.s32 @!p0 $0x16080;
	[sflag:s20] =	ssyncadd.s32 $0xFFFFCC00  }
0x3e: {  	[spmem:s11] =	stream.linear.scatter @!p0 [tilespmem:s0], [sflag:$0x3], $0x800, $0x38;
	[tilespmem:$0x1E080] =	vst v63  }
0x3f: {  	s0 =	simm.s32 @!p0 $0x3  }
0x40: {  	_ =	swait.ge @!p0 [sflag:s0], $0x800  }
0x41: {  	[sflag:s0] =	ssyncset.done @!p0 $0x0  }
0x42: {  	[sflag:s0] =	ssyncadd.s32 @!p0 $0xFFFFF800  }
0x43: {  	s3 =	simm.s32 $0x0;
	[bflag:$0x0] =	sbarrier.arrive $0xFFFF  }
0x44: {  	[tilespmem:s21], [sflag:$0x3] =	stream.linear.gather [hbm4b:s15+s3], $0x1400, $0x38;
	[tilespmem:$0x1E080] =	vst v63  }
0x45: {  	_ =	swait.ge [sflag:s20], $0x1400  }
0x46: {  	[sflag:s20] =	ssyncset.done $0x0  }
0x47: {  	[sflag:s20] =	ssyncadd.s32 $0xFFFFEC00  }
0x48: {  	[tilespmem:s22], [sflag:$0x3] =	stream.linear.gather [hbm4b:s16+s3], $0x1400, $0x38;
	[tilespmem:$0x1E080] =	vst v63  }
0x49: {  	_ =	swait.ge [sflag:s20], $0x1400  }
0x4a: {  	[sflag:s20] =	ssyncset.done $0x0  }
0x4b: {  	[sflag:s20] =	ssyncadd.s32 $0xFFFFEC00  }
0x4c: {  	[tilespmem:s19], [sflag:$0x1] =	stream.indirect.gather [hbm4b:s1+s23], $0x80, s21, s23, $0xb8;
	[tilespmem:$0x1E080] =	vst v63  }
0x4d: {  	_ =	swait.ge [sflag:s24], $0x3E80  }
0x4e: {  	[sflag:s24] =	ssyncset.done $0x0  }
0x4f: {  	s3 =	simm.s32 $0x13900;
	[sflag:s24] =	ssyncadd.s32 $0xFFFFC180  }
0x50: {  	[tilespmem:s25], [sflag:$0x2] =	stream.indirect.gather [hbm4b:s1+s23], $0x80, s3, s23, $0xb8;
	[tilespmem:$0x1E080] =	vst v63  }
0x51: {  	s3 =	simm.s32 $0x14C80  }
0x52: {  	[spmem:s2] =	stream.indirect.scatter.add.f32 [tilespmem:s19], [sflag:$0x3], $0x80, s3, s23, $0xb8;
	[tilespmem:$0x1E080] =	vst v63  }
0x53: {  	_ =	swait.ge [sflag:s20], $0x3E80  }
0x54: {  	[sflag:s20] =	ssyncset.done $0x0  }
0x55: {  	[sflag:s20] =	ssyncadd.s32 $0xFFFFC180  }
0x56: {  	_ =	swait.ge [sflag:s26], $0x3E80  }
0x57: {  	[sflag:s26] =	ssyncset.done $0x0  }
0x58: {  	s3 =	simm.s32 $0x13980;
	[sflag:s26] =	ssyncadd.s32 $0xFFFFC180  }
0x59: {  	[tilespmem:s19], [sflag:$0x1] =	stream.indirect.gather [hbm4b:s1+s23], $0x80, s3, s23, $0xb8;
	[tilespmem:$0x1E080] =	vst v63  }
0x5a: {  	s3 =	simm.s32 $0x14D00  }
0x5b: {  	[spmem:s2] =	stream.indirect.scatter.add.f32 [tilespmem:s25], [sflag:$0x3], $0x80, s3, s23, $0xb8;
	[tilespmem:$0x1E080] =	vst v63  }
0x5c: {  	_ =	swait.ge [sflag:s20], $0x3E80  }
0x5d: {  	s31 =	simm.s32 $0x400;
	[sflag:s20] =	ssyncset.done $0x0  }
.LBB2_4:
0x5e: {  	p1 =	sne.s32 s31, $0x4800  }
0x5f: {  	[sflag:s20] =	ssyncadd.s32 $0xFFFFC180;
	s0 =	smov.u32 s31;
	s31 =	sadd.s32 $0x400, s31  }
0x60: {  	_ = 	snop  }
0x61: {  	_ =	swait.ge [sflag:s24], $0x3E80  }
0x62: {  	s0 =	sshra.s32 s0, $0x2;
	[sflag:s24] =	ssyncset.done $0x0  }
0x63: {  	s3 =	sadd.s32 $0x13900, s0;
	[sflag:s24] =	ssyncadd.s32 $0xFFFFC180  }
0x64: {  	[tilespmem:s25], [sflag:$0x2] =	stream.indirect.gather [hbm4b:s1+s23], $0x80, s3, s23, $0xb8;
	[tilespmem:$0x1E080] =	vst v63  }
0x65: {  	s3 =	sadd.s32 $0x14C80, s0  }
0x66: {  	[spmem:s2] =	stream.indirect.scatter.add.f32 [tilespmem:s19], [sflag:$0x3], $0x80, s3, s23, $0xb8;
	[tilespmem:$0x1E080] =	vst v63  }
0x67: {  	_ =	swait.ge [sflag:s20], $0x3E80  }
0x68: {  	[sflag:s20] =	ssyncset.done $0x0  }
0x69: {  	[sflag:s20] =	ssyncadd.s32 $0xFFFFC180  }
0x6a: {  	_ =	swait.ge [sflag:s26], $0x3E80  }
0x6b: {  	[sflag:s26] =	ssyncset.done $0x0  }
0x6c: {  	s3 =	sadd.s32 $0x13980, s0;
	[sflag:s26] =	ssyncadd.s32 $0xFFFFC180  }
0x6d: {  	[tilespmem:s19], [sflag:$0x1] =	stream.indirect.gather [hbm4b:s1+s23], $0x80, s3, s23, $0xb8;
	[tilespmem:$0x1E080] =	vst v63  }
.Ltmp1:
0x6e: {  	_ = 	snop;
	(pc) =	sbr.rel @p1 .LBB2_4-.Ltmp1, $4  }
0x6f: {  	s0 =	sadd.s32 $0x14D00, s0  }
0x70: {  	[spmem:s2] =	stream.indirect.scatter.add.f32 [tilespmem:s25], [sflag:$0x3], $0x80, s0, s23, $0xb8;
	[tilespmem:$0x1E080] =	vst v63  }
0x71: {  	_ =	swait.ge [sflag:s20], $0x3E80  }
0x72: {  	[sflag:s20] =	ssyncset.done $0x0  }
0x73: {  	[sflag:s20] =	ssyncadd.s32 $0xFFFFC180  }
0x74: {  	_ =	swait.ge [sflag:s24], $0x3E80  }
0x75: {  	[sflag:s24] =	ssyncset.done $0x0  }
0x76: {  	[sflag:s24] =	ssyncadd.s32 $0xFFFFC180  }
0x77: {  	[tilespmem:s25], [sflag:$0x2] =	stream.indirect.gather [hbm4b:s1+s23], $0x80, s28, s23, $0xb8;
	[tilespmem:$0x1E080] =	vst v63  }
0x78: {  	_ = 	snop  }
0x79: {  	[spmem:s2] =	stream.indirect.scatter.add.f32 [tilespmem:s19], [sflag:$0x3], $0x80, s29, s23, $0xb8;
	[tilespmem:$0x1E080] =	vst v63  }
0x7a: {  	_ =	swait.ge [sflag:s20], $0x3E80  }
0x7b: {  	[sflag:s20] =	ssyncset.done $0x0  }
0x7c: {  	[sflag:s20] =	ssyncadd.s32 $0xFFFFC180  }
0x7d: {  	_ =	swait.ge [sflag:s26], $0x3E80  }
0x7e: {  	[sflag:s26] =	ssyncset.done $0x0  }
0x7f: {  	[sflag:s26] =	ssyncadd.s32 $0xFFFFC180  }
0x80: {  	[spmem:s2] =	stream.indirect.scatter.add.f32 [tilespmem:s25], [sflag:$0x3], $0x80, s30, s23, $0xb8;
	[tilespmem:$0x1E080] =	vst v63  }
0x81: {  	_ =	swait.ge [sflag:s20], $0x3E80  }
0x82: {  	[sflag:s20] =	ssyncset.done $0x0  }
0x83: {  	s0 =	simm.s32 $0x0;
	[sflag:s20] =	ssyncadd.s32 $0xFFFFC180  }
0x84: {  	[tilespmem:s21], [sflag:$0x3] =	stream.linear.gather [hbm4b:s17+s0], $0x1400, $0x38;
	[tilespmem:$0x1E080] =	vst v63  }
0x85: {  	_ =	swait.ge [sflag:s20], $0x1400  }
0x86: {  	[sflag:s20] =	ssyncset.done $0x0  }
0x87: {  	[sflag:s20] =	ssyncadd.s32 $0xFFFFEC00  }
0x88: {  	[tilespmem:s22], [sflag:$0x3] =	stream.linear.gather [hbm4b:s18+s0], $0x1400, $0x38;
	[tilespmem:$0x1E080] =	vst v63  }
0x89: {  	_ =	swait.ge [sflag:s20], $0x1400  }
0x8a: {  	[sflag:s20] =	ssyncset.done $0x0  }
0x8b: {  	[sflag:s20] =	ssyncadd.s32 $0xFFFFEC00  }
0x8c: {  	[tilespmem:s19], [sflag:$0x1] =	stream.indirect.gather [hbm4b:s1+s23], $0x80, s21, s23, $0xb8;
	[tilespmem:$0x1E080] =	vst v63  }
0x8d: {  	_ =	swait.ge [sflag:s24], $0x3E80  }
0x8e: {  	[sflag:s24] =	ssyncset.done $0x0  }
0x8f: {  	s3 =	simm.s32 $0x13900;
	[sflag:s24] =	ssyncadd.s32 $0xFFFFC180  }
0x90: {  	[tilespmem:s25], [sflag:$0x2] =	stream.indirect.gather [hbm4b:s1+s23], $0x80, s3, s23, $0xb8;
	[tilespmem:$0x1E080] =	vst v63  }
0x91: {  	s3 =	simm.s32 $0x14C80  }
0x92: {  	[spmem:s2] =	stream.indirect.scatter.add.f32 [tilespmem:s19], [sflag:$0x3], $0x80, s3, s23, $0xb8;
	[tilespmem:$0x1E080] =	vst v63  }
0x93: {  	_ =	swait.ge [sflag:s20], $0x3E80  }
0x94: {  	[sflag:s20] =	ssyncset.done $0x0  }
0x95: {  	[sflag:s20] =	ssyncadd.s32 $0xFFFFC180  }
0x96: {  	_ =	swait.ge [sflag:s26], $0x3E80  }
0x97: {  	[sflag:s26] =	ssyncset.done $0x0  }
0x98: {  	s3 =	simm.s32 $0x13980;
	[sflag:s26] =	ssyncadd.s32 $0xFFFFC180  }
0x99: {  	[tilespmem:s19], [sflag:$0x1] =	stream.indirect.gather [hbm4b:s1+s23], $0x80, s3, s23, $0xb8;
	[tilespmem:$0x1E080] =	vst v63  }
0x9a: {  	s3 =	simm.s32 $0x14D00  }
0x9b: {  	[spmem:s2] =	stream.indirect.scatter.add.f32 [tilespmem:s25], [sflag:$0x3], $0x80, s3, s23, $0xb8;
	[tilespmem:$0x1E080] =	vst v63  }
0x9c: {  	_ =	swait.ge [sflag:s20], $0x3E80  }
0x9d: {  	s31 =	simm.s32 $0x400;
	[sflag:s20] =	ssyncset.done $0x0  }
.LBB2_6:
0x9e: {  	p1 =	sne.s32 s31, $0x4800  }
0x9f: {  	[sflag:s20] =	ssyncadd.s32 $0xFFFFC180;
	s0 =	smov.u32 s31;
	s31 =	sadd.s32 $0x400, s31  }
0xa0: {  	_ = 	snop  }
0xa1: {  	_ =	swait.ge [sflag:s24], $0x3E80  }
0xa2: {  	s0 =	sshra.s32 s0, $0x2;
	[sflag:s24] =	ssyncset.done $0x0  }
0xa3: {  	s3 =	sadd.s32 $0x13900, s0;
	[sflag:s24] =	ssyncadd.s32 $0xFFFFC180  }
0xa4: {  	[tilespmem:s25], [sflag:$0x2] =	stream.indirect.gather [hbm4b:s1+s23], $0x80, s3, s23, $0xb8;
	[tilespmem:$0x1E080] =	vst v63  }
0xa5: {  	s3 =	sadd.s32 $0x14C80, s0  }
0xa6: {  	[spmem:s2] =	stream.indirect.scatter.add.f32 [tilespmem:s19], [sflag:$0x3], $0x80, s3, s23, $0xb8;
	[tilespmem:$0x1E080] =	vst v63  }
0xa7: {  	_ =	swait.ge [sflag:s20], $0x3E80  }
0xa8: {  	[sflag:s20] =	ssyncset.done $0x0  }
0xa9: {  	[sflag:s20] =	ssyncadd.s32 $0xFFFFC180  }
0xaa: {  	_ =	swait.ge [sflag:s26], $0x3E80  }
0xab: {  	[sflag:s26] =	ssyncset.done $0x0  }
0xac: {  	s3 =	sadd.s32 $0x13980, s0;
	[sflag:s26] =	ssyncadd.s32 $0xFFFFC180  }
0xad: {  	[tilespmem:s19], [sflag:$0x1] =	stream.indirect.gather [hbm4b:s1+s23], $0x80, s3, s23, $0xb8;
	[tilespmem:$0x1E080] =	vst v63  }
.Ltmp2:
0xae: {  	_ = 	snop;
	(pc) =	sbr.rel @p1 .LBB2_6-.Ltmp2, $4  }
0xaf: {  	s0 =	sadd.s32 $0x14D00, s0  }
0xb0: {  	[spmem:s2] =	stream.indirect.scatter.add.f32 [tilespmem:s25], [sflag:$0x3], $0x80, s0, s23, $0xb8;
	[tilespmem:$0x1E080] =	vst v63  }
0xb1: {  	_ =	swait.ge [sflag:s20], $0x3E80  }
0xb2: {  	[sflag:s20] =	ssyncset.done $0x0  }
0xb3: {  	[sflag:s20] =	ssyncadd.s32 $0xFFFFC180  }
0xb4: {  	_ =	swait.ge [sflag:s24], $0x3E80  }
0xb5: {  	[sflag:s24] =	ssyncset.done $0x0  }
0xb6: {  	[sflag:s24] =	ssyncadd.s32 $0xFFFFC180  }
0xb7: {  	[tilespmem:s25], [sflag:$0x2] =	stream.indirect.gather [hbm4b:s1+s23], $0x80, s28, s23, $0xb8;
	[tilespmem:$0x1E080] =	vst v63  }
0xb8: {  	_ = 	snop  }
0xb9: {  	[spmem:s2] =	stream.indirect.scatter.add.f32 [tilespmem:s19], [sflag:$0x3], $0x80, s29, s23, $0xb8;
	[tilespmem:$0x1E080] =	vst v63  }
0xba: {  	_ =	swait.ge [sflag:s20], $0x3E80  }
0xbb: {  	[sflag:s20] =	ssyncset.done $0x0  }
0xbc: {  	[sflag:s20] =	ssyncadd.s32 $0xFFFFC180  }
0xbd: {  	_ =	swait.ge [sflag:s26], $0x3E80  }
0xbe: {  	[sflag:s26] =	ssyncset.done $0x0  }
0xbf: {  	[sflag:s26] =	ssyncadd.s32 $0xFFFFC180  }
0xc0: {  	[spmem:s2] =	stream.indirect.scatter.add.f32 [tilespmem:s25], [sflag:$0x3], $0x80, s30, s23, $0xb8;
	[tilespmem:$0x1E080] =	vst v63  }
0xc1: {  	_ =	swait.ge [sflag:s20], $0x3E80  }
0xc2: {  	s0 =	stileid.u32;
	[sflag:s20] =	ssyncset.done $0x0  }
0xc3: {  	s0 =	sshll.u32 s0, $0x6;
	[sflag:s20] =	ssyncadd.s32 $0xFFFFC180  }
0xc4: {  	s3 =	sshrl.u32 s5, $0x3;
	s0 =	sor.u32 $0x1C03, s0;
	[bflag:$0x0] =	sbarrier.arrive $0xFFFF  }
0xc5: {  	[hbm:s12], [sflag:s0] =	dma.local [spmem:s3], $0x2700  }
0xc6: {  	_ =	swait.ge [sflag:s20], $0x2700  }
0xc7: {  	s4 =	sadd.s32 $0x1, s4;
	[sflag:s20] =	ssyncset.done $0x0  }
0xc8: {  	p1 =	sne.s32 s4, s14;
	s3 =	sshrl.u32 @!p0 s11, $0x3;
	[sflag:s20] =	ssyncadd.s32 $0xFFFFD900  }
0xc9: {  	[hbm:s13], [sflag:s0] =	dma.local @!p0 [spmem:s3], $0x100  }
.Ltmp3:
0xca: {  	_ = 	snop;
	(pc) =	sbr.rel @p1 .LBB2_1-.Ltmp3, $4  }
0xcb: {  	s0 =	simm.s32 @!p0 $0x3  }
0xcc: {  	_ =	swait.ge @!p0 [sflag:s0], $0x100  }
0xcd: {  	[sflag:s0] =	ssyncset.done @!p0 $0x0  }
0xce: {  	[sflag:s0] =	ssyncadd.s32 @!p0 $0xFFFFFF00  }
0xcf: {  	_ =	sfence.sel $0x180000  }
0xd0: {  	[bflag:$0x0] =	sbarrier.arrive $0xFFFF  }
0xd1: {  	_ =	strace $0x9000004D  }
0xd2: {  	s0 =	stileid.u32;
	[bflag:$0x2] =	sbarrier.arrive $0xFFFF  }
0xd3: {  	p0 =	sne.s32 s0, $0x0;
	s0 =	rddreg [dreg:$0x3]  }
0xd4: {  	s0 =	sadd.s32 @!p0 $0x100000, s0  }
0xd5: {  	[sflag:s0] =	ssyncadd.tile.s32 @!p0 $0x1;
	_ =	shalt  }
.Lfunc_end2:
_tile_overlayer_lowered:
.L_overlay_start_2:
0xd6: {  	(tag) =	ssettag $0x2  }
0xd7: {  	s0 =	rddreg [dreg:$0x0];
	s2 =	stileid.u32  }
0xd8: {  	s1 =	rddreg [dreg:$0x1];
	p0 =	sne.s32 s2, $0x0  }
0xd9: {  	s3 =	rddreg [dreg:$0x2];
	[bflag:$0x3] =	sbarrier.arrive $0xFFFF;
	s2 =	simm.s32 @!p0 $0x1C03  }
0xda: {  	[timem:s3], [sflag:s2] =	dma.local @!p0 [hbm:s0], s1  }
0xdb: {  	s0 =	simm.s32 @!p0 $0x3  }
0xdc: {  	_ =	swait.ge @!p0 [sflag:s0], s1  }
0xdd: {  	s1 =	ssub.s32 @!p0 $0x0, s1;
	[sflag:s0] =	ssyncset.done @!p0 $0x0  }
0xde: {  	[sflag:s0] =	ssyncadd.s32 @!p0 s1  }
0xdf: {  	[bflag:$0x3] =	sbarrier.arrive $0xFFFF  }
0xe0: {  	_ =	shalt  }

// kernel: kernel.8.cloned.1.call-start
scs
__scs_entry_jumppad:
0x0: {  	(pc) =	sbr.rel $0x88, $3  }
0x1: {  	(tag) =	ssettag $0x0;
	lr =	simm.s32 $0x1  }
0x2: {  	[smem:$0x3F9C] =	sst lr;
	_ =	strace $0xD0000000  }
0x3: {  	_ = 	snop  }
0x4: {  	_ = 	snop  }
0x5: {  	_ = 	snop  }
0x6: {  	_ = 	snop  }
0x7: {  	_ = 	snop  }
__scs_overlays_trampoline_lowered:
0x8: {  	[smem:$0x3FAB] =	sst s0  }
0x9: {  	[smem:$0x3FAC] =	sst s1  }
0xa: {  	[smem:$0x3FAD] =	sst s2  }
0xb: {  	[smem:$0x3FAE] =	sst s3  }
0xc: {  	[smem:$0x3FAF] =	sst s4  }
0xd: {  	[smem:$0x3FB0] =	sst s5  }
0xe: {  	[smem:$0x3FB1] =	sst s6  }
0xf: {  	[smem:$0x3FB2] =	sst s7  }
0x10: {  	[smem:$0x3FB3] =	sst s8  }
0x11: {  	[smem:$0x3FB4] =	sst s9;
	s0 =	simm.s32 @!p0 $0x0  }
0x12: {  	s1 =	sld [smem:$0x3F9A];
	s0 =	simm.s32 @p0 $0x1  }
0x13: {  	[smem:$0x3FB5] =	sst s0;
	s0 =	simm.s32 @!p1 $0x0  }
0x14: {  	s2 =	sld [smem:$0x3F99];
	s0 =	simm.s32 @p1 $0x1  }
0x15: {  	[smem:$0x3FB6] =	sst s0;
	s0 =	simm.s32 @!p2 $0x0  }
0x16: {  	s3 =	sld [smem:$0x3FDB];
	s0 =	simm.s32 @p2 $0x1  }
0x17: {  	s4 =	simm.s32 $0x1BF5;
	[smem:$0x3FB8] =	sst s0  }
0x18: {  	s0 =	sld [smem:$0x3F9B];
	_ =	swait.ge [sflag:s4], $0x0  }
0x19: {  	s7 =	sld [smem:$0x3F9C]  }
0x1a: {  	s8 =	sadd.s32 $0xFFFFE003, lr  }
0x1b: {  	s9 =	sadd.s32 $0xFFFFFEF7, lr;
	s5 =	simm.s32 $0xFFFFFFFF;
	p2 =	slt.u32 s8, $0xFFFFF086  }
0x1c: {  	p1 =	slt.u32 s9, $0xF7A;
	s5 =	simm.s32 @!p2 $0x0  }
0x1d: {  	s5 =	simm.s32 @p1 $0x1;
	p0 =	seq.s32 s7, s2  }
0x1e: {  	s7 =	smul.u32 @!p0 $0xF7A, s2;
	p2 =	seq.s32 @!p0 s5, $0x0  }
0x1f: {  	s9 =	smul.u32 $0xF7A, s1;
	s8 =	simm.s32 @!p0 $0x1BF5;
	p2 =	por !p2, p0  }
0x20: {  	[sflag:s8] =	ssyncset.s32 @!p0 $0xFFFFF086;
	s6 =	sadd.s32 @!p0 s3, s7;
	s7 =	simm.s32 @!p0 $0x108  }
0x21: {  	s3 =	sadd.s32 s3, s9;
	s6 =	sadd.s32 @!p0 $0x88, s6;
	s7 =	simm.s32 @p2 $0x1082  }
0x22: {  	[simem:s7], [sflag:s8] =	dma.local @!p0 [hbm:s6], $0xF7A  }
0x23: {  	s9 =	sor.u32 $0xD0000000, s2;
	s6 =	simm.s32 $0x108;
	_ =	swait.ge @!p0 [sflag:s8], $0x0  }
0x24: {  	s3 =	sadd.s32 $0x88, s3;
	s6 =	simm.s32 @!p1 $0x1082;
	[sflag:s4] =	ssyncset.s32 $0xFFFFF086  }
0x25: {  	[simem:s6], [sflag:s4] =	dma.local [hbm:s3], $0xF7A  }
0x26: {  	[smem:$0x3F9C] =	sst s1;
	(tag) =	ssettag s2;
	_ =	strace s9  }
0x27: {  	s1 =	sld [smem:$0x3FAC]  }
0x28: {  	s2 =	sld [smem:$0x3FAD]  }
0x29: {  	s4 =	sld [smem:$0x3FAF]  }
0x2a: {  	p0 =	seq.s32 s5, $0x0;
	s5 =	sld [smem:$0x3FB0]  }
0x2b: {  	s6 =	sld [smem:$0x3FB1]  }
0x2c: {  	s7 =	sld [smem:$0x3FB2]  }
0x2d: {  	s3 =	simm.s32 $0x108;
	s8 =	sld [smem:$0x3FB3]  }
0x2e: {  	s3 =	simm.s32 @!p0 $0x1082;
	s9 =	sld [smem:$0x3FB4]  }
0x2f: {  	lr =	sadd.s32 s0, s3;
	s0 =	sld [smem:$0x3FAB]  }
0x30: {  	s3 =	sld [smem:$0x3FAE]  }
0x31: {  	[smem:$0x3FB7] =	sst s10  }
0x32: {  	s10 =	sld [smem:$0x3FB5];
	_ =	sdelay $0x3  }
0x33: {  	p0 =	seq.s32 s10, $0x1;
	s10 =	sld [smem:$0x3FB7];
	_ =	sdelay $0x3  }
0x34: {  	[smem:$0x3FB7] =	sst s10  }
0x35: {  	s10 =	sld [smem:$0x3FB6];
	_ =	sdelay $0x3  }
0x36: {  	p1 =	seq.s32 s10, $0x1;
	s10 =	sld [smem:$0x3FB7];
	_ =	sdelay $0x3  }
0x37: {  	[smem:$0x3FB7] =	sst s10  }
0x38: {  	s10 =	sld [smem:$0x3FB8]  }
0x39: {  	_ = 	snop;
	(pc) =	sbr.ind lr, $3  }
0x3a: {  	_ = 	snop  }
0x3b: {  	_ = 	snop  }
0x3c: {  	p2 =	seq.s32 s10, $0x1;
	s10 =	sld [smem:$0x3FB7]  }
0x3d: {  	_ =	shalt  }
0x3e: {  	_ =	shalt  }
0x3f: {  	_ =	shalt  }
0x40: {  	_ =	shalt  }
0x41: {  	_ =	shalt  }
0x42: {  	_ =	shalt  }
0x43: {  	_ =	shalt  }
0x44: {  	_ =	shalt  }
0x45: {  	_ =	shalt  }
0x46: {  	_ =	shalt  }
0x47: {  	_ =	shalt  }
0x48: {  	_ =	shalt  }
0x49: {  	_ =	shalt  }
0x4a: {  	_ =	shalt  }
0x4b: {  	_ =	shalt  }
0x4c: {  	_ =	shalt  }
0x4d: {  	_ =	shalt  }
0x4e: {  	_ =	shalt  }
0x4f: {  	_ =	shalt  }
0x50: {  	_ =	shalt  }
0x51: {  	_ =	shalt  }
0x52: {  	_ =	shalt  }
0x53: {  	_ =	shalt  }
0x54: {  	_ =	shalt  }
0x55: {  	_ =	shalt  }
0x56: {  	_ =	shalt  }
0x57: {  	_ =	shalt  }
0x58: {  	_ =	shalt  }
0x59: {  	_ =	shalt  }
0x5a: {  	_ =	shalt  }
0x5b: {  	_ =	shalt  }
0x5c: {  	_ =	shalt  }
0x5d: {  	_ =	shalt  }
0x5e: {  	_ =	shalt  }
0x5f: {  	_ =	shalt  }
0x60: {  	_ =	shalt  }
0x61: {  	_ =	shalt  }
0x62: {  	_ =	shalt  }
0x63: {  	_ =	shalt  }
0x64: {  	_ =	shalt  }
0x65: {  	_ =	shalt  }
0x66: {  	_ =	shalt  }
0x67: {  	_ =	shalt  }
0x68: {  	_ =	shalt  }
0x69: {  	_ =	shalt  }
0x6a: {  	_ =	shalt  }
0x6b: {  	_ =	shalt  }
0x6c: {  	_ =	shalt  }
0x6d: {  	_ =	shalt  }
0x6e: {  	_ =	shalt  }
0x6f: {  	_ =	shalt  }
0x70: {  	_ =	shalt  }
0x71: {  	_ =	shalt  }
0x72: {  	_ =	shalt  }
0x73: {  	_ =	shalt  }
0x74: {  	_ =	shalt  }
0x75: {  	_ =	shalt  }
0x76: {  	_ =	shalt  }
0x77: {  	_ =	shalt  }
0x78: {  	_ =	shalt  }
0x79: {  	_ =	shalt  }
0x7a: {  	_ =	shalt  }
0x7b: {  	_ =	shalt  }
0x7c: {  	_ =	shalt  }
0x7d: {  	_ =	shalt  }
0x7e: {  	_ =	shalt  }
0x7f: {  	_ =	shalt  }
0x80: {  	_ =	shalt  }
0x81: {  	_ =	shalt  }
0x82: {  	_ =	shalt  }
0x83: {  	_ =	shalt  }
0x84: {  	_ =	shalt  }
0x85: {  	_ =	shalt  }
0x86: {  	_ =	shalt  }
0x87: {  	_ =	shalt  }
.Lfunc_end0:
.L_simem_size_0:
called_computation_lowered:
.L_overlay_start_0:
0x88: {  	s2 =	sld [smem:$0x3FD9]  }
0x89: {  	s3 =	sld [smem:$0x3FFE];
	_ =	sdelay $0x1  }
0x8a: {  	s1 =	srdreg.scid  }
0x8b: {  	s0 =	sand.u32 $0x1, s1  }
0x8c: {  	s17 =	sshll.u32 s0, $0xA;
	s2 =	sadd.s32 s3, s2  }
0x8d: {  	s2 =	sadd.s32 s2, s17  }
0x8e: {  	[smem:$0x3FC3] =	sst s2  }
0x8f: {  	_ = 	snop  }
0x90: {  	s2 =	sld [smem:$0x3FD0];
	(tm) =	ssettm $0x1  }
0x91: {  	s18 =	sld [smem:$0x3FFB];
	_ =	sdelay $0x3  }
0x92: {  	_ =	strace s18  }
0x93: {  	s3 =	sld [smem:$0x3FFC];
	_ =	sdelay $0x3  }
0x94: {  	_ =	strace s3  }
0x95: {  	s3 =	sld [smem:$0x3FFD];
	_ =	sdelay $0x3  }
0x96: {  	_ =	strace s3  }
0x97: {  	_ =	strace $0x8FFFFFFF  }
0x98: {  	s19 =	sld [smem:$0x3FDB];
	_ =	sdelay $0x1  }
0x99: {  	s4 =	simm.s32 $_scs_section_size  }
0x9a: {  	s5 =	simm.s32 $_size__tile_overlayer_lowered;
	s6 =	simm.s32 $_tile_overlayer_lowered  }
0x9b: {  	s22 =	simm.s32 $0x1BFF;
	s21 =	sshll.u32 s6, $0x1;
	s3 =	sadd.s32 s4, s19  }
0x9c: {  	s7 =	simm.s32 $0x0;
	s20 =	sshll.u32 s5, $0x1;
	s5 =	sadd.s32 s21, s3  }
0x9d: {  	[timem:s7], [sflag:s22] =	dma.local [hbm:s5], s20  }
0x9e: {  	_ =	swait.ge [sflag:s22], s20  }
0x9f: {  	s4 =	ssub.s32 $0x0, s20;
	[sflag:s22] =	ssyncset.done $0x0  }
0xa0: {  	[sflag:s22] =	ssyncadd.s32 s4;
	_ =	sdelay $0x1  }
0xa1: {  	s23 =	simm.s32 $0x1B8B  }
0xa2: {  	_ =	swait.ge [sflag:s23], $0x1  }
0xa3: {  	[sflag:s23] =	ssyncset.done $0x0  }
0xa4: {  	s25 =	simm.s32 $0x1B8E;
	s24 =	sld [smem:$0x3FFE];
	[sflag:s23] =	ssyncadd.s32 $0xFFFFFFFF  }
0xa5: {  	s26 =	simm.s32 $execute0_lowered;
	[smem:$0x3FD2] =	sst s25  }
0xa6: {  	s5 =	sshll.u32 s26, $0x1;
	_ =	strace $0x80000046;
	[dreg:$0x1] =	wrdreg $0xFFFFFFFF  }
0xa7: {  	s28 =	simm.s32 $_size_execute0_lowered;
	s3 =	sadd.s32 s3, s5;
	[dreg:$0x0] =	wrdreg $0x0  }
0xa8: {  	s5 =	sshll.u32 s28, $0x1;
	[dreg:$0x2] =	wrdreg s3  }
0xa9: {  	[dreg:$0x3] =	wrdreg s5  }
0xaa: {  	[dreg:$0x4] =	wrdreg $0xC0  }
0xab: {  	_ =	task [dreg:s7], $0x5FFFF  }
0xac: {  	[dreg:$0x1] =	wrdreg $0xFFFFFFFF  }
0xad: {  	[dreg:$0x0] =	wrdreg $0x60  }
0xae: {  	[dreg:$0x2] =	wrdreg s24  }
0xaf: {  	[dreg:$0x3] =	wrdreg s2  }
0xb0: {  	[dreg:$0x4] =	wrdreg $0x0  }
0xb1: {  	[dreg:$0x5] =	wrdreg $0x9  }
0xb2: {  	_ =	task.clear_ibuf [dreg:s7], $0x6FFFF;
	_ =	strace $0x90000046  }
0xb3: {  	s29 =	simm.s32 $0x9;
	_ =	strace $0x80000048  }
0xb4: {  	_ =	swait.ge [sflag:s29], $0x1  }
0xb5: {  	[sflag:s29] =	ssyncadd.s32 $0xFFFFFFFF  }
0xb6: {  	_ =	strace $0x90000048  }
0xb7: {  	_ =	sfence  }
0xb8: {  	s30 =	sld [smem:$0x0];
	_ =	sdelay $0x2  }
0xb9: {  	s31 =	sshll.u32 s1, $0xD;
	s1 =	sshrl.u32 s1, $0x2  }
0xba: {  	s3 =	sand.u32 $0x4000, s31;
	s1 =	sadd.s32 s1, s30  }
0xbb: {  	s0 =	sor.u32 s3, s0;
	s1 =	sshll.u32 s1, $0x11  }
0xbc: {  	s0 =	sor.u32 s1, s0  }
0xbd: {  	s0 =	sadd.s32 $0x8F2B, s0  }
0xbe: {  	[sflag:s0] =	ssyncadd.remote.s32 $0x1  }
0xbf: {  	_ =	sfence.sel $0xFFFF  }
0xc0: {  	[dreg:$0x0] =	wrdreg $0xFFFFFFFF;
	(pc) =	sbr.abs _section_cstart, $3  }
0xc1: {  	[dreg:$0x1] =	wrdreg $0xFFFFFFFF  }
0xc2: {  	_ =	task.clear_ibuf [dreg:s7], $0x2FFFF;
	_ =	strace $0x9FFFFFFF  }
0xc3: {  	(tm) =	ssettm $0x7FFFFFFF  }
tec
execute0_lowered:
.L_overlay_start_1:
0x0: {  	(tag) =	ssettag $0x1  }
0x1: {  	s3 =	rddreg [dreg:$0x0]  }
0x2: {  	s1 =	srdreg.scid;
	s5 =	rddreg [dreg:$0x1]  }
0x3: {  	s0 =	stileid.u32;
	s6 =	rddreg [dreg:$0x2]  }
0x4: {  	s2 =	simm.s32 $0x0;
	s12 =	simm.s32 $0x9800;
	s13 =	simm.s32 $0x9400  }
0x5: {  	s14 =	simm.s32 $0x0;
	s4 =	sand.u32 $0x1, s1;
	s26 =	sshll.u32 s0, $0x1  }
0x6: {  	[smem:$0x7FF] =	sst s2;
	s30 =	sshll.u32 s0, $0xE;
	s31 =	sshll.u32 s0, $0x7  }
0x7: {  	s10 =	sshll.u32 s0, $0xA;
	s1 =	sor.u32 s4, s26;
	s8 =	ssub.s32 $0x2, s4  }
0x8: {  	s11 =	sshll.u32 s4, $0xB;
	s5 =	sadd.s32 s5, s31;
	s4 =	sadd.s32 s10, s6  }
0x9: {  	s10 =	simm.s32 $0x1;
	s7 =	smul.u32 $0x2800, s1;
	s1 =	rddreg [dreg:$0x3]  }
0xa: {  	_ =	strace $0x80000047;
	s28 =	sshrl.u32 s8, $0x1;
	s5 =	sadd.s32 s11, s5  }
0xb: {  	s11 =	simm.s32 $0x4000;
	s29 =	ssub.s32 s8, s28;
	s7 =	sshrl.u32 s7, $0x3  }
0xc: {  	s9 =	sadd.s32 s7, s3;
	s3 =	sadd.s32 s30, s6;
	s6 =	smax.u32 s29, $0x1  }
0xd: {  	v0 =	vimm.f32 $0.0e+00;
	v1 =	vimm.f32 $1.000000000e+00;
	vm0 =	vcmask $0x3F0C;
	s7 =	sadd.s32 $0x1800, s9;
	s8 =	sadd.s32 $0x1A80, s9;
	s9 =	simm.s32 $0x8000  }
.LBB2_1:
0xe: {  	s15 =	simm.s32 $0x0;
	s16 =	simm.s32 $0x200  }
.LBB2_2:
0xf: {  	p0 =	sne.s32 s16, $0xFE00;
	[tilespmem:s15+$0x4070] =	vst v0  }
0x10: {  	[tilespmem:s15+$0x4000] =	vst v0  }
0x11: {  	[tilespmem:s15+$0x4010] =	vst v0  }
.Ltmp0:
0x12: {  	[tilespmem:s15+$0x4020] =	vst v0;
	(pc) =	sbr.rel @p0 .LBB2_2-.Ltmp0, $4  }
0x13: {  	[tilespmem:s15+$0x4030] =	vst v0  }
0x14: {  	[tilespmem:s15+$0x4040] =	vst v0  }
0x15: {  	[tilespmem:s15+$0x4050] =	vst v0  }
0x16: {  	[tilespmem:s15+$0x4060] =	vst v0;
	s15 =	sshra.s32 s16, $0x2;
	s16 =	sadd.s32 $0x200, s16  }
0x17: {  	[tilespmem:s15+$0x4070] =	vst v0  }
0x18: {  	[tilespmem:s15+$0x4000] =	vst v0  }
0x19: {  	[tilespmem:s15+$0x4010] =	vst v0  }
0x1a: {  	[tilespmem:s15+$0x4020] =	vst v0  }
0x1b: {  	[tilespmem:s15+$0x4030] =	vst v0  }
0x1c: {  	[tilespmem:s15+$0x4040] =	vst v0  }
0x1d: {  	[tilespmem:s15+$0x4050] =	vst v0  }
0x1e: {  	[tilespmem:s15+$0x4060] =	vst v0;
	s15 =	simm.s32 $0x0  }
0x1f: {  	[tilespmem:s9], [sflag:$0x1] =	stream.linear.gather [hbm4b:s7+s15], $0x1400, $0x38;
	[tilespmem:$0x9C00] =	vst v63  }
0x20: {  	_ =	swait.ge [sflag:s10], $0x1400  }
0x21: {  	[sflag:s10] =	ssyncset.done $0x0  }
0x22: {  	[sflag:s10] =	ssyncadd.s32 $0xFFFFEC00  }
.LBB2_4:
0x23: {  	s16 =	sshra.s32 s15, $0x2  }
0x24: {  	v2 =	vld [tilespmem:s16+$0x8000];
	_ =	sdelay $0x7  }
0x25: {  	[tilespmem:v2+s11+$0x0] =	vst.idx.add.f32.msk $0xffff, v1  }
0x26: {  	v2 =	vld [tilespmem:s16+$0x8010];
	_ =	sdelay $0x7  }
0x27: {  	[tilespmem:v2+s11+$0x0] =	vst.idx.add.f32.msk $0xffff, v1  }
0x28: {  	v2 =	vld [tilespmem:s16+$0x8020];
	_ =	sdelay $0x7  }
0x29: {  	[tilespmem:v2+s11+$0x0] =	vst.idx.add.f32.msk $0xffff, v1  }
0x2a: {  	v2 =	vld [tilespmem:s16+$0x8030];
	_ =	sdelay $0x7  }
0x2b: {  	[tilespmem:v2+s11+$0x0] =	vst.idx.add.f32.msk $0xffff, v1  }
0x2c: {  	v2 =	vld [tilespmem:s16+$0x8040];
	_ =	sdelay $0x7  }
0x2d: {  	[tilespmem:v2+s11+$0x0] =	vst.idx.add.f32.msk $0xffff, v1  }
0x2e: {  	v2 =	vld [tilespmem:s16+$0x8050];
	_ =	sdelay $0x7  }
0x2f: {  	[tilespmem:v2+s11+$0x0] =	vst.idx.add.f32.msk $0xffff, v1  }
0x30: {  	v2 =	vld [tilespmem:s16+$0x8060];
	_ =	sdelay $0x7  }
0x31: {  	[tilespmem:v2+s11+$0x0] =	vst.idx.add.f32.msk $0xffff, v1  }
0x32: {  	v2 =	vld [tilespmem:s16+$0x806D];
	_ =	sdelay $0x2  }
0x33: {  	p0 =	sne.s32 s15, $0x4E00  }
.Ltmp1:
0x34: {  	_ = 	snop;
	(pc) =	sbr.rel @p0 .LBB2_4-.Ltmp1, $2  }
0x35: {  	_ =	sdelay $0x2  }
0x36: {  	s15 =	sadd.s32 $0x200, s15;
	[tilespmem:v2+s11+$0x0] =	vst.idx.add.f32.msk vm0, v1  }
0x37: {  	s15 =	simm.s32 $0x0  }
0x38: {  	[tilespmem:s9], [sflag:$0x1] =	stream.linear.gather [hbm4b:s8+s15], $0x1400, $0x38;
	[tilespmem:$0x9C00] =	vst v63  }
0x39: {  	_ =	swait.ge [sflag:s10], $0x1400  }
0x3a: {  	[sflag:s10] =	ssyncset.done $0x0  }
0x3b: {  	[sflag:s10] =	ssyncadd.s32 $0xFFFFEC00  }
.LBB2_6:
0x3c: {  	s16 =	sshra.s32 s15, $0x2  }
0x3d: {  	v2 =	vld [tilespmem:s16+$0x8000];
	_ =	sdelay $0x7  }
0x3e: {  	[tilespmem:v2+s11+$0x0] =	vst.idx.add.f32.msk $0xffff, v1  }
0x3f: {  	v2 =	vld [tilespmem:s16+$0x8010];
	_ =	sdelay $0x7  }
0x40: {  	[tilespmem:v2+s11+$0x0] =	vst.idx.add.f32.msk $0xffff, v1  }
0x41: {  	v2 =	vld [tilespmem:s16+$0x8020];
	_ =	sdelay $0x7  }
0x42: {  	[tilespmem:v2+s11+$0x0] =	vst.idx.add.f32.msk $0xffff, v1  }
0x43: {  	v2 =	vld [tilespmem:s16+$0x8030];
	_ =	sdelay $0x7  }
0x44: {  	[tilespmem:v2+s11+$0x0] =	vst.idx.add.f32.msk $0xffff, v1  }
0x45: {  	v2 =	vld [tilespmem:s16+$0x8040];
	_ =	sdelay $0x7  }
0x46: {  	[tilespmem:v2+s11+$0x0] =	vst.idx.add.f32.msk $0xffff, v1  }
0x47: {  	v2 =	vld [tilespmem:s16+$0x8050];
	_ =	sdelay $0x7  }
0x48: {  	[tilespmem:v2+s11+$0x0] =	vst.idx.add.f32.msk $0xffff, v1  }
0x49: {  	v2 =	vld [tilespmem:s16+$0x8060];
	_ =	sdelay $0x7  }
0x4a: {  	[tilespmem:v2+s11+$0x0] =	vst.idx.add.f32.msk $0xffff, v1  }
0x4b: {  	v2 =	vld [tilespmem:s16+$0x806D];
	_ =	sdelay $0x2  }
0x4c: {  	p0 =	sne.s32 s15, $0x4E00  }
.Ltmp2:
0x4d: {  	_ = 	snop;
	(pc) =	sbr.rel @p0 .LBB2_6-.Ltmp2, $2  }
0x4e: {  	_ =	sdelay $0x2  }
0x4f: {  	s15 =	sadd.s32 $0x200, s15;
	[tilespmem:v2+s11+$0x0] =	vst.idx.add.f32.msk vm0, v1  }
0x50: {  	[spmem:s3] =	stream.linear.scatter [tilespmem:s11], [sflag:$0x1], $0x4000, $0x38;
	[tilespmem:$0x9C00] =	vst v63  }
0x51: {  	_ =	swait.ge [sflag:s10], $0x4000  }
0x52: {  	[sflag:s10] =	ssyncset.done $0x0  }
0x53: {  	[sflag:s10] =	ssyncadd.s32 $0xFFFFC000  }
0x54: {  	[bflag:$0x0] =	sbarrier.arrive $0xFFFF  }
0x55: {  	[tilespmem:$0x9400] =	vst v0  }
0x56: {  	[tilespmem:$0x9410] =	vst v0  }
0x57: {  	[tilespmem:$0x9420] =	vst v0  }
0x58: {  	[tilespmem:$0x9430] =	vst v0  }
0x59: {  	[tilespmem:$0x9440] =	vst v0  }
0x5a: {  	[tilespmem:$0x9450] =	vst v0  }
0x5b: {  	[tilespmem:$0x9460] =	vst v0  }
0x5c: {  	[tilespmem:$0x9470] =	vst v0  }
0x5d: {  	[tilespmem:$0x9480] =	vst v0  }
0x5e: {  	[tilespmem:$0x9490] =	vst v0  }
0x5f: {  	[tilespmem:$0x94A0] =	vst v0  }
0x60: {  	[tilespmem:$0x94B0] =	vst v0  }
0x61: {  	[tilespmem:$0x94C0] =	vst v0  }
0x62: {  	[tilespmem:$0x94D0] =	vst v0  }
0x63: {  	[tilespmem:$0x94E0] =	vst v0  }
0x64: {  	[tilespmem:$0x94F0] =	vst v0  }
0x65: {  	[tilespmem:$0x9500] =	vst v0  }
0x66: {  	[tilespmem:$0x9510] =	vst v0  }
0x67: {  	[tilespmem:$0x9520] =	vst v0  }
0x68: {  	[tilespmem:$0x9530] =	vst v0  }
0x69: {  	[tilespmem:$0x9540] =	vst v0  }
0x6a: {  	[tilespmem:$0x9550] =	vst v0  }
0x6b: {  	[tilespmem:$0x9560] =	vst v0  }
0x6c: {  	[tilespmem:$0x9570] =	vst v0  }
0x6d: {  	[tilespmem:$0x9580] =	vst v0  }
0x6e: {  	[tilespmem:$0x9590] =	vst v0  }
0x6f: {  	[tilespmem:$0x95A0] =	vst v0  }
0x70: {  	[tilespmem:$0x95B0] =	vst v0  }
0x71: {  	[tilespmem:$0x95C0] =	vst v0  }
0x72: {  	[tilespmem:$0x95D0] =	vst v0  }
0x73: {  	[tilespmem:$0x95E0] =	vst v0  }
0x74: {  	[tilespmem:$0x95F0] =	vst v0  }
0x75: {  	[tilespmem:$0x9600] =	vst v0  }
0x76: {  	[tilespmem:$0x9610] =	vst v0  }
0x77: {  	[tilespmem:$0x9620] =	vst v0  }
0x78: {  	[tilespmem:$0x9630] =	vst v0  }
0x79: {  	[tilespmem:$0x9640] =	vst v0  }
0x7a: {  	[tilespmem:$0x9650] =	vst v0  }
0x7b: {  	[tilespmem:$0x9660] =	vst v0  }
0x7c: {  	[tilespmem:$0x9670] =	vst v0  }
0x7d: {  	[tilespmem:$0x9680] =	vst v0  }
0x7e: {  	[tilespmem:$0x9690] =	vst v0  }
0x7f: {  	[tilespmem:$0x96A0] =	vst v0  }
0x80: {  	[tilespmem:$0x96B0] =	vst v0  }
0x81: {  	[tilespmem:$0x96C0] =	vst v0  }
0x82: {  	[tilespmem:$0x96D0] =	vst v0  }
0x83: {  	[tilespmem:$0x96E0] =	vst v0  }
0x84: {  	[tilespmem:$0x96F0] =	vst v0  }
0x85: {  	[tilespmem:$0x9700] =	vst v0  }
0x86: {  	[tilespmem:$0x9710] =	vst v0  }
0x87: {  	[tilespmem:$0x9720] =	vst v0  }
0x88: {  	[tilespmem:$0x9730] =	vst v0  }
0x89: {  	[tilespmem:$0x9740] =	vst v0  }
0x8a: {  	[tilespmem:$0x9750] =	vst v0  }
0x8b: {  	[tilespmem:$0x9760] =	vst v0  }
0x8c: {  	[tilespmem:$0x9770] =	vst v0  }
0x8d: {  	[tilespmem:$0x9780] =	vst v0  }
0x8e: {  	[tilespmem:$0x9790] =	vst v0  }
0x8f: {  	[tilespmem:$0x97A0] =	vst v0  }
0x90: {  	[tilespmem:$0x97B0] =	vst v0  }
0x91: {  	[tilespmem:$0x97C0] =	vst v0  }
0x92: {  	[tilespmem:$0x97D0] =	vst v0  }
0x93: {  	[tilespmem:$0x97E0] =	vst v0  }
0x94: {  	s15 =	sadd.s32 $0x0, s4;
	[tilespmem:$0x97F0] =	vst v0  }
0x95: {  	[tilespmem:s12], [sflag:$0x1] =	stream.linear.gather [spmem:s15], $0x400, $0x38;
	[tilespmem:$0x9C00] =	vst v63  }
0x96: {  	_ =	swait.ge [sflag:s10], $0x400  }
0x97: {  	[sflag:s10] =	ssyncset.done $0x0  }
0x98: {  	[sflag:s10] =	ssyncadd.s32 $0xFFFFFC00  }
0x99: {  	v2 =	vld [tilespmem:$0x9AB0]  }
0x9a: {  	v4 =	vld [tilespmem:$0x9410]  }
0x9b: {  	v5 =	vld [tilespmem:$0x9810]  }
0x9c: {  	v6 =	vld [tilespmem:$0x9420]  }
0x9d: {  	v7 =	vld [tilespmem:$0x9820]  }
0x9e: {  	v8 =	vld [tilespmem:$0x9430]  }
0x9f: {  	v9 =	vld [tilespmem:$0x9830]  }
0xa0: {  	v10 =	vld [tilespmem:$0x9440]  }
0xa1: {  	v11 =	vld [tilespmem:$0x9840]  }
0xa2: {  	v12 =	vld [tilespmem:$0x9450]  }
0xa3: {  	v13 =	vld [tilespmem:$0x9850]  }
0xa4: {  	v14 =	vld [tilespmem:$0x9460]  }
0xa5: {  	v15 =	vld [tilespmem:$0x9860]  }
0xa6: {  	v16 =	vld [tilespmem:$0x9470]  }
0xa7: {  	v17 =	vld [tilespmem:$0x9870]  }
0xa8: {  	v18 =	vld [tilespmem:$0x9480]  }
0xa9: {  	v19 =	vld [tilespmem:$0x9880]  }
0xaa: {  	v20 =	vld [tilespmem:$0x9490]  }
0xab: {  	v21 =	vld [tilespmem:$0x9890]  }
0xac: {  	v22 =	vld [tilespmem:$0x94A0]  }
0xad: {  	v23 =	vld [tilespmem:$0x98A0]  }
0xae: {  	v24 =	vld [tilespmem:$0x94B0]  }
0xaf: {  	v25 =	vld [tilespmem:$0x98B0]  }
0xb0: {  	v26 =	vld [tilespmem:$0x94C0]  }
0xb1: {  	v27 =	vld [tilespmem:$0x98C0]  }
0xb2: {  	v28 =	vld [tilespmem:$0x94D0]  }
0xb3: {  	v29 =	vld [tilespmem:$0x98D0]  }
0xb4: {  	v30 =	vld [tilespmem:$0x94E0]  }
0xb5: {  	v31 =	vld [tilespmem:$0x98E0]  }
0xb6: {  	v32 =	vld [tilespmem:$0x94F0]  }
0xb7: {  	v33 =	vld [tilespmem:$0x98F0]  }
0xb8: {  	v34 =	vld [tilespmem:$0x9500]  }
0xb9: {  	v35 =	vld [tilespmem:$0x9900]  }
0xba: {  	v36 =	vld [tilespmem:$0x9510]  }
0xbb: {  	v37 =	vld [tilespmem:$0x9910]  }
0xbc: {  	v38 =	vld [tilespmem:$0x9520]  }
0xbd: {  	v39 =	vld [tilespmem:$0x9920]  }
0xbe: {  	v40 =	vld [tilespmem:$0x9530]  }
0xbf: {  	v41 =	vld [tilespmem:$0x9930]  }
0xc0: {  	v42 =	vld [tilespmem:$0x9540]  }
0xc1: {  	v43 =	vld [tilespmem:$0x9940]  }
0xc2: {  	v44 =	vld [tilespmem:$0x9550]  }
0xc3: {  	v45 =	vld [tilespmem:$0x9950]  }
0xc4: {  	v46 =	vld [tilespmem:$0x9560]  }
0xc5: {  	v47 =	vld [tilespmem:$0x9960]  }
0xc6: {  	v48 =	vld [tilespmem:$0x9570]  }
0xc7: {  	v49 =	vld [tilespmem:$0x9970]  }
0xc8: {  	v50 =	vld [tilespmem:$0x9580]  }
0xc9: {  	v51 =	vld [tilespmem:$0x9980]  }
0xca: {  	v52 =	vld [tilespmem:$0x9590]  }
0xcb: {  	v53 =	vld [tilespmem:$0x9990]  }
0xcc: {  	v54 =	vld [tilespmem:$0x95A0]  }
0xcd: {  	v55 =	vld [tilespmem:$0x99A0]  }
0xce: {  	v56 =	vld [tilespmem:$0x95B0]  }
0xcf: {  	v57 =	vld [tilespmem:$0x99B0]  }
0xd0: {  	v58 =	vld [tilespmem:$0x95C0]  }
0xd1: {  	v59 =	vld [tilespmem:$0x99C0]  }
0xd2: {  	v60 =	vld [tilespmem:$0x95D0]  }
0xd3: {  	v3 =	vld [tilespmem:$0x9600]  }
0xd4: {  	v61 =	vld [tilespmem:$0x99D0]  }
0xd5: {  	v62 =	vld [tilespmem:$0x95E0]  }
0xd6: {  	v63 =	vld [tilespmem:$0x99E0]  }
0xd7: {  	[tilespmem:$0x1FFE0] =	vst v2;
	v2 =	vld [tilespmem:$0x9800]  }
0xd8: {  	[tilespmem:$0x1FFA0] =	vst v3;
	v3 =	vld [tilespmem:$0x9A00]  }
0xd9: {  	v4 =	vadd.f32 v5, v4;
	v5 =	vld [tilespmem:$0x9620]  }
0xda: {  	v6 =	vadd.f32 v7, v6;
	v7 =	vld [tilespmem:$0x9A20]  }
0xdb: {  	v13 =	vadd.f32 v13, v12;
	v12 =	vld [tilespmem:$0x9650]  }
0xdc: {  	v17 =	vadd.f32 v17, v16;
	v16 =	vld [tilespmem:$0x9670]  }
0xdd: {  	v19 =	vadd.f32 v19, v18;
	v18 =	vld [tilespmem:$0x9680]  }
0xde: {  	v21 =	vadd.f32 v21, v20;
	v20 =	vld [tilespmem:$0x9690]  }
0xdf: {  	v23 =	vadd.f32 v23, v22;
	v22 =	vld [tilespmem:$0x96A0]  }
0xe0: {  	v25 =	vadd.f32 v25, v24;
	v24 =	vld [tilespmem:$0x96B0]  }
0xe1: {  	v27 =	vadd.f32 v27, v26;
	v26 =	vld [tilespmem:$0x96C0];
	[tilespmem:$0x9410] =	vst v4  }
0xe2: {  	v29 =	vadd.f32 v29, v28;
	v28 =	vld [tilespmem:$0x96D0];
	[tilespmem:$0x9420] =	vst v6  }
0xe3: {  	v31 =	vadd.f32 v31, v30;
	v33 =	vadd.f32 v33, v32;
	v30 =	vld [tilespmem:$0x96E0];
	[tilespmem:$0x9450] =	vst v13  }
0xe4: {  	v35 =	vadd.f32 v35, v34;
	v38 =	vadd.f32 v39, v38;
	v32 =	vld [tilespmem:$0x96F0];
	[tilespmem:$0x9470] =	vst v17  }
0xe5: {  	v39 =	vadd.f32 v41, v40;
	v40 =	vadd.f32 v43, v42;
	v34 =	vld [tilespmem:$0x9700];
	[tilespmem:$0x9480] =	vst v19  }
0xe6: {  	v41 =	vadd.f32 v45, v44;
	v45 =	vadd.f32 v53, v52;
	v53 =	vld [tilespmem:$0x9B10];
	[tilespmem:$0x9490] =	vst v21  }
0xe7: {  	v42 =	vadd.f32 v47, v46;
	v46 =	vadd.f32 v55, v54;
	v55 =	vld [tilespmem:$0x9720];
	[tilespmem:$0x94A0] =	vst v23  }
0xe8: {  	v47 =	vadd.f32 v57, v56;
	v57 =	vld [tilespmem:$0x9B20];
	[tilespmem:$0x94B0] =	vst v25  }
0xe9: {  	[tilespmem:$0x1FFB0] =	vst v3;
	v3 =	vld [tilespmem:$0x9610]  }
0xea: {  	v43 =	vadd.f32 v49, v48;
	v48 =	vadd.f32 v59, v58;
	v58 =	vld [tilespmem:$0x9730];
	[tilespmem:$0x94C0] =	vst v27  }
0xeb: {  	v49 =	vadd.f32 v61, v60;
	v60 =	vld [tilespmem:$0x9B30];
	[tilespmem:$0x94D0] =	vst v29  }
0xec: {  	v61 =	vld [tilespmem:$0x9740];
	[tilespmem:$0x94E0] =	vst v31  }
0xed: {  	[tilespmem:$0x1FFF0] =	vst v2;
	v2 =	vld [tilespmem:$0x95F0]  }
0xee: {  	v37 =	vadd.f32 v37, v36;
	[tilespmem:$0x1FFC0] =	vst v3;
	v3 =	vld [tilespmem:$0x9A10]  }
0xef: {  	v44 =	vadd.f32 v51, v50;
	v50 =	vadd.f32 v63, v62;
	v63 =	vld [tilespmem:$0x9B40];
	[tilespmem:$0x94F0] =	vst v33  }
0xf0: {  	v51 =	vld [tilespmem:$0x1FFA0];
	[tilespmem:$0x9500] =	vst v35  }
0xf1: {  	v4 =	vadd.f32 v9, v8;
	v8 =	vld [tilespmem:$0x9630];
	[tilespmem:$0x9510] =	vst v37  }
0xf2: {  	[tilespmem:$0x1FF90] =	vst v2;
	v2 =	vld [tilespmem:$0x99F0]  }
0xf3: {  	[tilespmem:$0x1FFD0] =	vst v3;
	v3 =	vld [tilespmem:$0x1FF90]  }
0xf4: {  	v9 =	vld [tilespmem:$0x9A30];
	[tilespmem:$0x9520] =	vst v38  }
0xf5: {  	v6 =	vadd.f32 v11, v10;
	v10 =	vld [tilespmem:$0x9640];
	[tilespmem:$0x9530] =	vst v39  }
0xf6: {  	v11 =	vld [tilespmem:$0x9A40];
	[tilespmem:$0x9540] =	vst v40  }
0xf7: {  	v13 =	vld [tilespmem:$0x9A50];
	[tilespmem:$0x9550] =	vst v41  }
0xf8: {  	v17 =	vld [tilespmem:$0x9A70];
	[tilespmem:$0x9560] =	vst v42;
	v2 =	vadd.f32 v2, v3  }
0xf9: {  	[tilespmem:$0x9570] =	vst v43;
	v54 =	vld [tilespmem:$0x1FFD0]  }
0xfa: {  	[tilespmem:$0x95F0] =	vst v2;
	v2 =	vld [tilespmem:$0x1FFC0]  }
0xfb: {  	v19 =	vld [tilespmem:$0x9A80];
	[tilespmem:$0x9580] =	vst v44  }
0xfc: {  	v21 =	vld [tilespmem:$0x9A90];
	[tilespmem:$0x9590] =	vst v45  }
0xfd: {  	v23 =	vld [tilespmem:$0x9AA0];
	[tilespmem:$0x95A0] =	vst v46  }
0xfe: {  	v25 =	vld [tilespmem:$0x9400];
	[tilespmem:$0x95B0] =	vst v47  }
0xff: {  	v27 =	vld [tilespmem:$0x9AC0];
	[tilespmem:$0x95C0] =	vst v48;
	v2 =	vadd.f32 v54, v2  }
0x100: {  	v29 =	vld [tilespmem:$0x9AD0];
	[tilespmem:$0x95D0] =	vst v49  }
0x101: {  	v31 =	vld [tilespmem:$0x9AE0];
	[tilespmem:$0x9610] =	vst v2;
	v2 =	vadd.f32 v9, v8  }
0x102: {  	v33 =	vld [tilespmem:$0x9AF0];
	[tilespmem:$0x95E0] =	vst v50  }
0x103: {  	v35 =	vld [tilespmem:$0x9B00];
	[tilespmem:$0x9630] =	vst v2;
	v2 =	vadd.f32 v13, v12  }
0x104: {  	v37 =	vld [tilespmem:$0x9750];
	[tilespmem:$0x9430] =	vst v4  }
0x105: {  	v39 =	vld [tilespmem:$0x9B50];
	[tilespmem:$0x9650] =	vst v2;
	v2 =	vadd.f32 v17, v16  }
0x106: {  	v40 =	vld [tilespmem:$0x9760];
	[tilespmem:$0x9440] =	vst v6;
	v6 =	vadd.f32 v15, v14  }
0x107: {  	v42 =	vld [tilespmem:$0x9B60];
	[tilespmem:$0x9670] =	vst v2;
	v2 =	vadd.f32 v21, v20  }
0x108: {  	v14 =	vld [tilespmem:$0x9660];
	v56 =	vadd.f32 v7, v5;
	[tilespmem:$0x9460] =	vst v6  }
0x109: {  	v59 =	vadd.f32 v11, v10;
	[tilespmem:$0x9690] =	vst v2;
	v2 =	vld [tilespmem:$0x1FFE0]  }
0x10a: {  	v15 =	vld [tilespmem:$0x9A60];
	[tilespmem:$0x9620] =	vst v56;
	v38 =	vadd.f32 v19, v18  }
0x10b: {  	v43 =	vld [tilespmem:$0x9770];
	v41 =	vadd.f32 v23, v22;
	[tilespmem:$0x9640] =	vst v59  }
0x10c: {  	v52 =	vld [tilespmem:$0x1FFB0];
	v47 =	vadd.f32 v29, v28;
	[tilespmem:$0x9680] =	vst v38  }
0x10d: {  	v45 =	vld [tilespmem:$0x9B70];
	v50 =	vadd.f32 v33, v32;
	[tilespmem:$0x96A0] =	vst v41  }
0x10e: {  	[tilespmem:$0x96D0] =	vst v47;
	v3 =	vld [tilespmem:$0x9710];
	v2 =	vadd.f32 v2, v24  }
0x10f: {  	v46 =	vld [tilespmem:$0x9780];
	v62 =	vadd.f32 v15, v14;
	[tilespmem:$0x96F0] =	vst v50  }
0x110: {  	v48 =	vld [tilespmem:$0x9B80];
	[tilespmem:$0x96B0] =	vst v2;
	v2 =	vadd.f32 v27, v26  }
0x111: {  	v49 =	vld [tilespmem:$0x9790];
	v4 =	vadd.f32 v52, v51;
	[tilespmem:$0x9660] =	vst v62  }
0x112: {  	v44 =	vld [tilespmem:$0x1FFF0];
	[tilespmem:$0x96C0] =	vst v2;
	v2 =	vadd.f32 v31, v30  }
0x113: {  	v56 =	vld [tilespmem:$0x97C0];
	[tilespmem:$0x9600] =	vst v4;
	v3 =	vadd.f32 v53, v3  }
0x114: {  	v59 =	vld [tilespmem:$0x9BD0];
	[tilespmem:$0x96E0] =	vst v2;
	v2 =	vadd.f32 v35, v34  }
0x115: {  	v51 =	vld [tilespmem:$0x9B90];
	[tilespmem:$0x9710] =	vst v3;
	v3 =	vadd.f32 v60, v58  }
0x116: {  	v52 =	vld [tilespmem:$0x97A0];
	[tilespmem:$0x9700] =	vst v2;
	v2 =	vadd.f32 v57, v55  }
0x117: {  	v53 =	vld [tilespmem:$0x9BA0];
	[tilespmem:$0x9730] =	vst v3;
	v3 =	vadd.f32 v39, v37  }
0x118: {  	v54 =	vld [tilespmem:$0x97B0];
	[tilespmem:$0x9720] =	vst v2;
	v2 =	vadd.f32 v63, v61  }
0x119: {  	v58 =	vld [tilespmem:$0x97D0];
	[tilespmem:$0x9750] =	vst v3;
	v3 =	vadd.f32 v45, v43  }
0x11a: {  	v55 =	vld [tilespmem:$0x9BB0];
	[tilespmem:$0x9740] =	vst v2;
	v2 =	vadd.f32 v42, v40  }
0x11b: {  	v16 =	vadd.f32 v44, v25;
	[tilespmem:$0x9770] =	vst v3;
	v57 =	vld [tilespmem:$0x9BC0]  }
0x11c: {  	v60 =	vld [tilespmem:$0x97E0];
	[tilespmem:$0x9760] =	vst v2;
	v2 =	vadd.f32 v48, v46  }
0x11d: {  	v3 =	vadd.f32 v51, v49;
	[tilespmem:$0x9400] =	vst v16;
	v61 =	vld [tilespmem:$0x9BE0]  }
0x11e: {  	v62 =	vld [tilespmem:$0x97F0];
	[tilespmem:$0x9780] =	vst v2;
	v2 =	vadd.f32 v53, v52  }
0x11f: {  	[tilespmem:$0x9790] =	vst v3;
	v63 =	vld [tilespmem:$0x9BF0];
	v3 =	vadd.f32 v55, v54  }
0x120: {  	[tilespmem:$0x97A0] =	vst v2;
	v2 =	vadd.f32 v57, v56  }
0x121: {  	[tilespmem:$0x97B0] =	vst v3;
	v3 =	vadd.f32 v59, v58  }
0x122: {  	[tilespmem:$0x97C0] =	vst v2;
	v2 =	vadd.f32 v61, v60  }
0x123: {  	[tilespmem:$0x97D0] =	vst v3  }
0x124: {  	s15 =	simm.s32 $0x10000;
	[tilespmem:$0x97E0] =	vst v2;
	v2 =	vadd.f32 v63, v62  }
.LBB2_8:
0x125: {  	_ = 	snop  }
0x126: {  	s16 =	sshra.s32 s15, $0x2;
	p0 =	sne.s32 s15, $0xF0000;
	s15 =	sadd.s32 $0x10000, s15;
	[tilespmem:$0x97F0] =	vst v2  }
0x127: {  	s16 =	sadd.s32 s16, s4  }
0x128: {  	[tilespmem:s12], [sflag:$0x1] =	stream.linear.gather [spmem:s16], $0x400, $0x38;
	[tilespmem:$0x9C00] =	vst v63  }
0x129: {  	_ =	swait.ge [sflag:s10], $0x400  }
0x12a: {  	[sflag:s10] =	ssyncset.done $0x0  }
0x12b: {  	[sflag:s10] =	ssyncadd.s32 $0xFFFFFC00  }
0x12c: {  	v3 =	vld [tilespmem:$0x9AB0]  }
0x12d: {  	v2 =	vld [tilespmem:$0x9800]  }
0x12e: {  	v4 =	vld [tilespmem:$0x9410]  }
0x12f: {  	v5 =	vld [tilespmem:$0x9810]  }
0x130: {  	v6 =	vld [tilespmem:$0x9420]  }
0x131: {  	v7 =	vld [tilespmem:$0x9820]  }
0x132: {  	v8 =	vld [tilespmem:$0x9430]  }
0x133: {  	v9 =	vld [tilespmem:$0x9830]  }
0x134: {  	v4 =	vadd.f32 v5, v4;
	v5 =	vld [tilespmem:$0x9440]  }
0x135: {  	v10 =	vld [tilespmem:$0x9840]  }
0x136: {  	[tilespmem:$0x9410] =	vst v4;
	v4 =	vadd.f32 v7, v6;
	v6 =	vld [tilespmem:$0x9450]  }
0x137: {  	v7 =	vld [tilespmem:$0x9850]  }
0x138: {  	[tilespmem:$0x9420] =	vst v4;
	v4 =	vadd.f32 v9, v8;
	v8 =	vld [tilespmem:$0x9460]  }
0x139: {  	v9 =	vld [tilespmem:$0x9860]  }
0x13a: {  	[tilespmem:$0x9430] =	vst v4;
	v4 =	vadd.f32 v10, v5;
	v5 =	vld [tilespmem:$0x9470]  }
0x13b: {  	v10 =	vld [tilespmem:$0x9870]  }
0x13c: {  	[tilespmem:$0x9440] =	vst v4;
	v4 =	vadd.f32 v7, v6;
	v6 =	vld [tilespmem:$0x9480]  }
0x13d: {  	v7 =	vld [tilespmem:$0x9880]  }
0x13e: {  	[tilespmem:$0x9450] =	vst v4;
	v4 =	vadd.f32 v9, v8;
	v8 =	vld [tilespmem:$0x9490]  }
0x13f: {  	v9 =	vld [tilespmem:$0x9890]  }
0x140: {  	[tilespmem:$0x9460] =	vst v4;
	v4 =	vadd.f32 v10, v5;
	v5 =	vld [tilespmem:$0x94A0]  }
0x141: {  	v10 =	vld [tilespmem:$0x98A0]  }
0x142: {  	[tilespmem:$0x9470] =	vst v4;
	v4 =	vadd.f32 v7, v6;
	v6 =	vld [tilespmem:$0x94B0]  }
0x143: {  	v7 =	vld [tilespmem:$0x98B0]  }
0x144: {  	[tilespmem:$0x9480] =	vst v4;
	v4 =	vadd.f32 v9, v8;
	v8 =	vld [tilespmem:$0x94C0]  }
0x145: {  	v9 =	vld [tilespmem:$0x98C0]  }
0x146: {  	[tilespmem:$0x9490] =	vst v4;
	v4 =	vadd.f32 v10, v5;
	v5 =	vld [tilespmem:$0x94D0]  }
0x147: {  	v10 =	vld [tilespmem:$0x98D0]  }
0x148: {  	[tilespmem:$0x94A0] =	vst v4;
	v4 =	vadd.f32 v7, v6;
	v6 =	vld [tilespmem:$0x94E0]  }
0x149: {  	v7 =	vld [tilespmem:$0x98E0]  }
0x14a: {  	[tilespmem:$0x94B0] =	vst v4;
	v4 =	vadd.f32 v9, v8;
	v8 =	vld [tilespmem:$0x94F0]  }
0x14b: {  	v9 =	vld [tilespmem:$0x98F0]  }
0x14c: {  	[tilespmem:$0x94C0] =	vst v4;
	v4 =	vadd.f32 v10, v5;
	v5 =	vld [tilespmem:$0x9500]  }
0x14d: {  	v10 =	vld [tilespmem:$0x9900]  }
0x14e: {  	[tilespmem:$0x94D0] =	vst v4;
	v4 =	vadd.f32 v7, v6;
	v6 =	vld [tilespmem:$0x9510]  }
0x14f: {  	v7 =	vld [tilespmem:$0x9910]  }
0x150: {  	[tilespmem:$0x94E0] =	vst v4;
	v4 =	vadd.f32 v9, v8;
	v8 =	vld [tilespmem:$0x9520]  }
0x151: {  	v9 =	vld [tilespmem:$0x9920]  }
0x152: {  	[tilespmem:$0x94F0] =	vst v4;
	v4 =	vadd.f32 v10, v5;
	v5 =	vld [tilespmem:$0x9530]  }
0x153: {  	v10 =	vld [tilespmem:$0x9930]  }
0x154: {  	[tilespmem:$0x9500] =	vst v4;
	v4 =	vadd.f32 v7, v6;
	v6 =	vld [tilespmem:$0x9540]  }
0x155: {  	v7 =	vld [tilespmem:$0x9940]  }
0x156: {  	[tilespmem:$0x9510] =	vst v4;
	v4 =	vadd.f32 v9, v8;
	v8 =	vld [tilespmem:$0x9550]  }
0x157: {  	v9 =	vld [tilespmem:$0x9950]  }
0x158: {  	[tilespmem:$0x9520] =	vst v4;
	v4 =	vadd.f32 v10, v5;
	v5 =	vld [tilespmem:$0x9560]  }
0x159: {  	v10 =	vld [tilespmem:$0x9960]  }
0x15a: {  	[tilespmem:$0x9530] =	vst v4;
	v4 =	vadd.f32 v7, v6;
	v6 =	vld [tilespmem:$0x9570]  }
0x15b: {  	v7 =	vld [tilespmem:$0x9970]  }
0x15c: {  	[tilespmem:$0x9540] =	vst v4;
	v4 =	vadd.f32 v9, v8;
	v8 =	vld [tilespmem:$0x9580]  }
0x15d: {  	v9 =	vld [tilespmem:$0x9980]  }
0x15e: {  	[tilespmem:$0x9550] =	vst v4;
	v4 =	vadd.f32 v10, v5;
	v5 =	vld [tilespmem:$0x9590]  }
0x15f: {  	v10 =	vld [tilespmem:$0x9990]  }
0x160: {  	[tilespmem:$0x9560] =	vst v4;
	v4 =	vadd.f32 v7, v6;
	v6 =	vld [tilespmem:$0x95A0]  }
0x161: {  	v7 =	vld [tilespmem:$0x99A0]  }
0x162: {  	[tilespmem:$0x9570] =	vst v4;
	v4 =	vadd.f32 v9, v8;
	v8 =	vld [tilespmem:$0x95B0]  }
0x163: {  	v9 =	vld [tilespmem:$0x99B0]  }
0x164: {  	[tilespmem:$0x9580] =	vst v4;
	v4 =	vadd.f32 v10, v5;
	v5 =	vld [tilespmem:$0x95C0]  }
0x165: {  	v10 =	vld [tilespmem:$0x99C0]  }
0x166: {  	[tilespmem:$0x9590] =	vst v4;
	v4 =	vadd.f32 v7, v6;
	v6 =	vld [tilespmem:$0x95D0]  }
0x167: {  	v7 =	vld [tilespmem:$0x99D0]  }
0x168: {  	[tilespmem:$0x95A0] =	vst v4;
	v4 =	vadd.f32 v9, v8;
	v8 =	vld [tilespmem:$0x95E0]  }
0x169: {  	v9 =	vld [tilespmem:$0x99E0]  }
0x16a: {  	[tilespmem:$0x95B0] =	vst v4;
	v4 =	vadd.f32 v10, v5;
	v5 =	vld [tilespmem:$0x95F0]  }
0x16b: {  	v10 =	vld [tilespmem:$0x99F0]  }
0x16c: {  	[tilespmem:$0x95C0] =	vst v4;
	v4 =	vadd.f32 v7, v6;
	v6 =	vld [tilespmem:$0x9600]  }
0x16d: {  	v7 =	vld [tilespmem:$0x9A00]  }
0x16e: {  	[tilespmem:$0x95D0] =	vst v4;
	v4 =	vadd.f32 v9, v8;
	v8 =	vld [tilespmem:$0x9610]  }
0x16f: {  	v9 =	vld [tilespmem:$0x9A10]  }
0x170: {  	[tilespmem:$0x95E0] =	vst v4;
	v4 =	vadd.f32 v10, v5;
	v5 =	vld [tilespmem:$0x9620]  }
0x171: {  	v10 =	vld [tilespmem:$0x9A20]  }
0x172: {  	[tilespmem:$0x95F0] =	vst v4;
	v4 =	vadd.f32 v7, v6;
	v6 =	vld [tilespmem:$0x9630]  }
0x173: {  	v7 =	vld [tilespmem:$0x9A30]  }
0x174: {  	[tilespmem:$0x9600] =	vst v4;
	v4 =	vadd.f32 v9, v8;
	v8 =	vld [tilespmem:$0x9640]  }
0x175: {  	v9 =	vld [tilespmem:$0x9A40]  }
0x176: {  	[tilespmem:$0x9610] =	vst v4;
	v4 =	vadd.f32 v10, v5;
	v5 =	vld [tilespmem:$0x9650]  }
0x177: {  	v10 =	vld [tilespmem:$0x9A50]  }
0x178: {  	[tilespmem:$0x9620] =	vst v4;
	v4 =	vadd.f32 v7, v6;
	v6 =	vld [tilespmem:$0x9660]  }
0x179: {  	v7 =	vld [tilespmem:$0x9A60]  }
0x17a: {  	[tilespmem:$0x9630] =	vst v4;
	v4 =	vadd.f32 v9, v8;
	v8 =	vld [tilespmem:$0x9670]  }
0x17b: {  	v9 =	vld [tilespmem:$0x9A70]  }
0x17c: {  	[tilespmem:$0x9640] =	vst v4;
	v4 =	vadd.f32 v10, v5;
	v5 =	vld [tilespmem:$0x9680]  }
0x17d: {  	v10 =	vld [tilespmem:$0x9A80]  }
0x17e: {  	[tilespmem:$0x9650] =	vst v4;
	v4 =	vadd.f32 v7, v6;
	v6 =	vld [tilespmem:$0x9690]  }
0x17f: {  	v7 =	vld [tilespmem:$0x9A90]  }
0x180: {  	[tilespmem:$0x9660] =	vst v4;
	v4 =	vadd.f32 v9, v8;
	v8 =	vld [tilespmem:$0x96A0]  }
0x181: {  	v9 =	vld [tilespmem:$0x9AA0]  }
0x182: {  	[tilespmem:$0x9670] =	vst v4;
	v4 =	vadd.f32 v10, v5;
	v5 =	vld [tilespmem:$0x96B0]  }
0x183: {  	v10 =	vld [tilespmem:$0x9400]  }
0x184: {  	[tilespmem:$0x9680] =	vst v4;
	v4 =	vadd.f32 v7, v6;
	v6 =	vld [tilespmem:$0x96C0]  }
0x185: {  	v7 =	vld [tilespmem:$0x9AC0]  }
0x186: {  	[tilespmem:$0x9690] =	vst v4;
	v4 =	vadd.f32 v9, v8;
	v8 =	vld [tilespmem:$0x96D0]  }
0x187: {  	v3 =	vadd.f32 v3, v5;
	v5 =	vld [tilespmem:$0x9AD0]  }
0x188: {  	v2 =	vadd.f32 v2, v10;
	[tilespmem:$0x96A0] =	vst v4;
	v4 =	vld [tilespmem:$0x96E0]  }
0x189: {  	[tilespmem:$0x96B0] =	vst v3;
	v3 =	vld [tilespmem:$0x9AE0]  }
0x18a: {  	[tilespmem:$0x9400] =	vst v2;
	v2 =	vadd.f32 v7, v6;
	v6 =	vld [tilespmem:$0x96F0]  }
0x18b: {  	v7 =	vld [tilespmem:$0x9AF0]  }
0x18c: {  	[tilespmem:$0x96C0] =	vst v2;
	v2 =	vadd.f32 v5, v8;
	v5 =	vld [tilespmem:$0x9700]  }
0x18d: {  	v8 =	vld [tilespmem:$0x9B00]  }
0x18e: {  	[tilespmem:$0x96D0] =	vst v2;
	v2 =	vadd.f32 v3, v4;
	v3 =	vld [tilespmem:$0x9710]  }
0x18f: {  	v4 =	vld [tilespmem:$0x9B10]  }
0x190: {  	[tilespmem:$0x96E0] =	vst v2;
	v2 =	vadd.f32 v7, v6;
	v6 =	vld [tilespmem:$0x9720]  }
0x191: {  	v7 =	vld [tilespmem:$0x9B20]  }
0x192: {  	[tilespmem:$0x96F0] =	vst v2;
	v2 =	vadd.f32 v8, v5;
	v5 =	vld [tilespmem:$0x9730]  }
0x193: {  	v8 =	vld [tilespmem:$0x9B30]  }
0x194: {  	[tilespmem:$0x9700] =	vst v2;
	v2 =	vadd.f32 v4, v3;
	v3 =	vld [tilespmem:$0x9740]  }
0x195: {  	v4 =	vld [tilespmem:$0x9B40]  }
0x196: {  	[tilespmem:$0x9710] =	vst v2;
	v2 =	vadd.f32 v7, v6;
	v6 =	vld [tilespmem:$0x9750]  }
0x197: {  	v7 =	vld [tilespmem:$0x9B50]  }
0x198: {  	[tilespmem:$0x9720] =	vst v2;
	v2 =	vadd.f32 v8, v5;
	v5 =	vld [tilespmem:$0x9760]  }
0x199: {  	v8 =	vld [tilespmem:$0x9B60]  }
0x19a: {  	[tilespmem:$0x9730] =	vst v2;
	v2 =	vadd.f32 v4, v3;
	v3 =	vld [tilespmem:$0x9770]  }
0x19b: {  	v4 =	vld [tilespmem:$0x9B70]  }
0x19c: {  	[tilespmem:$0x9740] =	vst v2;
	v2 =	vadd.f32 v7, v6;
	v6 =	vld [tilespmem:$0x9780]  }
0x19d: {  	v7 =	vld [tilespmem:$0x9B80]  }
0x19e: {  	[tilespmem:$0x9750] =	vst v2;
	v2 =	vadd.f32 v8, v5;
	v5 =	vld [tilespmem:$0x9790]  }
0x19f: {  	v8 =	vld [tilespmem:$0x9B90]  }
0x1a0: {  	[tilespmem:$0x9760] =	vst v2;
	v2 =	vadd.f32 v4, v3;
	v3 =	vld [tilespmem:$0x97A0]  }
0x1a1: {  	v4 =	vld [tilespmem:$0x9BA0]  }
0x1a2: {  	[tilespmem:$0x9770] =	vst v2;
	v2 =	vadd.f32 v7, v6;
	v6 =	vld [tilespmem:$0x97B0]  }
0x1a3: {  	v7 =	vld [tilespmem:$0x9BB0]  }
0x1a4: {  	[tilespmem:$0x9780] =	vst v2;
	v2 =	vadd.f32 v8, v5;
	v5 =	vld [tilespmem:$0x97C0]  }
0x1a5: {  	v8 =	vld [tilespmem:$0x9BC0]  }
0x1a6: {  	[tilespmem:$0x9790] =	vst v2;
	v2 =	vadd.f32 v4, v3;
	v3 =	vld [tilespmem:$0x97D0]  }
0x1a7: {  	v4 =	vld [tilespmem:$0x9BD0]  }
0x1a8: {  	[tilespmem:$0x97A0] =	vst v2;
	v2 =	vadd.f32 v7, v6;
	v6 =	vld [tilespmem:$0x97E0]  }
0x1a9: {  	v7 =	vld [tilespmem:$0x9BE0]  }
0x1aa: {  	[tilespmem:$0x97B0] =	vst v2;
	v2 =	vadd.f32 v8, v5;
	v5 =	vld [tilespmem:$0x97F0]  }
0x1ab: {  	v8 =	vld [tilespmem:$0x9BF0]  }
.Ltmp3:
0x1ac: {  	[tilespmem:$0x97C0] =	vst v2;
	v2 =	vadd.f32 v4, v3;
	(pc) =	sbr.rel @p0 .LBB2_8-.Ltmp3, $3  }
0x1ad: {  	_ = 	snop  }
0x1ae: {  	[tilespmem:$0x97D0] =	vst v2;
	v2 =	vadd.f32 v7, v6;
	_ =	sdelay $0x1  }
0x1af: {  	[tilespmem:$0x97E0] =	vst v2;
	v2 =	vadd.f32 v8, v5  }
0x1b0: {  	s14 =	sadd.s32 $0x1, s14  }
0x1b1: {  	p0 =	sne.s32 s14, s6  }
.Ltmp4:
0x1b2: {  	[tilespmem:$0x97F0] =	vst v2;
	(pc) =	sbr.rel @p0 .LBB2_1-.Ltmp4, $4  }
0x1b3: {  	[hbm4b:s5+s2] =	stream.linear.scatter [tilespmem:s13], [sflag:$0x1], $0x400, $0x38;
	[tilespmem:$0x9C00] =	vst v63  }
0x1b4: {  	_ =	swait.ge [sflag:s10], $0x400  }
0x1b5: {  	[sflag:s10] =	ssyncset.done $0x0  }
0x1b6: {  	[sflag:s10] =	ssyncadd.s32 $0xFFFFFC00  }
0x1b7: {  	_ =	sfence.sel $0x180000  }
0x1b8: {  	[bflag:$0x0] =	sbarrier.arrive $0xFFFF  }
0x1b9: {  	p0 =	sne.s32 s0, $0x0;
	_ =	strace $0x90000047  }
0x1ba: {  	s0 =	sadd.s32 @!p0 $0x100000, s1;
	[bflag:$0x2] =	sbarrier.arrive $0xFFFF  }
0x1bb: {  	[sflag:s0] =	ssyncadd.tile.s32 @!p0 $0x1;
	_ =	shalt  }
.Lfunc_end2:
_tile_overlayer_lowered:
.L_overlay_start_2:
0x1bc: {  	(tag) =	ssettag $0x2  }
0x1bd: {  	s0 =	rddreg [dreg:$0x0];
	s2 =	stileid.u32  }
0x1be: {  	s1 =	rddreg [dreg:$0x1];
	p0 =	sne.s32 s2, $0x0  }
0x1bf: {  	s3 =	rddreg [dreg:$0x2];
	[bflag:$0x3] =	sbarrier.arrive $0xFFFF;
	s2 =	simm.s32 @!p0 $0x1C01  }
0x1c0: {  	[timem:s3], [sflag:s2] =	dma.local @!p0 [hbm:s0], s1  }
0x1c1: {  	s0 =	simm.s32 @!p0 $0x1  }
0x1c2: {  	_ =	swait.ge @!p0 [sflag:s0], s1  }
0x1c3: {  	s1 =	ssub.s32 @!p0 $0x0, s1;
	[sflag:s0] =	ssyncset.done @!p0 $0x0  }
0x1c4: {  	[sflag:s0] =	ssyncadd.s32 @!p0 s1  }
0x1c5: {  	[bflag:$0x3] =	sbarrier.arrive $0xFFFF  }
0x1c6: {  	_ =	shalt  }

</sc_bundles>
